<compile_context>
chip_gen: v7x
topology: tpu7x:2x2x1
jax: 0.10.2.dev20260603
libtpu: 0.0.44.dev20260713+nightly
codegen_flags: <defaults>
</compile_context>

<pallas_src>
import functools

import jax
import jax.numpy as jnp
from jax import lax
from jax.experimental import pallas as pl
from jax.experimental.pallas import tpu as pltpu
from jax.experimental.pallas import tpu_sc as plsc

_LANES = 16
_GROUP = 8
_WPG = 4
_SPAN = 24960
_WIDTHS = (6144, 6144, 6144, 6528)
_PREFIX = (0, 6144, 12288, 18432)
_BUF_W = max(_WIDTHS)
_TAIL = 160
_TAIL_OFF = _WPG * _SPAN


def _lex_merge(bm, bi, vm, vi):
    take = (vm > bm) | ((vm == bm) & (vi < bi))
    return jnp.where(take, vm, bm), jnp.where(take, vi, bi)


def _make_argmax_kernel(S, N, n_workers):
    n_groups = S // _GROUP
    mesh = plsc.VectorSubcoreMesh(core_axis_name="c", subcore_axis_name="s")

    @functools.partial(
        pl.kernel,
        out_type=jax.ShapeDtypeStruct((S * _LANES // 2,), jnp.int32),
        mesh=mesh,
        scratch_types=[
            pltpu.VMEM((_GROUP, _BUF_W), jnp.float32),
            pltpu.VMEM((_GROUP, _BUF_W), jnp.float32),
            pltpu.VMEM((_GROUP * _LANES,), jnp.float32),
            pltpu.VMEM((_GROUP * _LANES,), jnp.int32),
            pltpu.VMEM((_WPG * _GROUP * _LANES,), jnp.float32),
            pltpu.VMEM((_WPG * _GROUP * _LANES,), jnp.int32),
            pltpu.VMEM((_LANES,), jnp.int32),
            pltpu.VMEM_SHARED((16 * _GROUP * _LANES,), jnp.float32),
            pltpu.VMEM_SHARED((16 * _GROUP * _LANES,), jnp.int32),
            pltpu.SemaphoreType.DMA,
            pltpu.SemaphoreType.DMA,
        ],
    )
    def scan_argmax(
        obj_hbm,
        tail_hbm,
        idcs_hbm,
        buf0,
        buf1,
        mst,
        ist,
        gbufm,
        gbufi,
        obuf,
        stage_m,
        stage_i,
        sem0,
        sem1,
    ):
        cid = lax.axis_index("c")
        sid = lax.axis_index("s")
        gsc = sid // _WPG
        q = sid % _WPG
        row8 = pl.multiple_of((cid * (n_groups // 2) + gsc) * _GROUP, 8)
        start = q * _SPAN
        bufs = (buf0, buf1)
        sems = (sem0, sem1)
        iota = lax.iota(jnp.int32, _LANES)
        neg_inf = jnp.full((_LANES,), -jnp.inf, jnp.float32)
        zeros_i = jnp.zeros((_LANES,), jnp.int32)

        def start_chunk(c):
            off = pl.multiple_of(start + _PREFIX[c], 128)
            w = _WIDTHS[c]
            return pltpu.async_copy(
                obj_hbm.at[pl.ds(row8, _GROUP), pl.ds(off, w)],
                bufs[c % 2].at[:, pl.ds(0, w)],
                sems[c % 2],
            )

        def scan_chunk(buf, width, col_base, gms, gidxs):
            def body(i, carry):
                ms, ss = carry
                st = jnp.full((_LANES,), i, jnp.int32)
                nm = []
                ns = []
                for k in range(_GROUP):
                    v = buf[k, pl.ds(i * _LANES, _LANES)]
                    p = v > ms[k]
                    nm.append(jnp.where(p, v, ms[k]))
                    ns.append(jnp.where(p, st, ss[k]))
                return tuple(nm), tuple(ns)

            init = ((neg_inf,) * _GROUP, (zeros_i,) * _GROUP)
            ms, ss = plsc.parallel_loop(0, width // _LANES, carry=init, unroll=4)(
                body
            )
            out_m = []
            out_i = []
            for k in range(_GROUP):
                idx = ss[k] * _LANES + iota + col_base
                m2, i2 = _lex_merge(gms[k], gidxs[k], ms[k], idx)
                out_m.append(m2)
                out_i.append(i2)
            return out_m, out_i

        gms = [neg_inf] * _GROUP
        gidxs = [zeros_i] * _GROUP
        descs = [None] * len(_WIDTHS)
        descs[0] = start_chunk(0)
        for c in range(len(_WIDTHS)):
            if c + 1 < len(_WIDTHS):
                descs[c + 1] = start_chunk(c + 1)
            descs[c].wait()
            gms, gidxs = scan_chunk(
                bufs[c % 2], _WIDTHS[c], start + _PREFIX[c], gms, gidxs
            )

        pltpu.sync_copy(
            tail_hbm.at[pl.ds(row8, _GROUP)], buf0.at[:, pl.ds(0, 256)]
        )
        gms, gidxs = scan_chunk(buf0, _TAIL, _TAIL_OFF, gms, gidxs)

        for k in range(_GROUP):
            mst[pl.ds(k * _LANES, _LANES)] = gms[k]
            ist[pl.ds(k * _LANES, _LANES)] = gidxs[k]
        sz = _GROUP * _LANES
        dst0 = pl.multiple_of(sid * sz, 8)
        pltpu.sync_copy(mst, stage_m.at[pl.ds(dst0, sz)])
        pltpu.sync_copy(ist, stage_i.at[pl.ds(dst0, sz)])
        plsc.subcore_barrier()

        gsz = _WPG * sz
        src0 = pl.multiple_of(gsc * gsz, 8)
        pltpu.sync_copy(stage_m.at[pl.ds(src0, gsz)], gbufm)
        pltpu.sync_copy(stage_i.at[pl.ds(src0, gsz)], gbufi)

        bests = []
        for r in range(2):
            k = q * 2 + r
            koff = k * _LANES
            bm = gbufm[pl.ds(koff, _LANES)]
            bi = gbufi[pl.ds(koff, _LANES)]
            for j in range(1, _WPG):
                vm = gbufm[pl.ds(j * sz + koff, _LANES)]
                vi = gbufi[pl.ds(j * sz + koff, _LANES)]
                bm, bi = _lex_merge(bm, bi, vm, vi)
            best_v = bm[0]
            best = bi[0]
            for j in range(1, _LANES):
                v = bm[j]
                ij = bi[j]
                take = (v > best_v) | ((v == best_v) & (ij < best))
                best_v = jnp.where(take, v, best_v)
                best = jnp.where(take, ij, best)
            bests.append(best)
        vout = jnp.where(iota == 0, bests[0], jnp.where(iota == 1, bests[1], 0))
        obuf[...] = vout
        slot = (row8 + q * 2) // 2
        dst = pl.multiple_of(slot * _LANES, 8)
        pltpu.sync_copy(obuf, idcs_hbm.at[pl.ds(dst, _LANES)])

    return scan_argmax


def _make_gather_kernel(S, N, d, n_workers):
    rows_per_w = S // n_workers
    mesh = plsc.VectorSubcoreMesh(core_axis_name="c", subcore_axis_name="s")

    @functools.partial(
        pl.kernel,
        out_type=jax.ShapeDtypeStruct((S * d,), jnp.float32),
        mesh=mesh,
        compiler_params=pltpu.CompilerParams(needs_layout_passes=False),
        scratch_types=[
            pltpu.VMEM((S * _LANES // 2,), jnp.int32),
            pltpu.VMEM((d, 128), jnp.float32),
            pltpu.VMEM((d,), jnp.float32),
        ],
    )
    def gather_rows(xt_hbm, idcs_hbm, out_hbm, ibuf, xblk, row_v):
        cid = lax.axis_index("c")
        sid = lax.axis_index("s")
        wid = sid * 2 + cid
        iota = lax.iota(jnp.int32, _LANES)

        pltpu.sync_copy(idcs_hbm, ibuf)
        lane0 = ibuf[pl.ds(wid * _LANES, _LANES)]
        for r in range(rows_per_w):
            best = lane0[r]
            base = pl.multiple_of((best // 128) * 128, 128)
            col = best - base
            pltpu.sync_copy(xt_hbm.at[pl.ds(0, d), pl.ds(base, 128)], xblk)
            colv = jnp.zeros((_LANES,), jnp.int32) + col
            for k in range(d // _LANES):
                vals = plsc.load_gather(xblk, [iota + k * _LANES, colv])
                row_v[pl.ds(k * _LANES, _LANES)] = vals
            row = wid * rows_per_w + r
            pltpu.sync_copy(
                row_v, out_hbm.at[pl.ds(pl.multiple_of(row * d, 8), d)]
            )

    return gather_rows


def kernel(X, samples, num_samples):
    S, N, _ = samples.shape
    d = X.shape[1]
    info = plsc.get_sparse_core_info()
    n_workers = info.num_cores * info.num_subcores
    obj = jnp.squeeze(samples, axis=-1)
    xt = jnp.transpose(X)
    tail = jnp.pad(
        lax.slice(obj, (0, _TAIL_OFF), (S, N)), ((0, 0), (0, 256 - _TAIL))
    )
    idcs = _make_argmax_kernel(S, N, n_workers)(obj, tail)
    out = _make_gather_kernel(S, N, d, n_workers)(xt, idcs)
    return out.reshape(S, d)

# --- scband reference (transcript-rebuilt; emitter-appended) ---
"""Pipeline reference for scband-max-posterior-sampling-84731114815883 (READ-ONLY COPY).

The authoritative reference and input builder live on the scoring server;
editing this copy changes nothing except your own understanding.
"""

import jax, jax.numpy as jnp
import numpy as np


def setup_inputs(seed: int = 0) -> dict:
    key = jax.random.key(seed)
    k1, k2 = jax.random.split(key)
    # X: batch-free `N x d` candidate set (N=100000 candidates, d=64 features)
    X = jax.random.normal(k1, (100000, 64), dtype=jnp.float32)
    # samples: `num_samples x N x 1` posterior draws (pre-drawn, since the GP
    # model's rsample is external to the SparseCore-relevant computation)
    samples = jax.random.normal(k2, (64, 100000, 1), dtype=jnp.float32)
    return {"X": X, "samples": samples, "num_samples": 64}


def reference(X, samples, num_samples):
    # IdentityMCObjective: squeeze the trailing output dim -> obj: [num_samples, N]
    obj = jnp.squeeze(samples, axis=-1)
    # replacement=True branch: argmax over the N candidate dimension
    idcs = jnp.argmax(obj, axis=-1)  # [num_samples]
    # torch.gather(Xe, -2, idcs.unsqueeze(-1).expand(..., d)) with Xe = X
    # expanded over sample dims is equivalent to row-gather from X.
    out = jnp.take(X, idcs, axis=0)  # [num_samples, d]
    return out

if __name__ == "__main__":
    import jax
    _d = setup_inputs()
    print(jax.jit(kernel)(*tuple(_d.values())))

</pallas_src>

<mosaic_0001>
#map = affine_map<(d0, d1) -> (0, 0)>
#map1 = affine_map<(d0, d1) -> (0)>
module attributes {stable_mosaic.version = 14 : i64} {
  func.func @scan_argmax(%arg0: i32, %arg1: i32, %arg2: memref<64x100000xf32, #tpu.memory_space<hbm>>, %arg3: memref<64x256xf32, #tpu.memory_space<hbm>>, %arg4: memref<512xi32, #tpu.memory_space<hbm>>, %arg5: memref<8x6528xf32, #tpu.memory_space<vmem>>, %arg6: memref<8x6528xf32, #tpu.memory_space<vmem>>, %arg7: memref<128xf32, #tpu.memory_space<vmem>>, %arg8: memref<128xi32, #tpu.memory_space<vmem>>, %arg9: memref<512xf32, #tpu.memory_space<vmem>>, %arg10: memref<512xi32, #tpu.memory_space<vmem>>, %arg11: memref<16xi32, #tpu.memory_space<vmem>>, %arg12: memref<2048xf32, #tpu.memory_space<vmem_shared>>, %arg13: memref<2048xi32, #tpu.memory_space<vmem_shared>>, %arg14: memref<!tpu.dma_semaphore, #tpu.memory_space<semaphore_mem>>, %arg15: memref<!tpu.dma_semaphore, #tpu.memory_space<semaphore_mem>>) attributes {dimension_semantics = [#tpu.dimension_semantics<core_parallel>, #tpu.dimension_semantics<subcore_parallel>], iteration_bounds = array<i64: 2, 16>, scalar_prefetch = 0 : i64, scratch_operands = 11 : i64, tpu.core_type = #tpu.core_type<sc_vector_subcore>, window_params = [{transform_indices = #map}, {transform_indices = #map}, {transform_indices = #map1}]} {
    %jit3A = arith.constant 4 : i32
    %div3A = arith.divsi %arg1, %jit3A : i32
    %sign3A = arith.constant 0 : i32
    %sign3A_0 = arith.cmpi sgt, %arg1, %sign3A : i32
    %sign3A_1 = arith.extui %sign3A_0 : i1 to i32
    %sign3A_2 = arith.constant 0 : i32
    %sign3A_3 = arith.cmpi slt, %arg1, %sign3A_2 : i32
    %sign3A_4 = arith.extui %sign3A_3 : i1 to i32
    %sign3A_5 = arith.subi %sign3A_1, %sign3A_4 : i32
    %sign3A_6 = arith.constant 0 : i32
    %sign3A_7 = arith.cmpi sgt, %jit3A, %sign3A_6 : i32
    %sign3A_8 = arith.extui %sign3A_7 : i1 to i32
    %sign3A_9 = arith.constant 0 : i32
    %sign3A_10 = arith.cmpi slt, %jit3A, %sign3A_9 : i32
    %sign3A_11 = arith.extui %sign3A_10 : i1 to i32
    %sign3A_12 = arith.subi %sign3A_8, %sign3A_11 : i32
    %ne3A = arith.cmpi ne, %sign3A_5, %sign3A_12 : i32
    %rem3A = arith.remsi %arg1, %jit3A : i32
    %ne3A_13 = arith.constant 0 : i32
    %ne3A_14 = arith.cmpi ne, %rem3A, %ne3A_13 : i32
    %and3A = arith.andi %ne3A, %ne3A_14 : i1
    %sub3A = arith.constant 1 : i32
    %sub3A_15 = arith.subi %div3A, %sub3A : i32
    %select_n3A = arith.select %and3A, %sub3A_15, %div3A : i32
    %jit3A_16 = arith.constant 4 : i32
    %eq3A = arith.constant 0 : i32
    %eq3A_17 = arith.cmpi eq, %jit3A_16, %eq3A : i32
    %jit3A_18 = arith.constant 1 : i32
    %select_n3A_19 = arith.select %eq3A_17, %jit3A_18, %jit3A_16 : i32
    %rem3A_20 = arith.remsi %arg1, %select_n3A_19 : i32
    %ne3A_21 = arith.constant 0 : i32
    %ne3A_22 = arith.cmpi ne, %rem3A_20, %ne3A_21 : i32
    %lt3A = arith.constant 0 : i32
    %lt3A_23 = arith.cmpi slt, %rem3A_20, %lt3A : i32
    %lt3A_24 = arith.constant 0 : i32
    %lt3A_25 = arith.cmpi slt, %select_n3A_19, %lt3A_24 : i32
    %ne3A_26 = arith.xori %lt3A_23, %lt3A_25 : i1
    %and3A_27 = arith.andi %ne3A_26, %ne3A_22 : i1
    %add3A = arith.addi %rem3A_20, %select_n3A_19 : i32
    %select_n3A_28 = arith.select %and3A_27, %add3A, %rem3A_20 : i32
    %mul3A = arith.constant 4 : i32
    %mul3A_29 = arith.muli %arg0, %mul3A : i32
    %add3A_30 = arith.addi %mul3A_29, %select_n3A : i32
    %mul3A_31 = arith.constant 8 : i32
    %mul3A_32 = arith.muli %add3A_30, %mul3A_31 : i32
    %multiple_of3A = tpu.assume_multiple %mul3A_32, 8 : i32
    %mul3A_33 = arith.constant 24960 : i32
    %mul3A_34 = arith.muli %select_n3A_28, %mul3A_33 : i32
    %iota3A = tpu.iota {dimensions = array<i32: 0>} : vector<16xi32>
    %broadcast_in_dim3A = arith.constant 0xFF800000 : f32
    %broadcast_in_dim3A_35 = vector.broadcast %broadcast_in_dim3A : f32 to vector<16xf32>
    %broadcast_in_dim3A_36 = arith.constant 0 : i32
    %broadcast_in_dim3A_37 = vector.broadcast %broadcast_in_dim3A_36 : i32 to vector<16xi32>
    %add3A_38 = arith.constant 0 : i32
    %add3A_39 = arith.addi %mul3A_34, %add3A_38 : i32
    %multiple_of3A_40 = tpu.assume_multiple %add3A_39, 128 : i32
    %dma_start3A = arith.constant 0 : i32
    %dma_start3A_41 = arith.constant 0 : i32
    %dma_start3A_42 = tpu.memref_slice %arg5[%dma_start3A, %dma_start3A_41] : memref<8x6528xf32, #tpu.memory_space<vmem>> -> memref<8x6144xf32, #tpu.memory_space<vmem>>
    %dma_start3A_43 = tpu.memref_slice %arg2[%multiple_of3A, %multiple_of3A_40] : memref<64x100000xf32, #tpu.memory_space<hbm>> -> memref<8x6144xf32, #tpu.memory_space<hbm>>
    %dma_start3A_44 = arith.constant 0 : i32
    %dma_start3A_45 = arith.constant 0 : i32
    %dma_start3A_46 = tpu.memref_slice %arg5[%dma_start3A_44, %dma_start3A_45] : memref<8x6528xf32, #tpu.memory_space<vmem>> -> memref<8x6144xf32, #tpu.memory_space<vmem>>
    %dma_start3A_47 = tpu.memref_slice %arg2[%multiple_of3A, %multiple_of3A_40] : memref<64x100000xf32, #tpu.memory_space<hbm>> -> memref<8x6144xf32, #tpu.memory_space<hbm>>
    tpu.enqueue_dma source(%dma_start3A_47 : memref<8x6144xf32, #tpu.memory_space<hbm>>) target(%dma_start3A_46 : memref<8x6144xf32, #tpu.memory_space<vmem>>) target_semaphore(%arg14 : memref<!tpu.dma_semaphore, #tpu.memory_space<semaphore_mem>>)
    %add3A_48 = arith.constant 6144 : i32
    %add3A_49 = arith.addi %mul3A_34, %add3A_48 : i32
    %multiple_of3A_50 = tpu.assume_multiple %add3A_49, 128 : i32
    %dma_start3A_51 = arith.constant 0 : i32
    %dma_start3A_52 = arith.constant 0 : i32
    %dma_start3A_53 = tpu.memref_slice %arg6[%dma_start3A_51, %dma_start3A_52] : memref<8x6528xf32, #tpu.memory_space<vmem>> -> memref<8x6144xf32, #tpu.memory_space<vmem>>
    %dma_start3A_54 = tpu.memref_slice %arg2[%multiple_of3A, %multiple_of3A_50] : memref<64x100000xf32, #tpu.memory_space<hbm>> -> memref<8x6144xf32, #tpu.memory_space<hbm>>
    %dma_start3A_55 = arith.constant 0 : i32
    %dma_start3A_56 = arith.constant 0 : i32
    %dma_start3A_57 = tpu.memref_slice %arg6[%dma_start3A_55, %dma_start3A_56] : memref<8x6528xf32, #tpu.memory_space<vmem>> -> memref<8x6144xf32, #tpu.memory_space<vmem>>
    %dma_start3A_58 = tpu.memref_slice %arg2[%multiple_of3A, %multiple_of3A_50] : memref<64x100000xf32, #tpu.memory_space<hbm>> -> memref<8x6144xf32, #tpu.memory_space<hbm>>
    tpu.enqueue_dma source(%dma_start3A_58 : memref<8x6144xf32, #tpu.memory_space<hbm>>) target(%dma_start3A_57 : memref<8x6144xf32, #tpu.memory_space<vmem>>) target_semaphore(%arg15 : memref<!tpu.dma_semaphore, #tpu.memory_space<semaphore_mem>>)
    %dma_wait3A = arith.constant 0 : i32
    %dma_wait3A_59 = arith.constant 0 : i32
    %dma_wait3A_60 = tpu.memref_slice %arg5[%dma_wait3A, %dma_wait3A_59] : memref<8x6528xf32, #tpu.memory_space<vmem>> -> memref<8x6144xf32, #tpu.memory_space<vmem>>
    %dma_wait3A_61 = tpu.memref_slice %arg2[%multiple_of3A, %multiple_of3A_40] : memref<64x100000xf32, #tpu.memory_space<hbm>> -> memref<8x6144xf32, #tpu.memory_space<hbm>>
    %dma_wait3A_62 = arith.constant 0 : i32
    %dma_wait3A_63 = arith.constant 0 : i32
    %dma_wait3A_64 = tpu.memref_slice %arg5[%dma_wait3A_62, %dma_wait3A_63] : memref<8x6528xf32, #tpu.memory_space<vmem>> -> memref<8x6144xf32, #tpu.memory_space<vmem>>
    %dma_wait3A_65 = tpu.memref_slice %arg2[%multiple_of3A, %multiple_of3A_40] : memref<64x100000xf32, #tpu.memory_space<hbm>> -> memref<8x6144xf32, #tpu.memory_space<hbm>>
    tpu.wait_dma2 semaphore(%arg14 : memref<!tpu.dma_semaphore, #tpu.memory_space<semaphore_mem>>) src(%dma_wait3A_65 : memref<8x6144xf32, #tpu.memory_space<hbm>>) dst(%dma_wait3A_64 : memref<8x6144xf32, #tpu.memory_space<vmem>>)
    %add3A_66 = arith.constant 0 : i32
    %add3A_67 = arith.addi %mul3A_34, %add3A_66 : i32
    %parallel_loop3A = arith.constant 0 : i32
    %parallel_loop3A_68 = arith.constant 384 : i32
    %parallel_loop3A_69 = arith.constant 1 : i32
    %parallel_loop3A_70:16 = scf.for %parallel_loop3A_1241 = %parallel_loop3A to %parallel_loop3A_68 step %parallel_loop3A_69 iter_args(%parallel_loop3A_1242 = %broadcast_in_dim3A_35, %parallel_loop3A_1243 = %broadcast_in_dim3A_35, %parallel_loop3A_1244 = %broadcast_in_dim3A_35, %parallel_loop3A_1245 = %broadcast_in_dim3A_35, %parallel_loop3A_1246 = %broadcast_in_dim3A_35, %parallel_loop3A_1247 = %broadcast_in_dim3A_35, %parallel_loop3A_1248 = %broadcast_in_dim3A_35, %parallel_loop3A_1249 = %broadcast_in_dim3A_35, %parallel_loop3A_1250 = %broadcast_in_dim3A_37, %parallel_loop3A_1251 = %broadcast_in_dim3A_37, %parallel_loop3A_1252 = %broadcast_in_dim3A_37, %parallel_loop3A_1253 = %broadcast_in_dim3A_37, %parallel_loop3A_1254 = %broadcast_in_dim3A_37, %parallel_loop3A_1255 = %broadcast_in_dim3A_37, %parallel_loop3A_1256 = %broadcast_in_dim3A_37, %parallel_loop3A_1257 = %broadcast_in_dim3A_37) -> (vector<16xf32>, vector<16xf32>, vector<16xf32>, vector<16xf32>, vector<16xf32>, vector<16xf32>, vector<16xf32>, vector<16xf32>, vector<16xi32>, vector<16xi32>, vector<16xi32>, vector<16xi32>, vector<16xi32>, vector<16xi32>, vector<16xi32>, vector<16xi32>)  : i32 {
      %parallel_loop3A_1258 = vector.broadcast %parallel_loop3A_1241 : i32 to vector<16xi32>
      %parallel_loop3A_1259 = arith.constant 16 : i32
      %parallel_loop3A_1260 = arith.muli %parallel_loop3A_1241, %parallel_loop3A_1259 : i32
      %parallel_loop3A_1261 = arith.constant 0 : i32
      %parallel_loop3A_1262 = arith.index_cast %parallel_loop3A_1261 : i32 to index
      %parallel_loop3A_1263 = arith.index_cast %parallel_loop3A_1260 : i32 to index
      %parallel_loop3A_1264 = tpu.vector_load %arg5[%parallel_loop3A_1262, %parallel_loop3A_1263] {strides = array<i32>} : memref<8x6528xf32, #tpu.memory_space<vmem>>, vector<1x16xf32>,
      %parallel_loop3A_1265 = vector.shape_cast %parallel_loop3A_1264 : vector<1x16xf32> to vector<16xf32>
      %parallel_loop3A_1266 = arith.cmpf ogt, %parallel_loop3A_1265, %parallel_loop3A_1242 : vector<16xf32>
      %parallel_loop3A_1267 = arith.select %parallel_loop3A_1266, %parallel_loop3A_1265, %parallel_loop3A_1242 : vector<16xi1>, vector<16xf32>
      %parallel_loop3A_1268 = arith.select %parallel_loop3A_1266, %parallel_loop3A_1258, %parallel_loop3A_1250 : vector<16xi1>, vector<16xi32>
      %parallel_loop3A_1269 = arith.constant 16 : i32
      %parallel_loop3A_1270 = arith.muli %parallel_loop3A_1241, %parallel_loop3A_1269 : i32
      %parallel_loop3A_1271 = arith.constant 1 : i32
      %parallel_loop3A_1272 = arith.index_cast %parallel_loop3A_1271 : i32 to index
      %parallel_loop3A_1273 = arith.index_cast %parallel_loop3A_1270 : i32 to index
      %parallel_loop3A_1274 = tpu.vector_load %arg5[%parallel_loop3A_1272, %parallel_loop3A_1273] {strides = array<i32>} : memref<8x6528xf32, #tpu.memory_space<vmem>>, vector<1x16xf32>,
      %parallel_loop3A_1275 = vector.shape_cast %parallel_loop3A_1274 : vector<1x16xf32> to vector<16xf32>
      %parallel_loop3A_1276 = arith.cmpf ogt, %parallel_loop3A_1275, %parallel_loop3A_1243 : vector<16xf32>
      %parallel_loop3A_1277 = arith.select %parallel_loop3A_1276, %parallel_loop3A_1275, %parallel_loop3A_1243 : vector<16xi1>, vector<16xf32>
      %parallel_loop3A_1278 = arith.select %parallel_loop3A_1276, %parallel_loop3A_1258, %parallel_loop3A_1251 : vector<16xi1>, vector<16xi32>
      %parallel_loop3A_1279 = arith.constant 16 : i32
      %parallel_loop3A_1280 = arith.muli %parallel_loop3A_1241, %parallel_loop3A_1279 : i32
      %parallel_loop3A_1281 = arith.constant 2 : i32
      %parallel_loop3A_1282 = arith.index_cast %parallel_loop3A_1281 : i32 to index
      %parallel_loop3A_1283 = arith.index_cast %parallel_loop3A_1280 : i32 to index
      %parallel_loop3A_1284 = tpu.vector_load %arg5[%parallel_loop3A_1282, %parallel_loop3A_1283] {strides = array<i32>} : memref<8x6528xf32, #tpu.memory_space<vmem>>, vector<1x16xf32>,
      %parallel_loop3A_1285 = vector.shape_cast %parallel_loop3A_1284 : vector<1x16xf32> to vector<16xf32>
      %parallel_loop3A_1286 = arith.cmpf ogt, %parallel_loop3A_1285, %parallel_loop3A_1244 : vector<16xf32>
      %parallel_loop3A_1287 = arith.select %parallel_loop3A_1286, %parallel_loop3A_1285, %parallel_loop3A_1244 : vector<16xi1>, vector<16xf32>
      %parallel_loop3A_1288 = arith.select %parallel_loop3A_1286, %parallel_loop3A_1258, %parallel_loop3A_1252 : vector<16xi1>, vector<16xi32>
      %parallel_loop3A_1289 = arith.constant 16 : i32
      %parallel_loop3A_1290 = arith.muli %parallel_loop3A_1241, %parallel_loop3A_1289 : i32
      %parallel_loop3A_1291 = arith.constant 3 : i32
      %parallel_loop3A_1292 = arith.index_cast %parallel_loop3A_1291 : i32 to index
      %parallel_loop3A_1293 = arith.index_cast %parallel_loop3A_1290 : i32 to index
      %parallel_loop3A_1294 = tpu.vector_load %arg5[%parallel_loop3A_1292, %parallel_loop3A_1293] {strides = array<i32>} : memref<8x6528xf32, #tpu.memory_space<vmem>>, vector<1x16xf32>,
      %parallel_loop3A_1295 = vector.shape_cast %parallel_loop3A_1294 : vector<1x16xf32> to vector<16xf32>
      %parallel_loop3A_1296 = arith.cmpf ogt, %parallel_loop3A_1295, %parallel_loop3A_1245 : vector<16xf32>
      %parallel_loop3A_1297 = arith.select %parallel_loop3A_1296, %parallel_loop3A_1295, %parallel_loop3A_1245 : vector<16xi1>, vector<16xf32>
      %parallel_loop3A_1298 = arith.select %parallel_loop3A_1296, %parallel_loop3A_1258, %parallel_loop3A_1253 : vector<16xi1>, vector<16xi32>
      %parallel_loop3A_1299 = arith.constant 16 : i32
      %parallel_loop3A_1300 = arith.muli %parallel_loop3A_1241, %parallel_loop3A_1299 : i32
      %parallel_loop3A_1301 = arith.constant 4 : i32
      %parallel_loop3A_1302 = arith.index_cast %parallel_loop3A_1301 : i32 to index
      %parallel_loop3A_1303 = arith.index_cast %parallel_loop3A_1300 : i32 to index
      %parallel_loop3A_1304 = tpu.vector_load %arg5[%parallel_loop3A_1302, %parallel_loop3A_1303] {strides = array<i32>} : memref<8x6528xf32, #tpu.memory_space<vmem>>, vector<1x16xf32>,
      %parallel_loop3A_1305 = vector.shape_cast %parallel_loop3A_1304 : vector<1x16xf32> to vector<16xf32>
      %parallel_loop3A_1306 = arith.cmpf ogt, %parallel_loop3A_1305, %parallel_loop3A_1246 : vector<16xf32>
      %parallel_loop3A_1307 = arith.select %parallel_loop3A_1306, %parallel_loop3A_1305, %parallel_loop3A_1246 : vector<16xi1>, vector<16xf32>
      %parallel_loop3A_1308 = arith.select %parallel_loop3A_1306, %parallel_loop3A_1258, %parallel_loop3A_1254 : vector<16xi1>, vector<16xi32>
      %parallel_loop3A_1309 = arith.constant 16 : i32
      %parallel_loop3A_1310 = arith.muli %parallel_loop3A_1241, %parallel_loop3A_1309 : i32
      %parallel_loop3A_1311 = arith.constant 5 : i32
      %parallel_loop3A_1312 = arith.index_cast %parallel_loop3A_1311 : i32 to index
      %parallel_loop3A_1313 = arith.index_cast %parallel_loop3A_1310 : i32 to index
      %parallel_loop3A_1314 = tpu.vector_load %arg5[%parallel_loop3A_1312, %parallel_loop3A_1313] {strides = array<i32>} : memref<8x6528xf32, #tpu.memory_space<vmem>>, vector<1x16xf32>,
      %parallel_loop3A_1315 = vector.shape_cast %parallel_loop3A_1314 : vector<1x16xf32> to vector<16xf32>
      %parallel_loop3A_1316 = arith.cmpf ogt, %parallel_loop3A_1315, %parallel_loop3A_1247 : vector<16xf32>
      %parallel_loop3A_1317 = arith.select %parallel_loop3A_1316, %parallel_loop3A_1315, %parallel_loop3A_1247 : vector<16xi1>, vector<16xf32>
      %parallel_loop3A_1318 = arith.select %parallel_loop3A_1316, %parallel_loop3A_1258, %parallel_loop3A_1255 : vector<16xi1>, vector<16xi32>
      %parallel_loop3A_1319 = arith.constant 16 : i32
      %parallel_loop3A_1320 = arith.muli %parallel_loop3A_1241, %parallel_loop3A_1319 : i32
      %parallel_loop3A_1321 = arith.constant 6 : i32
      %parallel_loop3A_1322 = arith.index_cast %parallel_loop3A_1321 : i32 to index
      %parallel_loop3A_1323 = arith.index_cast %parallel_loop3A_1320 : i32 to index
      %parallel_loop3A_1324 = tpu.vector_load %arg5[%parallel_loop3A_1322, %parallel_loop3A_1323] {strides = array<i32>} : memref<8x6528xf32, #tpu.memory_space<vmem>>, vector<1x16xf32>,
      %parallel_loop3A_1325 = vector.shape_cast %parallel_loop3A_1324 : vector<1x16xf32> to vector<16xf32>
      %parallel_loop3A_1326 = arith.cmpf ogt, %parallel_loop3A_1325, %parallel_loop3A_1248 : vector<16xf32>
      %parallel_loop3A_1327 = arith.select %parallel_loop3A_1326, %parallel_loop3A_1325, %parallel_loop3A_1248 : vector<16xi1>, vector<16xf32>
      %parallel_loop3A_1328 = arith.select %parallel_loop3A_1326, %parallel_loop3A_1258, %parallel_loop3A_1256 : vector<16xi1>, vector<16xi32>
      %parallel_loop3A_1329 = arith.constant 16 : i32
      %parallel_loop3A_1330 = arith.muli %parallel_loop3A_1241, %parallel_loop3A_1329 : i32
      %parallel_loop3A_1331 = arith.constant 7 : i32
      %parallel_loop3A_1332 = arith.index_cast %parallel_loop3A_1331 : i32 to index
      %parallel_loop3A_1333 = arith.index_cast %parallel_loop3A_1330 : i32 to index
      %parallel_loop3A_1334 = tpu.vector_load %arg5[%parallel_loop3A_1332, %parallel_loop3A_1333] {strides = array<i32>} : memref<8x6528xf32, #tpu.memory_space<vmem>>, vector<1x16xf32>,
      %parallel_loop3A_1335 = vector.shape_cast %parallel_loop3A_1334 : vector<1x16xf32> to vector<16xf32>
      %parallel_loop3A_1336 = arith.cmpf ogt, %parallel_loop3A_1335, %parallel_loop3A_1249 : vector<16xf32>
      %parallel_loop3A_1337 = arith.select %parallel_loop3A_1336, %parallel_loop3A_1335, %parallel_loop3A_1249 : vector<16xi1>, vector<16xf32>
      %parallel_loop3A_1338 = arith.select %parallel_loop3A_1336, %parallel_loop3A_1258, %parallel_loop3A_1257 : vector<16xi1>, vector<16xi32>
      scf.yield %parallel_loop3A_1267, %parallel_loop3A_1277, %parallel_loop3A_1287, %parallel_loop3A_1297, %parallel_loop3A_1307, %parallel_loop3A_1317, %parallel_loop3A_1327, %parallel_loop3A_1337, %parallel_loop3A_1268, %parallel_loop3A_1278, %parallel_loop3A_1288, %parallel_loop3A_1298, %parallel_loop3A_1308, %parallel_loop3A_1318, %parallel_loop3A_1328, %parallel_loop3A_1338 : vector<16xf32>, vector<16xf32>, vector<16xf32>, vector<16xf32>, vector<16xf32>, vector<16xf32>, vector<16xf32>, vector<16xf32>, vector<16xi32>, vector<16xi32>, vector<16xi32>, vector<16xi32>, vector<16xi32>, vector<16xi32>, vector<16xi32>, vector<16xi32>
    } {sc.loop_unroll_factor = 4 : i64, sc.parallel_access}
    %mul3A_71 = arith.constant 16 : i32
    %mul3A_72 = vector.broadcast %mul3A_71 : i32 to vector<16xi32>
    %mul3A_73 = arith.muli %parallel_loop3A_70#8, %mul3A_72 : vector<16xi32>
    %add3A_74 = arith.addi %mul3A_73, %iota3A : vector<16xi32>
    %add3A_75 = vector.broadcast %add3A_67 : i32 to vector<16xi32>
    %add3A_76 = arith.addi %add3A_74, %add3A_75 : vector<16xi32>
    %gt3A = arith.cmpf ogt, %parallel_loop3A_70#0, %broadcast_in_dim3A_35 : vector<16xf32>
    %eq3A_77 = arith.cmpf oeq, %parallel_loop3A_70#0, %broadcast_in_dim3A_35 : vector<16xf32>
    %lt3A_78 = arith.cmpi slt, %add3A_76, %broadcast_in_dim3A_37 : vector<16xi32>
    %and3A_79 = arith.andi %eq3A_77, %lt3A_78 : vector<16xi1>
    %or3A = arith.ori %gt3A, %and3A_79 : vector<16xi1>
    %select_n3A_80 = arith.select %or3A, %parallel_loop3A_70#0, %broadcast_in_dim3A_35 : vector<16xi1>, vector<16xf32>
    %select_n3A_81 = arith.select %or3A, %add3A_76, %broadcast_in_dim3A_37 : vector<16xi1>, vector<16xi32>
    %mul3A_82 = arith.constant 16 : i32
    %mul3A_83 = vector.broadcast %mul3A_82 : i32 to vector<16xi32>
    %mul3A_84 = arith.muli %parallel_loop3A_70#9, %mul3A_83 : vector<16xi32>
    %add3A_85 = arith.addi %mul3A_84, %iota3A : vector<16xi32>
    %add3A_86 = vector.broadcast %add3A_67 : i32 to vector<16xi32>
    %add3A_87 = arith.addi %add3A_85, %add3A_86 : vector<16xi32>
    %gt3A_88 = arith.cmpf ogt, %parallel_loop3A_70#1, %broadcast_in_dim3A_35 : vector<16xf32>
    %eq3A_89 = arith.cmpf oeq, %parallel_loop3A_70#1, %broadcast_in_dim3A_35 : vector<16xf32>
    %lt3A_90 = arith.cmpi slt, %add3A_87, %broadcast_in_dim3A_37 : vector<16xi32>
    %and3A_91 = arith.andi %eq3A_89, %lt3A_90 : vector<16xi1>
    %or3A_92 = arith.ori %gt3A_88, %and3A_91 : vector<16xi1>
    %select_n3A_93 = arith.select %or3A_92, %parallel_loop3A_70#1, %broadcast_in_dim3A_35 : vector<16xi1>, vector<16xf32>
    %select_n3A_94 = arith.select %or3A_92, %add3A_87, %broadcast_in_dim3A_37 : vector<16xi1>, vector<16xi32>
    %mul3A_95 = arith.constant 16 : i32
    %mul3A_96 = vector.broadcast %mul3A_95 : i32 to vector<16xi32>
    %mul3A_97 = arith.muli %parallel_loop3A_70#10, %mul3A_96 : vector<16xi32>
    %add3A_98 = arith.addi %mul3A_97, %iota3A : vector<16xi32>
    %add3A_99 = vector.broadcast %add3A_67 : i32 to vector<16xi32>
    %add3A_100 = arith.addi %add3A_98, %add3A_99 : vector<16xi32>
    %gt3A_101 = arith.cmpf ogt, %parallel_loop3A_70#2, %broadcast_in_dim3A_35 : vector<16xf32>
    %eq3A_102 = arith.cmpf oeq, %parallel_loop3A_70#2, %broadcast_in_dim3A_35 : vector<16xf32>
    %lt3A_103 = arith.cmpi slt, %add3A_100, %broadcast_in_dim3A_37 : vector<16xi32>
    %and3A_104 = arith.andi %eq3A_102, %lt3A_103 : vector<16xi1>
    %or3A_105 = arith.ori %gt3A_101, %and3A_104 : vector<16xi1>
    %select_n3A_106 = arith.select %or3A_105, %parallel_loop3A_70#2, %broadcast_in_dim3A_35 : vector<16xi1>, vector<16xf32>
    %select_n3A_107 = arith.select %or3A_105, %add3A_100, %broadcast_in_dim3A_37 : vector<16xi1>, vector<16xi32>
    %mul3A_108 = arith.constant 16 : i32
    %mul3A_109 = vector.broadcast %mul3A_108 : i32 to vector<16xi32>
    %mul3A_110 = arith.muli %parallel_loop3A_70#11, %mul3A_109 : vector<16xi32>
    %add3A_111 = arith.addi %mul3A_110, %iota3A : vector<16xi32>
    %add3A_112 = vector.broadcast %add3A_67 : i32 to vector<16xi32>
    %add3A_113 = arith.addi %add3A_111, %add3A_112 : vector<16xi32>
    %gt3A_114 = arith.cmpf ogt, %parallel_loop3A_70#3, %broadcast_in_dim3A_35 : vector<16xf32>
    %eq3A_115 = arith.cmpf oeq, %parallel_loop3A_70#3, %broadcast_in_dim3A_35 : vector<16xf32>
    %lt3A_116 = arith.cmpi slt, %add3A_113, %broadcast_in_dim3A_37 : vector<16xi32>
    %and3A_117 = arith.andi %eq3A_115, %lt3A_116 : vector<16xi1>
    %or3A_118 = arith.ori %gt3A_114, %and3A_117 : vector<16xi1>
    %select_n3A_119 = arith.select %or3A_118, %parallel_loop3A_70#3, %broadcast_in_dim3A_35 : vector<16xi1>, vector<16xf32>
    %select_n3A_120 = arith.select %or3A_118, %add3A_113, %broadcast_in_dim3A_37 : vector<16xi1>, vector<16xi32>
    %mul3A_121 = arith.constant 16 : i32
    %mul3A_122 = vector.broadcast %mul3A_121 : i32 to vector<16xi32>
    %mul3A_123 = arith.muli %parallel_loop3A_70#12, %mul3A_122 : vector<16xi32>
    %add3A_124 = arith.addi %mul3A_123, %iota3A : vector<16xi32>
    %add3A_125 = vector.broadcast %add3A_67 : i32 to vector<16xi32>
    %add3A_126 = arith.addi %add3A_124, %add3A_125 : vector<16xi32>
    %gt3A_127 = arith.cmpf ogt, %parallel_loop3A_70#4, %broadcast_in_dim3A_35 : vector<16xf32>
    %eq3A_128 = arith.cmpf oeq, %parallel_loop3A_70#4, %broadcast_in_dim3A_35 : vector<16xf32>
    %lt3A_129 = arith.cmpi slt, %add3A_126, %broadcast_in_dim3A_37 : vector<16xi32>
    %and3A_130 = arith.andi %eq3A_128, %lt3A_129 : vector<16xi1>
    %or3A_131 = arith.ori %gt3A_127, %and3A_130 : vector<16xi1>
    %select_n3A_132 = arith.select %or3A_131, %parallel_loop3A_70#4, %broadcast_in_dim3A_35 : vector<16xi1>, vector<16xf32>
    %select_n3A_133 = arith.select %or3A_131, %add3A_126, %broadcast_in_dim3A_37 : vector<16xi1>, vector<16xi32>
    %mul3A_134 = arith.constant 16 : i32
    %mul3A_135 = vector.broadcast %mul3A_134 : i32 to vector<16xi32>
    %mul3A_136 = arith.muli %parallel_loop3A_70#13, %mul3A_135 : vector<16xi32>
    %add3A_137 = arith.addi %mul3A_136, %iota3A : vector<16xi32>
    %add3A_138 = vector.broadcast %add3A_67 : i32 to vector<16xi32>
    %add3A_139 = arith.addi %add3A_137, %add3A_138 : vector<16xi32>
    %gt3A_140 = arith.cmpf ogt, %parallel_loop3A_70#5, %broadcast_in_dim3A_35 : vector<16xf32>
    %eq3A_141 = arith.cmpf oeq, %parallel_loop3A_70#5, %broadcast_in_dim3A_35 : vector<16xf32>
    %lt3A_142 = arith.cmpi slt, %add3A_139, %broadcast_in_dim3A_37 : vector<16xi32>
    %and3A_143 = arith.andi %eq3A_141, %lt3A_142 : vector<16xi1>
    %or3A_144 = arith.ori %gt3A_140, %and3A_143 : vector<16xi1>
    %select_n3A_145 = arith.select %or3A_144, %parallel_loop3A_70#5, %broadcast_in_dim3A_35 : vector<16xi1>, vector<16xf32>
    %select_n3A_146 = arith.select %or3A_144, %add3A_139, %broadcast_in_dim3A_37 : vector<16xi1>, vector<16xi32>
    %mul3A_147 = arith.constant 16 : i32
    %mul3A_148 = vector.broadcast %mul3A_147 : i32 to vector<16xi32>
    %mul3A_149 = arith.muli %parallel_loop3A_70#14, %mul3A_148 : vector<16xi32>
    %add3A_150 = arith.addi %mul3A_149, %iota3A : vector<16xi32>
    %add3A_151 = vector.broadcast %add3A_67 : i32 to vector<16xi32>
    %add3A_152 = arith.addi %add3A_150, %add3A_151 : vector<16xi32>
    %gt3A_153 = arith.cmpf ogt, %parallel_loop3A_70#6, %broadcast_in_dim3A_35 : vector<16xf32>
    %eq3A_154 = arith.cmpf oeq, %parallel_loop3A_70#6, %broadcast_in_dim3A_35 : vector<16xf32>
    %lt3A_155 = arith.cmpi slt, %add3A_152, %broadcast_in_dim3A_37 : vector<16xi32>
    %and3A_156 = arith.andi %eq3A_154, %lt3A_155 : vector<16xi1>
    %or3A_157 = arith.ori %gt3A_153, %and3A_156 : vector<16xi1>
    %select_n3A_158 = arith.select %or3A_157, %parallel_loop3A_70#6, %broadcast_in_dim3A_35 : vector<16xi1>, vector<16xf32>
    %select_n3A_159 = arith.select %or3A_157, %add3A_152, %broadcast_in_dim3A_37 : vector<16xi1>, vector<16xi32>
    %mul3A_160 = arith.constant 16 : i32
    %mul3A_161 = vector.broadcast %mul3A_160 : i32 to vector<16xi32>
    %mul3A_162 = arith.muli %parallel_loop3A_70#15, %mul3A_161 : vector<16xi32>
    %add3A_163 = arith.addi %mul3A_162, %iota3A : vector<16xi32>
    %add3A_164 = vector.broadcast %add3A_67 : i32 to vector<16xi32>
    %add3A_165 = arith.addi %add3A_163, %add3A_164 : vector<16xi32>
    %gt3A_166 = arith.cmpf ogt, %parallel_loop3A_70#7, %broadcast_in_dim3A_35 : vector<16xf32>
    %eq3A_167 = arith.cmpf oeq, %parallel_loop3A_70#7, %broadcast_in_dim3A_35 : vector<16xf32>
    %lt3A_168 = arith.cmpi slt, %add3A_165, %broadcast_in_dim3A_37 : vector<16xi32>
    %and3A_169 = arith.andi %eq3A_167, %lt3A_168 : vector<16xi1>
    %or3A_170 = arith.ori %gt3A_166, %and3A_169 : vector<16xi1>
    %select_n3A_171 = arith.select %or3A_170, %parallel_loop3A_70#7, %broadcast_in_dim3A_35 : vector<16xi1>, vector<16xf32>
    %select_n3A_172 = arith.select %or3A_170, %add3A_165, %broadcast_in_dim3A_37 : vector<16xi1>, vector<16xi32>
    %add3A_173 = arith.constant 12288 : i32
    %add3A_174 = arith.addi %mul3A_34, %add3A_173 : i32
    %multiple_of3A_175 = tpu.assume_multiple %add3A_174, 128 : i32
    %dma_start3A_176 = arith.constant 0 : i32
    %dma_start3A_177 = arith.constant 0 : i32
    %dma_start3A_178 = tpu.memref_slice %arg5[%dma_start3A_176, %dma_start3A_177] : memref<8x6528xf32, #tpu.memory_space<vmem>> -> memref<8x6144xf32, #tpu.memory_space<vmem>>
    %dma_start3A_179 = tpu.memref_slice %arg2[%multiple_of3A, %multiple_of3A_175] : memref<64x100000xf32, #tpu.memory_space<hbm>> -> memref<8x6144xf32, #tpu.memory_space<hbm>>
    %dma_start3A_180 = arith.constant 0 : i32
    %dma_start3A_181 = arith.constant 0 : i32
    %dma_start3A_182 = tpu.memref_slice %arg5[%dma_start3A_180, %dma_start3A_181] : memref<8x6528xf32, #tpu.memory_space<vmem>> -> memref<8x6144xf32, #tpu.memory_space<vmem>>
    %dma_start3A_183 = tpu.memref_slice %arg2[%multiple_of3A, %multiple_of3A_175] : memref<64x100000xf32, #tpu.memory_space<hbm>> -> memref<8x6144xf32, #tpu.memory_space<hbm>>
    tpu.enqueue_dma source(%dma_start3A_183 : memref<8x6144xf32, #tpu.memory_space<hbm>>) target(%dma_start3A_182 : memref<8x6144xf32, #tpu.memory_space<vmem>>) target_semaphore(%arg14 : memref<!tpu.dma_semaphore, #tpu.memory_space<semaphore_mem>>)
    %dma_wait3A_184 = arith.constant 0 : i32
    %dma_wait3A_185 = arith.constant 0 : i32
    %dma_wait3A_186 = tpu.memref_slice %arg6[%dma_wait3A_184, %dma_wait3A_185] : memref<8x6528xf32, #tpu.memory_space<vmem>> -> memref<8x6144xf32, #tpu.memory_space<vmem>>
    %dma_wait3A_187 = tpu.memref_slice %arg2[%multiple_of3A, %multiple_of3A_50] : memref<64x100000xf32, #tpu.memory_space<hbm>> -> memref<8x6144xf32, #tpu.memory_space<hbm>>
    %dma_wait3A_188 = arith.constant 0 : i32
    %dma_wait3A_189 = arith.constant 0 : i32
    %dma_wait3A_190 = tpu.memref_slice %arg6[%dma_wait3A_188, %dma_wait3A_189] : memref<8x6528xf32, #tpu.memory_space<vmem>> -> memref<8x6144xf32, #tpu.memory_space<vmem>>
    %dma_wait3A_191 = tpu.memref_slice %arg2[%multiple_of3A, %multiple_of3A_50] : memref<64x100000xf32, #tpu.memory_space<hbm>> -> memref<8x6144xf32, #tpu.memory_space<hbm>>
    tpu.wait_dma2 semaphore(%arg15 : memref<!tpu.dma_semaphore, #tpu.memory_space<semaphore_mem>>) src(%dma_wait3A_191 : memref<8x6144xf32, #tpu.memory_space<hbm>>) dst(%dma_wait3A_190 : memref<8x6144xf32, #tpu.memory_space<vmem>>)
    %add3A_192 = arith.constant 6144 : i32
    %add3A_193 = arith.addi %mul3A_34, %add3A_192 : i32
    %parallel_loop3A_194 = arith.constant 0 : i32
    %parallel_loop3A_195 = arith.constant 384 : i32
    %parallel_loop3A_196 = arith.constant 1 : i32
    %parallel_loop3A_197:16 = scf.for %parallel_loop3A_1241 = %parallel_loop3A_194 to %parallel_loop3A_195 step %parallel_loop3A_196 iter_args(%parallel_loop3A_1242 = %broadcast_in_dim3A_35, %parallel_loop3A_1243 = %broadcast_in_dim3A_35, %parallel_loop3A_1244 = %broadcast_in_dim3A_35, %parallel_loop3A_1245 = %broadcast_in_dim3A_35, %parallel_loop3A_1246 = %broadcast_in_dim3A_35, %parallel_loop3A_1247 = %broadcast_in_dim3A_35, %parallel_loop3A_1248 = %broadcast_in_dim3A_35, %parallel_loop3A_1249 = %broadcast_in_dim3A_35, %parallel_loop3A_1250 = %broadcast_in_dim3A_37, %parallel_loop3A_1251 = %broadcast_in_dim3A_37, %parallel_loop3A_1252 = %broadcast_in_dim3A_37, %parallel_loop3A_1253 = %broadcast_in_dim3A_37, %parallel_loop3A_1254 = %broadcast_in_dim3A_37, %parallel_loop3A_1255 = %broadcast_in_dim3A_37, %parallel_loop3A_1256 = %broadcast_in_dim3A_37, %parallel_loop3A_1257 = %broadcast_in_dim3A_37) -> (vector<16xf32>, vector<16xf32>, vector<16xf32>, vector<16xf32>, vector<16xf32>, vector<16xf32>, vector<16xf32>, vector<16xf32>, vector<16xi32>, vector<16xi32>, vector<16xi32>, vector<16xi32>, vector<16xi32>, vector<16xi32>, vector<16xi32>, vector<16xi32>)  : i32 {
      %parallel_loop3A_1258 = vector.broadcast %parallel_loop3A_1241 : i32 to vector<16xi32>
      %parallel_loop3A_1259 = arith.constant 16 : i32
      %parallel_loop3A_1260 = arith.muli %parallel_loop3A_1241, %parallel_loop3A_1259 : i32
      %parallel_loop3A_1261 = arith.constant 0 : i32
      %parallel_loop3A_1262 = arith.index_cast %parallel_loop3A_1261 : i32 to index
      %parallel_loop3A_1263 = arith.index_cast %parallel_loop3A_1260 : i32 to index
      %parallel_loop3A_1264 = tpu.vector_load %arg6[%parallel_loop3A_1262, %parallel_loop3A_1263] {strides = array<i32>} : memref<8x6528xf32, #tpu.memory_space<vmem>>, vector<1x16xf32>,
      %parallel_loop3A_1265 = vector.shape_cast %parallel_loop3A_1264 : vector<1x16xf32> to vector<16xf32>
      %parallel_loop3A_1266 = arith.cmpf ogt, %parallel_loop3A_1265, %parallel_loop3A_1242 : vector<16xf32>
      %parallel_loop3A_1267 = arith.select %parallel_loop3A_1266, %parallel_loop3A_1265, %parallel_loop3A_1242 : vector<16xi1>, vector<16xf32>
      %parallel_loop3A_1268 = arith.select %parallel_loop3A_1266, %parallel_loop3A_1258, %parallel_loop3A_1250 : vector<16xi1>, vector<16xi32>
      %parallel_loop3A_1269 = arith.constant 16 : i32
      %parallel_loop3A_1270 = arith.muli %parallel_loop3A_1241, %parallel_loop3A_1269 : i32
      %parallel_loop3A_1271 = arith.constant 1 : i32
      %parallel_loop3A_1272 = arith.index_cast %parallel_loop3A_1271 : i32 to index
      %parallel_loop3A_1273 = arith.index_cast %parallel_loop3A_1270 : i32 to index
      %parallel_loop3A_1274 = tpu.vector_load %arg6[%parallel_loop3A_1272, %parallel_loop3A_1273] {strides = array<i32>} : memref<8x6528xf32, #tpu.memory_space<vmem>>, vector<1x16xf32>,
      %parallel_loop3A_1275 = vector.shape_cast %parallel_loop3A_1274 : vector<1x16xf32> to vector<16xf32>
      %parallel_loop3A_1276 = arith.cmpf ogt, %parallel_loop3A_1275, %parallel_loop3A_1243 : vector<16xf32>
      %parallel_loop3A_1277 = arith.select %parallel_loop3A_1276, %parallel_loop3A_1275, %parallel_loop3A_1243 : vector<16xi1>, vector<16xf32>
      %parallel_loop3A_1278 = arith.select %parallel_loop3A_1276, %parallel_loop3A_1258, %parallel_loop3A_1251 : vector<16xi1>, vector<16xi32>
      %parallel_loop3A_1279 = arith.constant 16 : i32
      %parallel_loop3A_1280 = arith.muli %parallel_loop3A_1241, %parallel_loop3A_1279 : i32
      %parallel_loop3A_1281 = arith.constant 2 : i32
      %parallel_loop3A_1282 = arith.index_cast %parallel_loop3A_1281 : i32 to index
      %parallel_loop3A_1283 = arith.index_cast %parallel_loop3A_1280 : i32 to index
      %parallel_loop3A_1284 = tpu.vector_load %arg6[%parallel_loop3A_1282, %parallel_loop3A_1283] {strides = array<i32>} : memref<8x6528xf32, #tpu.memory_space<vmem>>, vector<1x16xf32>,
      %parallel_loop3A_1285 = vector.shape_cast %parallel_loop3A_1284 : vector<1x16xf32> to vector<16xf32>
      %parallel_loop3A_1286 = arith.cmpf ogt, %parallel_loop3A_1285, %parallel_loop3A_1244 : vector<16xf32>
      %parallel_loop3A_1287 = arith.select %parallel_loop3A_1286, %parallel_loop3A_1285, %parallel_loop3A_1244 : vector<16xi1>, vector<16xf32>
      %parallel_loop3A_1288 = arith.select %parallel_loop3A_1286, %parallel_loop3A_1258, %parallel_loop3A_1252 : vector<16xi1>, vector<16xi32>
      %parallel_loop3A_1289 = arith.constant 16 : i32
      %parallel_loop3A_1290 = arith.muli %parallel_loop3A_1241, %parallel_loop3A_1289 : i32
      %parallel_loop3A_1291 = arith.constant 3 : i32
      %parallel_loop3A_1292 = arith.index_cast %parallel_loop3A_1291 : i32 to index
      %parallel_loop3A_1293 = arith.index_cast %parallel_loop3A_1290 : i32 to index
      %parallel_loop3A_1294 = tpu.vector_load %arg6[%parallel_loop3A_1292, %parallel_loop3A_1293] {strides = array<i32>} : memref<8x6528xf32, #tpu.memory_space<vmem>>, vector<1x16xf32>,
      %parallel_loop3A_1295 = vector.shape_cast %parallel_loop3A_1294 : vector<1x16xf32> to vector<16xf32>
      %parallel_loop3A_1296 = arith.cmpf ogt, %parallel_loop3A_1295, %parallel_loop3A_1245 : vector<16xf32>
      %parallel_loop3A_1297 = arith.select %parallel_loop3A_1296, %parallel_loop3A_1295, %parallel_loop3A_1245 : vector<16xi1>, vector<16xf32>
      %parallel_loop3A_1298 = arith.select %parallel_loop3A_1296, %parallel_loop3A_1258, %parallel_loop3A_1253 : vector<16xi1>, vector<16xi32>
      %parallel_loop3A_1299 = arith.constant 16 : i32
      %parallel_loop3A_1300 = arith.muli %parallel_loop3A_1241, %parallel_loop3A_1299 : i32
      %parallel_loop3A_1301 = arith.constant 4 : i32
      %parallel_loop3A_1302 = arith.index_cast %parallel_loop3A_1301 : i32 to index
      %parallel_loop3A_1303 = arith.index_cast %parallel_loop3A_1300 : i32 to index
      %parallel_loop3A_1304 = tpu.vector_load %arg6[%parallel_loop3A_1302, %parallel_loop3A_1303] {strides = array<i32>} : memref<8x6528xf32, #tpu.memory_space<vmem>>, vector<1x16xf32>,
      %parallel_loop3A_1305 = vector.shape_cast %parallel_loop3A_1304 : vector<1x16xf32> to vector<16xf32>
      %parallel_loop3A_1306 = arith.cmpf ogt, %parallel_loop3A_1305, %parallel_loop3A_1246 : vector<16xf32>
      %parallel_loop3A_1307 = arith.select %parallel_loop3A_1306, %parallel_loop3A_1305, %parallel_loop3A_1246 : vector<16xi1>, vector<16xf32>
      %parallel_loop3A_1308 = arith.select %parallel_loop3A_1306, %parallel_loop3A_1258, %parallel_loop3A_1254 : vector<16xi1>, vector<16xi32>
      %parallel_loop3A_1309 = arith.constant 16 : i32
      %parallel_loop3A_1310 = arith.muli %parallel_loop3A_1241, %parallel_loop3A_1309 : i32
      %parallel_loop3A_1311 = arith.constant 5 : i32
      %parallel_loop3A_1312 = arith.index_cast %parallel_loop3A_1311 : i32 to index
      %parallel_loop3A_1313 = arith.index_cast %parallel_loop3A_1310 : i32 to index
      %parallel_loop3A_1314 = tpu.vector_load %arg6[%parallel_loop3A_1312, %parallel_loop3A_1313] {strides = array<i32>} : memref<8x6528xf32, #tpu.memory_space<vmem>>, vector<1x16xf32>,
      %parallel_loop3A_1315 = vector.shape_cast %parallel_loop3A_1314 : vector<1x16xf32> to vector<16xf32>
      %parallel_loop3A_1316 = arith.cmpf ogt, %parallel_loop3A_1315, %parallel_loop3A_1247 : vector<16xf32>
      %parallel_loop3A_1317 = arith.select %parallel_loop3A_1316, %parallel_loop3A_1315, %parallel_loop3A_1247 : vector<16xi1>, vector<16xf32>
      %parallel_loop3A_1318 = arith.select %parallel_loop3A_1316, %parallel_loop3A_1258, %parallel_loop3A_1255 : vector<16xi1>, vector<16xi32>
      %parallel_loop3A_1319 = arith.constant 16 : i32
      %parallel_loop3A_1320 = arith.muli %parallel_loop3A_1241, %parallel_loop3A_1319 : i32
      %parallel_loop3A_1321 = arith.constant 6 : i32
      %parallel_loop3A_1322 = arith.index_cast %parallel_loop3A_1321 : i32 to index
      %parallel_loop3A_1323 = arith.index_cast %parallel_loop3A_1320 : i32 to index
      %parallel_loop3A_1324 = tpu.vector_load %arg6[%parallel_loop3A_1322, %parallel_loop3A_1323] {strides = array<i32>} : memref<8x6528xf32, #tpu.memory_space<vmem>>, vector<1x16xf32>,
      %parallel_loop3A_1325 = vector.shape_cast %parallel_loop3A_1324 : vector<1x16xf32> to vector<16xf32>
      %parallel_loop3A_1326 = arith.cmpf ogt, %parallel_loop3A_1325, %parallel_loop3A_1248 : vector<16xf32>
      %parallel_loop3A_1327 = arith.select %parallel_loop3A_1326, %parallel_loop3A_1325, %parallel_loop3A_1248 : vector<16xi1>, vector<16xf32>
      %parallel_loop3A_1328 = arith.select %parallel_loop3A_1326, %parallel_loop3A_1258, %parallel_loop3A_1256 : vector<16xi1>, vector<16xi32>
      %parallel_loop3A_1329 = arith.constant 16 : i32
      %parallel_loop3A_1330 = arith.muli %parallel_loop3A_1241, %parallel_loop3A_1329 : i32
      %parallel_loop3A_1331 = arith.constant 7 : i32
      %parallel_loop3A_1332 = arith.index_cast %parallel_loop3A_1331 : i32 to index
      %parallel_loop3A_1333 = arith.index_cast %parallel_loop3A_1330 : i32 to index
      %parallel_loop3A_1334 = tpu.vector_load %arg6[%parallel_loop3A_1332, %parallel_loop3A_1333] {strides = array<i32>} : memref<8x6528xf32, #tpu.memory_space<vmem>>, vector<1x16xf32>,
      %parallel_loop3A_1335 = vector.shape_cast %parallel_loop3A_1334 : vector<1x16xf32> to vector<16xf32>
      %parallel_loop3A_1336 = arith.cmpf ogt, %parallel_loop3A_1335, %parallel_loop3A_1249 : vector<16xf32>
      %parallel_loop3A_1337 = arith.select %parallel_loop3A_1336, %parallel_loop3A_1335, %parallel_loop3A_1249 : vector<16xi1>, vector<16xf32>
      %parallel_loop3A_1338 = arith.select %parallel_loop3A_1336, %parallel_loop3A_1258, %parallel_loop3A_1257 : vector<16xi1>, vector<16xi32>
      scf.yield %parallel_loop3A_1267, %parallel_loop3A_1277, %parallel_loop3A_1287, %parallel_loop3A_1297, %parallel_loop3A_1307, %parallel_loop3A_1317, %parallel_loop3A_1327, %parallel_loop3A_1337, %parallel_loop3A_1268, %parallel_loop3A_1278, %parallel_loop3A_1288, %parallel_loop3A_1298, %parallel_loop3A_1308, %parallel_loop3A_1318, %parallel_loop3A_1328, %parallel_loop3A_1338 : vector<16xf32>, vector<16xf32>, vector<16xf32>, vector<16xf32>, vector<16xf32>, vector<16xf32>, vector<16xf32>, vector<16xf32>, vector<16xi32>, vector<16xi32>, vector<16xi32>, vector<16xi32>, vector<16xi32>, vector<16xi32>, vector<16xi32>, vector<16xi32>
    } {sc.loop_unroll_factor = 4 : i64, sc.parallel_access}
    %mul3A_198 = arith.constant 16 : i32
    %mul3A_199 = vector.broadcast %mul3A_198 : i32 to vector<16xi32>
    %mul3A_200 = arith.muli %parallel_loop3A_197#8, %mul3A_199 : vector<16xi32>
    %add3A_201 = arith.addi %mul3A_200, %iota3A : vector<16xi32>
    %add3A_202 = vector.broadcast %add3A_193 : i32 to vector<16xi32>
    %add3A_203 = arith.addi %add3A_201, %add3A_202 : vector<16xi32>
    %gt3A_204 = arith.cmpf ogt, %parallel_loop3A_197#0, %select_n3A_80 : vector<16xf32>
    %eq3A_205 = arith.cmpf oeq, %parallel_loop3A_197#0, %select_n3A_80 : vector<16xf32>
    %lt3A_206 = arith.cmpi slt, %add3A_203, %select_n3A_81 : vector<16xi32>
    %and3A_207 = arith.andi %eq3A_205, %lt3A_206 : vector<16xi1>
    %or3A_208 = arith.ori %gt3A_204, %and3A_207 : vector<16xi1>
    %select_n3A_209 = arith.select %or3A_208, %parallel_loop3A_197#0, %select_n3A_80 : vector<16xi1>, vector<16xf32>
    %select_n3A_210 = arith.select %or3A_208, %add3A_203, %select_n3A_81 : vector<16xi1>, vector<16xi32>
    %mul3A_211 = arith.constant 16 : i32
    %mul3A_212 = vector.broadcast %mul3A_211 : i32 to vector<16xi32>
    %mul3A_213 = arith.muli %parallel_loop3A_197#9, %mul3A_212 : vector<16xi32>
    %add3A_214 = arith.addi %mul3A_213, %iota3A : vector<16xi32>
    %add3A_215 = vector.broadcast %add3A_193 : i32 to vector<16xi32>
    %add3A_216 = arith.addi %add3A_214, %add3A_215 : vector<16xi32>
    %gt3A_217 = arith.cmpf ogt, %parallel_loop3A_197#1, %select_n3A_93 : vector<16xf32>
    %eq3A_218 = arith.cmpf oeq, %parallel_loop3A_197#1, %select_n3A_93 : vector<16xf32>
    %lt3A_219 = arith.cmpi slt, %add3A_216, %select_n3A_94 : vector<16xi32>
    %and3A_220 = arith.andi %eq3A_218, %lt3A_219 : vector<16xi1>
    %or3A_221 = arith.ori %gt3A_217, %and3A_220 : vector<16xi1>
    %select_n3A_222 = arith.select %or3A_221, %parallel_loop3A_197#1, %select_n3A_93 : vector<16xi1>, vector<16xf32>
    %select_n3A_223 = arith.select %or3A_221, %add3A_216, %select_n3A_94 : vector<16xi1>, vector<16xi32>
    %mul3A_224 = arith.constant 16 : i32
    %mul3A_225 = vector.broadcast %mul3A_224 : i32 to vector<16xi32>
    %mul3A_226 = arith.muli %parallel_loop3A_197#10, %mul3A_225 : vector<16xi32>
    %add3A_227 = arith.addi %mul3A_226, %iota3A : vector<16xi32>
    %add3A_228 = vector.broadcast %add3A_193 : i32 to vector<16xi32>
    %add3A_229 = arith.addi %add3A_227, %add3A_228 : vector<16xi32>
    %gt3A_230 = arith.cmpf ogt, %parallel_loop3A_197#2, %select_n3A_106 : vector<16xf32>
    %eq3A_231 = arith.cmpf oeq, %parallel_loop3A_197#2, %select_n3A_106 : vector<16xf32>
    %lt3A_232 = arith.cmpi slt, %add3A_229, %select_n3A_107 : vector<16xi32>
    %and3A_233 = arith.andi %eq3A_231, %lt3A_232 : vector<16xi1>
    %or3A_234 = arith.ori %gt3A_230, %and3A_233 : vector<16xi1>
    %select_n3A_235 = arith.select %or3A_234, %parallel_loop3A_197#2, %select_n3A_106 : vector<16xi1>, vector<16xf32>
    %select_n3A_236 = arith.select %or3A_234, %add3A_229, %select_n3A_107 : vector<16xi1>, vector<16xi32>
    %mul3A_237 = arith.constant 16 : i32
    %mul3A_238 = vector.broadcast %mul3A_237 : i32 to vector<16xi32>
    %mul3A_239 = arith.muli %parallel_loop3A_197#11, %mul3A_238 : vector<16xi32>
    %add3A_240 = arith.addi %mul3A_239, %iota3A : vector<16xi32>
    %add3A_241 = vector.broadcast %add3A_193 : i32 to vector<16xi32>
    %add3A_242 = arith.addi %add3A_240, %add3A_241 : vector<16xi32>
    %gt3A_243 = arith.cmpf ogt, %parallel_loop3A_197#3, %select_n3A_119 : vector<16xf32>
    %eq3A_244 = arith.cmpf oeq, %parallel_loop3A_197#3, %select_n3A_119 : vector<16xf32>
    %lt3A_245 = arith.cmpi slt, %add3A_242, %select_n3A_120 : vector<16xi32>
    %and3A_246 = arith.andi %eq3A_244, %lt3A_245 : vector<16xi1>
    %or3A_247 = arith.ori %gt3A_243, %and3A_246 : vector<16xi1>
    %select_n3A_248 = arith.select %or3A_247, %parallel_loop3A_197#3, %select_n3A_119 : vector<16xi1>, vector<16xf32>
    %select_n3A_249 = arith.select %or3A_247, %add3A_242, %select_n3A_120 : vector<16xi1>, vector<16xi32>
    %mul3A_250 = arith.constant 16 : i32
    %mul3A_251 = vector.broadcast %mul3A_250 : i32 to vector<16xi32>
    %mul3A_252 = arith.muli %parallel_loop3A_197#12, %mul3A_251 : vector<16xi32>
    %add3A_253 = arith.addi %mul3A_252, %iota3A : vector<16xi32>
    %add3A_254 = vector.broadcast %add3A_193 : i32 to vector<16xi32>
    %add3A_255 = arith.addi %add3A_253, %add3A_254 : vector<16xi32>
    %gt3A_256 = arith.cmpf ogt, %parallel_loop3A_197#4, %select_n3A_132 : vector<16xf32>
    %eq3A_257 = arith.cmpf oeq, %parallel_loop3A_197#4, %select_n3A_132 : vector<16xf32>
    %lt3A_258 = arith.cmpi slt, %add3A_255, %select_n3A_133 : vector<16xi32>
    %and3A_259 = arith.andi %eq3A_257, %lt3A_258 : vector<16xi1>
    %or3A_260 = arith.ori %gt3A_256, %and3A_259 : vector<16xi1>
    %select_n3A_261 = arith.select %or3A_260, %parallel_loop3A_197#4, %select_n3A_132 : vector<16xi1>, vector<16xf32>
    %select_n3A_262 = arith.select %or3A_260, %add3A_255, %select_n3A_133 : vector<16xi1>, vector<16xi32>
    %mul3A_263 = arith.constant 16 : i32
    %mul3A_264 = vector.broadcast %mul3A_263 : i32 to vector<16xi32>
    %mul3A_265 = arith.muli %parallel_loop3A_197#13, %mul3A_264 : vector<16xi32>
    %add3A_266 = arith.addi %mul3A_265, %iota3A : vector<16xi32>
    %add3A_267 = vector.broadcast %add3A_193 : i32 to vector<16xi32>
    %add3A_268 = arith.addi %add3A_266, %add3A_267 : vector<16xi32>
    %gt3A_269 = arith.cmpf ogt, %parallel_loop3A_197#5, %select_n3A_145 : vector<16xf32>
    %eq3A_270 = arith.cmpf oeq, %parallel_loop3A_197#5, %select_n3A_145 : vector<16xf32>
    %lt3A_271 = arith.cmpi slt, %add3A_268, %select_n3A_146 : vector<16xi32>
    %and3A_272 = arith.andi %eq3A_270, %lt3A_271 : vector<16xi1>
    %or3A_273 = arith.ori %gt3A_269, %and3A_272 : vector<16xi1>
    %select_n3A_274 = arith.select %or3A_273, %parallel_loop3A_197#5, %select_n3A_145 : vector<16xi1>, vector<16xf32>
    %select_n3A_275 = arith.select %or3A_273, %add3A_268, %select_n3A_146 : vector<16xi1>, vector<16xi32>
    %mul3A_276 = arith.constant 16 : i32
    %mul3A_277 = vector.broadcast %mul3A_276 : i32 to vector<16xi32>
    %mul3A_278 = arith.muli %parallel_loop3A_197#14, %mul3A_277 : vector<16xi32>
    %add3A_279 = arith.addi %mul3A_278, %iota3A : vector<16xi32>
    %add3A_280 = vector.broadcast %add3A_193 : i32 to vector<16xi32>
    %add3A_281 = arith.addi %add3A_279, %add3A_280 : vector<16xi32>
    %gt3A_282 = arith.cmpf ogt, %parallel_loop3A_197#6, %select_n3A_158 : vector<16xf32>
    %eq3A_283 = arith.cmpf oeq, %parallel_loop3A_197#6, %select_n3A_158 : vector<16xf32>
    %lt3A_284 = arith.cmpi slt, %add3A_281, %select_n3A_159 : vector<16xi32>
    %and3A_285 = arith.andi %eq3A_283, %lt3A_284 : vector<16xi1>
    %or3A_286 = arith.ori %gt3A_282, %and3A_285 : vector<16xi1>
    %select_n3A_287 = arith.select %or3A_286, %parallel_loop3A_197#6, %select_n3A_158 : vector<16xi1>, vector<16xf32>
    %select_n3A_288 = arith.select %or3A_286, %add3A_281, %select_n3A_159 : vector<16xi1>, vector<16xi32>
    %mul3A_289 = arith.constant 16 : i32
    %mul3A_290 = vector.broadcast %mul3A_289 : i32 to vector<16xi32>
    %mul3A_291 = arith.muli %parallel_loop3A_197#15, %mul3A_290 : vector<16xi32>
    %add3A_292 = arith.addi %mul3A_291, %iota3A : vector<16xi32>
    %add3A_293 = vector.broadcast %add3A_193 : i32 to vector<16xi32>
    %add3A_294 = arith.addi %add3A_292, %add3A_293 : vector<16xi32>
    %gt3A_295 = arith.cmpf ogt, %parallel_loop3A_197#7, %select_n3A_171 : vector<16xf32>
    %eq3A_296 = arith.cmpf oeq, %parallel_loop3A_197#7, %select_n3A_171 : vector<16xf32>
    %lt3A_297 = arith.cmpi slt, %add3A_294, %select_n3A_172 : vector<16xi32>
    %and3A_298 = arith.andi %eq3A_296, %lt3A_297 : vector<16xi1>
    %or3A_299 = arith.ori %gt3A_295, %and3A_298 : vector<16xi1>
    %select_n3A_300 = arith.select %or3A_299, %parallel_loop3A_197#7, %select_n3A_171 : vector<16xi1>, vector<16xf32>
    %select_n3A_301 = arith.select %or3A_299, %add3A_294, %select_n3A_172 : vector<16xi1>, vector<16xi32>
    %add3A_302 = arith.constant 18432 : i32
    %add3A_303 = arith.addi %mul3A_34, %add3A_302 : i32
    %multiple_of3A_304 = tpu.assume_multiple %add3A_303, 128 : i32
    %dma_start3A_305 = arith.constant 0 : i32
    %dma_start3A_306 = arith.constant 0 : i32
    %dma_start3A_307 = tpu.memref_slice %arg6[%dma_start3A_305, %dma_start3A_306] : memref<8x6528xf32, #tpu.memory_space<vmem>> -> memref<8x6528xf32, #tpu.memory_space<vmem>>
    %dma_start3A_308 = tpu.memref_slice %arg2[%multiple_of3A, %multiple_of3A_304] : memref<64x100000xf32, #tpu.memory_space<hbm>> -> memref<8x6528xf32, #tpu.memory_space<hbm>>
    %dma_start3A_309 = arith.constant 0 : i32
    %dma_start3A_310 = arith.constant 0 : i32
    %dma_start3A_311 = tpu.memref_slice %arg6[%dma_start3A_309, %dma_start3A_310] : memref<8x6528xf32, #tpu.memory_space<vmem>> -> memref<8x6528xf32, #tpu.memory_space<vmem>>
    %dma_start3A_312 = tpu.memref_slice %arg2[%multiple_of3A, %multiple_of3A_304] : memref<64x100000xf32, #tpu.memory_space<hbm>> -> memref<8x6528xf32, #tpu.memory_space<hbm>>
    tpu.enqueue_dma source(%dma_start3A_312 : memref<8x6528xf32, #tpu.memory_space<hbm>>) target(%dma_start3A_311 : memref<8x6528xf32, #tpu.memory_space<vmem>>) target_semaphore(%arg15 : memref<!tpu.dma_semaphore, #tpu.memory_space<semaphore_mem>>)
    %dma_wait3A_313 = arith.constant 0 : i32
    %dma_wait3A_314 = arith.constant 0 : i32
    %dma_wait3A_315 = tpu.memref_slice %arg5[%dma_wait3A_313, %dma_wait3A_314] : memref<8x6528xf32, #tpu.memory_space<vmem>> -> memref<8x6144xf32, #tpu.memory_space<vmem>>
    %dma_wait3A_316 = tpu.memref_slice %arg2[%multiple_of3A, %multiple_of3A_175] : memref<64x100000xf32, #tpu.memory_space<hbm>> -> memref<8x6144xf32, #tpu.memory_space<hbm>>
    %dma_wait3A_317 = arith.constant 0 : i32
    %dma_wait3A_318 = arith.constant 0 : i32
    %dma_wait3A_319 = tpu.memref_slice %arg5[%dma_wait3A_317, %dma_wait3A_318] : memref<8x6528xf32, #tpu.memory_space<vmem>> -> memref<8x6144xf32, #tpu.memory_space<vmem>>
    %dma_wait3A_320 = tpu.memref_slice %arg2[%multiple_of3A, %multiple_of3A_175] : memref<64x100000xf32, #tpu.memory_space<hbm>> -> memref<8x6144xf32, #tpu.memory_space<hbm>>
    tpu.wait_dma2 semaphore(%arg14 : memref<!tpu.dma_semaphore, #tpu.memory_space<semaphore_mem>>) src(%dma_wait3A_320 : memref<8x6144xf32, #tpu.memory_space<hbm>>) dst(%dma_wait3A_319 : memref<8x6144xf32, #tpu.memory_space<vmem>>)
    %add3A_321 = arith.constant 12288 : i32
    %add3A_322 = arith.addi %mul3A_34, %add3A_321 : i32
    %parallel_loop3A_323 = arith.constant 0 : i32
    %parallel_loop3A_324 = arith.constant 384 : i32
    %parallel_loop3A_325 = arith.constant 1 : i32
    %parallel_loop3A_326:16 = scf.for %parallel_loop3A_1241 = %parallel_loop3A_323 to %parallel_loop3A_324 step %parallel_loop3A_325 iter_args(%parallel_loop3A_1242 = %broadcast_in_dim3A_35, %parallel_loop3A_1243 = %broadcast_in_dim3A_35, %parallel_loop3A_1244 = %broadcast_in_dim3A_35, %parallel_loop3A_1245 = %broadcast_in_dim3A_35, %parallel_loop3A_1246 = %broadcast_in_dim3A_35, %parallel_loop3A_1247 = %broadcast_in_dim3A_35, %parallel_loop3A_1248 = %broadcast_in_dim3A_35, %parallel_loop3A_1249 = %broadcast_in_dim3A_35, %parallel_loop3A_1250 = %broadcast_in_dim3A_37, %parallel_loop3A_1251 = %broadcast_in_dim3A_37, %parallel_loop3A_1252 = %broadcast_in_dim3A_37, %parallel_loop3A_1253 = %broadcast_in_dim3A_37, %parallel_loop3A_1254 = %broadcast_in_dim3A_37, %parallel_loop3A_1255 = %broadcast_in_dim3A_37, %parallel_loop3A_1256 = %broadcast_in_dim3A_37, %parallel_loop3A_1257 = %broadcast_in_dim3A_37) -> (vector<16xf32>, vector<16xf32>, vector<16xf32>, vector<16xf32>, vector<16xf32>, vector<16xf32>, vector<16xf32>, vector<16xf32>, vector<16xi32>, vector<16xi32>, vector<16xi32>, vector<16xi32>, vector<16xi32>, vector<16xi32>, vector<16xi32>, vector<16xi32>)  : i32 {
      %parallel_loop3A_1258 = vector.broadcast %parallel_loop3A_1241 : i32 to vector<16xi32>
      %parallel_loop3A_1259 = arith.constant 16 : i32
      %parallel_loop3A_1260 = arith.muli %parallel_loop3A_1241, %parallel_loop3A_1259 : i32
      %parallel_loop3A_1261 = arith.constant 0 : i32
      %parallel_loop3A_1262 = arith.index_cast %parallel_loop3A_1261 : i32 to index
      %parallel_loop3A_1263 = arith.index_cast %parallel_loop3A_1260 : i32 to index
      %parallel_loop3A_1264 = tpu.vector_load %arg5[%parallel_loop3A_1262, %parallel_loop3A_1263] {strides = array<i32>} : memref<8x6528xf32, #tpu.memory_space<vmem>>, vector<1x16xf32>,
      %parallel_loop3A_1265 = vector.shape_cast %parallel_loop3A_1264 : vector<1x16xf32> to vector<16xf32>
      %parallel_loop3A_1266 = arith.cmpf ogt, %parallel_loop3A_1265, %parallel_loop3A_1242 : vector<16xf32>
      %parallel_loop3A_1267 = arith.select %parallel_loop3A_1266, %parallel_loop3A_1265, %parallel_loop3A_1242 : vector<16xi1>, vector<16xf32>
      %parallel_loop3A_1268 = arith.select %parallel_loop3A_1266, %parallel_loop3A_1258, %parallel_loop3A_1250 : vector<16xi1>, vector<16xi32>
      %parallel_loop3A_1269 = arith.constant 16 : i32
      %parallel_loop3A_1270 = arith.muli %parallel_loop3A_1241, %parallel_loop3A_1269 : i32
      %parallel_loop3A_1271 = arith.constant 1 : i32
      %parallel_loop3A_1272 = arith.index_cast %parallel_loop3A_1271 : i32 to index
      %parallel_loop3A_1273 = arith.index_cast %parallel_loop3A_1270 : i32 to index
      %parallel_loop3A_1274 = tpu.vector_load %arg5[%parallel_loop3A_1272, %parallel_loop3A_1273] {strides = array<i32>} : memref<8x6528xf32, #tpu.memory_space<vmem>>, vector<1x16xf32>,
      %parallel_loop3A_1275 = vector.shape_cast %parallel_loop3A_1274 : vector<1x16xf32> to vector<16xf32>
      %parallel_loop3A_1276 = arith.cmpf ogt, %parallel_loop3A_1275, %parallel_loop3A_1243 : vector<16xf32>
      %parallel_loop3A_1277 = arith.select %parallel_loop3A_1276, %parallel_loop3A_1275, %parallel_loop3A_1243 : vector<16xi1>, vector<16xf32>
      %parallel_loop3A_1278 = arith.select %parallel_loop3A_1276, %parallel_loop3A_1258, %parallel_loop3A_1251 : vector<16xi1>, vector<16xi32>
      %parallel_loop3A_1279 = arith.constant 16 : i32
      %parallel_loop3A_1280 = arith.muli %parallel_loop3A_1241, %parallel_loop3A_1279 : i32
      %parallel_loop3A_1281 = arith.constant 2 : i32
      %parallel_loop3A_1282 = arith.index_cast %parallel_loop3A_1281 : i32 to index
      %parallel_loop3A_1283 = arith.index_cast %parallel_loop3A_1280 : i32 to index
      %parallel_loop3A_1284 = tpu.vector_load %arg5[%parallel_loop3A_1282, %parallel_loop3A_1283] {strides = array<i32>} : memref<8x6528xf32, #tpu.memory_space<vmem>>, vector<1x16xf32>,
      %parallel_loop3A_1285 = vector.shape_cast %parallel_loop3A_1284 : vector<1x16xf32> to vector<16xf32>
      %parallel_loop3A_1286 = arith.cmpf ogt, %parallel_loop3A_1285, %parallel_loop3A_1244 : vector<16xf32>
      %parallel_loop3A_1287 = arith.select %parallel_loop3A_1286, %parallel_loop3A_1285, %parallel_loop3A_1244 : vector<16xi1>, vector<16xf32>
      %parallel_loop3A_1288 = arith.select %parallel_loop3A_1286, %parallel_loop3A_1258, %parallel_loop3A_1252 : vector<16xi1>, vector<16xi32>
      %parallel_loop3A_1289 = arith.constant 16 : i32
      %parallel_loop3A_1290 = arith.muli %parallel_loop3A_1241, %parallel_loop3A_1289 : i32
      %parallel_loop3A_1291 = arith.constant 3 : i32
      %parallel_loop3A_1292 = arith.index_cast %parallel_loop3A_1291 : i32 to index
      %parallel_loop3A_1293 = arith.index_cast %parallel_loop3A_1290 : i32 to index
      %parallel_loop3A_1294 = tpu.vector_load %arg5[%parallel_loop3A_1292, %parallel_loop3A_1293] {strides = array<i32>} : memref<8x6528xf32, #tpu.memory_space<vmem>>, vector<1x16xf32>,
      %parallel_loop3A_1295 = vector.shape_cast %parallel_loop3A_1294 : vector<1x16xf32> to vector<16xf32>
      %parallel_loop3A_1296 = arith.cmpf ogt, %parallel_loop3A_1295, %parallel_loop3A_1245 : vector<16xf32>
      %parallel_loop3A_1297 = arith.select %parallel_loop3A_1296, %parallel_loop3A_1295, %parallel_loop3A_1245 : vector<16xi1>, vector<16xf32>
      %parallel_loop3A_1298 = arith.select %parallel_loop3A_1296, %parallel_loop3A_1258, %parallel_loop3A_1253 : vector<16xi1>, vector<16xi32>
      %parallel_loop3A_1299 = arith.constant 16 : i32
      %parallel_loop3A_1300 = arith.muli %parallel_loop3A_1241, %parallel_loop3A_1299 : i32
      %parallel_loop3A_1301 = arith.constant 4 : i32
      %parallel_loop3A_1302 = arith.index_cast %parallel_loop3A_1301 : i32 to index
      %parallel_loop3A_1303 = arith.index_cast %parallel_loop3A_1300 : i32 to index
      %parallel_loop3A_1304 = tpu.vector_load %arg5[%parallel_loop3A_1302, %parallel_loop3A_1303] {strides = array<i32>} : memref<8x6528xf32, #tpu.memory_space<vmem>>, vector<1x16xf32>,
      %parallel_loop3A_1305 = vector.shape_cast %parallel_loop3A_1304 : vector<1x16xf32> to vector<16xf32>
      %parallel_loop3A_1306 = arith.cmpf ogt, %parallel_loop3A_1305, %parallel_loop3A_1246 : vector<16xf32>
      %parallel_loop3A_1307 = arith.select %parallel_loop3A_1306, %parallel_loop3A_1305, %parallel_loop3A_1246 : vector<16xi1>, vector<16xf32>
      %parallel_loop3A_1308 = arith.select %parallel_loop3A_1306, %parallel_loop3A_1258, %parallel_loop3A_1254 : vector<16xi1>, vector<16xi32>
      %parallel_loop3A_1309 = arith.constant 16 : i32
      %parallel_loop3A_1310 = arith.muli %parallel_loop3A_1241, %parallel_loop3A_1309 : i32
      %parallel_loop3A_1311 = arith.constant 5 : i32
      %parallel_loop3A_1312 = arith.index_cast %parallel_loop3A_1311 : i32 to index
      %parallel_loop3A_1313 = arith.index_cast %parallel_loop3A_1310 : i32 to index
      %parallel_loop3A_1314 = tpu.vector_load %arg5[%parallel_loop3A_1312, %parallel_loop3A_1313] {strides = array<i32>} : memref<8x6528xf32, #tpu.memory_space<vmem>>, vector<1x16xf32>,
      %parallel_loop3A_1315 = vector.shape_cast %parallel_loop3A_1314 : vector<1x16xf32> to vector<16xf32>
      %parallel_loop3A_1316 = arith.cmpf ogt, %parallel_loop3A_1315, %parallel_loop3A_1247 : vector<16xf32>
      %parallel_loop3A_1317 = arith.select %parallel_loop3A_1316, %parallel_loop3A_1315, %parallel_loop3A_1247 : vector<16xi1>, vector<16xf32>
      %parallel_loop3A_1318 = arith.select %parallel_loop3A_1316, %parallel_loop3A_1258, %parallel_loop3A_1255 : vector<16xi1>, vector<16xi32>
      %parallel_loop3A_1319 = arith.constant 16 : i32
      %parallel_loop3A_1320 = arith.muli %parallel_loop3A_1241, %parallel_loop3A_1319 : i32
      %parallel_loop3A_1321 = arith.constant 6 : i32
      %parallel_loop3A_1322 = arith.index_cast %parallel_loop3A_1321 : i32 to index
      %parallel_loop3A_1323 = arith.index_cast %parallel_loop3A_1320 : i32 to index
      %parallel_loop3A_1324 = tpu.vector_load %arg5[%parallel_loop3A_1322, %parallel_loop3A_1323] {strides = array<i32>} : memref<8x6528xf32, #tpu.memory_space<vmem>>, vector<1x16xf32>,
      %parallel_loop3A_1325 = vector.shape_cast %parallel_loop3A_1324 : vector<1x16xf32> to vector<16xf32>
      %parallel_loop3A_1326 = arith.cmpf ogt, %parallel_loop3A_1325, %parallel_loop3A_1248 : vector<16xf32>
      %parallel_loop3A_1327 = arith.select %parallel_loop3A_1326, %parallel_loop3A_1325, %parallel_loop3A_1248 : vector<16xi1>, vector<16xf32>
      %parallel_loop3A_1328 = arith.select %parallel_loop3A_1326, %parallel_loop3A_1258, %parallel_loop3A_1256 : vector<16xi1>, vector<16xi32>
      %parallel_loop3A_1329 = arith.constant 16 : i32
      %parallel_loop3A_1330 = arith.muli %parallel_loop3A_1241, %parallel_loop3A_1329 : i32
      %parallel_loop3A_1331 = arith.constant 7 : i32
      %parallel_loop3A_1332 = arith.index_cast %parallel_loop3A_1331 : i32 to index
      %parallel_loop3A_1333 = arith.index_cast %parallel_loop3A_1330 : i32 to index
      %parallel_loop3A_1334 = tpu.vector_load %arg5[%parallel_loop3A_1332, %parallel_loop3A_1333] {strides = array<i32>} : memref<8x6528xf32, #tpu.memory_space<vmem>>, vector<1x16xf32>,
      %parallel_loop3A_1335 = vector.shape_cast %parallel_loop3A_1334 : vector<1x16xf32> to vector<16xf32>
      %parallel_loop3A_1336 = arith.cmpf ogt, %parallel_loop3A_1335, %parallel_loop3A_1249 : vector<16xf32>
      %parallel_loop3A_1337 = arith.select %parallel_loop3A_1336, %parallel_loop3A_1335, %parallel_loop3A_1249 : vector<16xi1>, vector<16xf32>
      %parallel_loop3A_1338 = arith.select %parallel_loop3A_1336, %parallel_loop3A_1258, %parallel_loop3A_1257 : vector<16xi1>, vector<16xi32>
      scf.yield %parallel_loop3A_1267, %parallel_loop3A_1277, %parallel_loop3A_1287, %parallel_loop3A_1297, %parallel_loop3A_1307, %parallel_loop3A_1317, %parallel_loop3A_1327, %parallel_loop3A_1337, %parallel_loop3A_1268, %parallel_loop3A_1278, %parallel_loop3A_1288, %parallel_loop3A_1298, %parallel_loop3A_1308, %parallel_loop3A_1318, %parallel_loop3A_1328, %parallel_loop3A_1338 : vector<16xf32>, vector<16xf32>, vector<16xf32>, vector<16xf32>, vector<16xf32>, vector<16xf32>, vector<16xf32>, vector<16xf32>, vector<16xi32>, vector<16xi32>, vector<16xi32>, vector<16xi32>, vector<16xi32>, vector<16xi32>, vector<16xi32>, vector<16xi32>
    } {sc.loop_unroll_factor = 4 : i64, sc.parallel_access}
    %mul3A_327 = arith.constant 16 : i32
    %mul3A_328 = vector.broadcast %mul3A_327 : i32 to vector<16xi32>
    %mul3A_329 = arith.muli %parallel_loop3A_326#8, %mul3A_328 : vector<16xi32>
    %add3A_330 = arith.addi %mul3A_329, %iota3A : vector<16xi32>
    %add3A_331 = vector.broadcast %add3A_322 : i32 to vector<16xi32>
    %add3A_332 = arith.addi %add3A_330, %add3A_331 : vector<16xi32>
    %gt3A_333 = arith.cmpf ogt, %parallel_loop3A_326#0, %select_n3A_209 : vector<16xf32>
    %eq3A_334 = arith.cmpf oeq, %parallel_loop3A_326#0, %select_n3A_209 : vector<16xf32>
    %lt3A_335 = arith.cmpi slt, %add3A_332, %select_n3A_210 : vector<16xi32>
    %and3A_336 = arith.andi %eq3A_334, %lt3A_335 : vector<16xi1>
    %or3A_337 = arith.ori %gt3A_333, %and3A_336 : vector<16xi1>
    %select_n3A_338 = arith.select %or3A_337, %parallel_loop3A_326#0, %select_n3A_209 : vector<16xi1>, vector<16xf32>
    %select_n3A_339 = arith.select %or3A_337, %add3A_332, %select_n3A_210 : vector<16xi1>, vector<16xi32>
    %mul3A_340 = arith.constant 16 : i32
    %mul3A_341 = vector.broadcast %mul3A_340 : i32 to vector<16xi32>
    %mul3A_342 = arith.muli %parallel_loop3A_326#9, %mul3A_341 : vector<16xi32>
    %add3A_343 = arith.addi %mul3A_342, %iota3A : vector<16xi32>
    %add3A_344 = vector.broadcast %add3A_322 : i32 to vector<16xi32>
    %add3A_345 = arith.addi %add3A_343, %add3A_344 : vector<16xi32>
    %gt3A_346 = arith.cmpf ogt, %parallel_loop3A_326#1, %select_n3A_222 : vector<16xf32>
    %eq3A_347 = arith.cmpf oeq, %parallel_loop3A_326#1, %select_n3A_222 : vector<16xf32>
    %lt3A_348 = arith.cmpi slt, %add3A_345, %select_n3A_223 : vector<16xi32>
    %and3A_349 = arith.andi %eq3A_347, %lt3A_348 : vector<16xi1>
    %or3A_350 = arith.ori %gt3A_346, %and3A_349 : vector<16xi1>
    %select_n3A_351 = arith.select %or3A_350, %parallel_loop3A_326#1, %select_n3A_222 : vector<16xi1>, vector<16xf32>
    %select_n3A_352 = arith.select %or3A_350, %add3A_345, %select_n3A_223 : vector<16xi1>, vector<16xi32>
    %mul3A_353 = arith.constant 16 : i32
    %mul3A_354 = vector.broadcast %mul3A_353 : i32 to vector<16xi32>
    %mul3A_355 = arith.muli %parallel_loop3A_326#10, %mul3A_354 : vector<16xi32>
    %add3A_356 = arith.addi %mul3A_355, %iota3A : vector<16xi32>
    %add3A_357 = vector.broadcast %add3A_322 : i32 to vector<16xi32>
    %add3A_358 = arith.addi %add3A_356, %add3A_357 : vector<16xi32>
    %gt3A_359 = arith.cmpf ogt, %parallel_loop3A_326#2, %select_n3A_235 : vector<16xf32>
    %eq3A_360 = arith.cmpf oeq, %parallel_loop3A_326#2, %select_n3A_235 : vector<16xf32>
    %lt3A_361 = arith.cmpi slt, %add3A_358, %select_n3A_236 : vector<16xi32>
    %and3A_362 = arith.andi %eq3A_360, %lt3A_361 : vector<16xi1>
    %or3A_363 = arith.ori %gt3A_359, %and3A_362 : vector<16xi1>
    %select_n3A_364 = arith.select %or3A_363, %parallel_loop3A_326#2, %select_n3A_235 : vector<16xi1>, vector<16xf32>
    %select_n3A_365 = arith.select %or3A_363, %add3A_358, %select_n3A_236 : vector<16xi1>, vector<16xi32>
    %mul3A_366 = arith.constant 16 : i32
    %mul3A_367 = vector.broadcast %mul3A_366 : i32 to vector<16xi32>
    %mul3A_368 = arith.muli %parallel_loop3A_326#11, %mul3A_367 : vector<16xi32>
    %add3A_369 = arith.addi %mul3A_368, %iota3A : vector<16xi32>
    %add3A_370 = vector.broadcast %add3A_322 : i32 to vector<16xi32>
    %add3A_371 = arith.addi %add3A_369, %add3A_370 : vector<16xi32>
    %gt3A_372 = arith.cmpf ogt, %parallel_loop3A_326#3, %select_n3A_248 : vector<16xf32>
    %eq3A_373 = arith.cmpf oeq, %parallel_loop3A_326#3, %select_n3A_248 : vector<16xf32>
    %lt3A_374 = arith.cmpi slt, %add3A_371, %select_n3A_249 : vector<16xi32>
    %and3A_375 = arith.andi %eq3A_373, %lt3A_374 : vector<16xi1>
    %or3A_376 = arith.ori %gt3A_372, %and3A_375 : vector<16xi1>
    %select_n3A_377 = arith.select %or3A_376, %parallel_loop3A_326#3, %select_n3A_248 : vector<16xi1>, vector<16xf32>
    %select_n3A_378 = arith.select %or3A_376, %add3A_371, %select_n3A_249 : vector<16xi1>, vector<16xi32>
    %mul3A_379 = arith.constant 16 : i32
    %mul3A_380 = vector.broadcast %mul3A_379 : i32 to vector<16xi32>
    %mul3A_381 = arith.muli %parallel_loop3A_326#12, %mul3A_380 : vector<16xi32>
    %add3A_382 = arith.addi %mul3A_381, %iota3A : vector<16xi32>
    %add3A_383 = vector.broadcast %add3A_322 : i32 to vector<16xi32>
    %add3A_384 = arith.addi %add3A_382, %add3A_383 : vector<16xi32>
    %gt3A_385 = arith.cmpf ogt, %parallel_loop3A_326#4, %select_n3A_261 : vector<16xf32>
    %eq3A_386 = arith.cmpf oeq, %parallel_loop3A_326#4, %select_n3A_261 : vector<16xf32>
    %lt3A_387 = arith.cmpi slt, %add3A_384, %select_n3A_262 : vector<16xi32>
    %and3A_388 = arith.andi %eq3A_386, %lt3A_387 : vector<16xi1>
    %or3A_389 = arith.ori %gt3A_385, %and3A_388 : vector<16xi1>
    %select_n3A_390 = arith.select %or3A_389, %parallel_loop3A_326#4, %select_n3A_261 : vector<16xi1>, vector<16xf32>
    %select_n3A_391 = arith.select %or3A_389, %add3A_384, %select_n3A_262 : vector<16xi1>, vector<16xi32>
    %mul3A_392 = arith.constant 16 : i32
    %mul3A_393 = vector.broadcast %mul3A_392 : i32 to vector<16xi32>
    %mul3A_394 = arith.muli %parallel_loop3A_326#13, %mul3A_393 : vector<16xi32>
    %add3A_395 = arith.addi %mul3A_394, %iota3A : vector<16xi32>
    %add3A_396 = vector.broadcast %add3A_322 : i32 to vector<16xi32>
    %add3A_397 = arith.addi %add3A_395, %add3A_396 : vector<16xi32>
    %gt3A_398 = arith.cmpf ogt, %parallel_loop3A_326#5, %select_n3A_274 : vector<16xf32>
    %eq3A_399 = arith.cmpf oeq, %parallel_loop3A_326#5, %select_n3A_274 : vector<16xf32>
    %lt3A_400 = arith.cmpi slt, %add3A_397, %select_n3A_275 : vector<16xi32>
    %and3A_401 = arith.andi %eq3A_399, %lt3A_400 : vector<16xi1>
    %or3A_402 = arith.ori %gt3A_398, %and3A_401 : vector<16xi1>
    %select_n3A_403 = arith.select %or3A_402, %parallel_loop3A_326#5, %select_n3A_274 : vector<16xi1>, vector<16xf32>
    %select_n3A_404 = arith.select %or3A_402, %add3A_397, %select_n3A_275 : vector<16xi1>, vector<16xi32>
    %mul3A_405 = arith.constant 16 : i32
    %mul3A_406 = vector.broadcast %mul3A_405 : i32 to vector<16xi32>
    %mul3A_407 = arith.muli %parallel_loop3A_326#14, %mul3A_406 : vector<16xi32>
    %add3A_408 = arith.addi %mul3A_407, %iota3A : vector<16xi32>
    %add3A_409 = vector.broadcast %add3A_322 : i32 to vector<16xi32>
    %add3A_410 = arith.addi %add3A_408, %add3A_409 : vector<16xi32>
    %gt3A_411 = arith.cmpf ogt, %parallel_loop3A_326#6, %select_n3A_287 : vector<16xf32>
    %eq3A_412 = arith.cmpf oeq, %parallel_loop3A_326#6, %select_n3A_287 : vector<16xf32>
    %lt3A_413 = arith.cmpi slt, %add3A_410, %select_n3A_288 : vector<16xi32>
    %and3A_414 = arith.andi %eq3A_412, %lt3A_413 : vector<16xi1>
    %or3A_415 = arith.ori %gt3A_411, %and3A_414 : vector<16xi1>
    %select_n3A_416 = arith.select %or3A_415, %parallel_loop3A_326#6, %select_n3A_287 : vector<16xi1>, vector<16xf32>
    %select_n3A_417 = arith.select %or3A_415, %add3A_410, %select_n3A_288 : vector<16xi1>, vector<16xi32>
    %mul3A_418 = arith.constant 16 : i32
    %mul3A_419 = vector.broadcast %mul3A_418 : i32 to vector<16xi32>
    %mul3A_420 = arith.muli %parallel_loop3A_326#15, %mul3A_419 : vector<16xi32>
    %add3A_421 = arith.addi %mul3A_420, %iota3A : vector<16xi32>
    %add3A_422 = vector.broadcast %add3A_322 : i32 to vector<16xi32>
    %add3A_423 = arith.addi %add3A_421, %add3A_422 : vector<16xi32>
    %gt3A_424 = arith.cmpf ogt, %parallel_loop3A_326#7, %select_n3A_300 : vector<16xf32>
    %eq3A_425 = arith.cmpf oeq, %parallel_loop3A_326#7, %select_n3A_300 : vector<16xf32>
    %lt3A_426 = arith.cmpi slt, %add3A_423, %select_n3A_301 : vector<16xi32>
    %and3A_427 = arith.andi %eq3A_425, %lt3A_426 : vector<16xi1>
    %or3A_428 = arith.ori %gt3A_424, %and3A_427 : vector<16xi1>
    %select_n3A_429 = arith.select %or3A_428, %parallel_loop3A_326#7, %select_n3A_300 : vector<16xi1>, vector<16xf32>
    %select_n3A_430 = arith.select %or3A_428, %add3A_423, %select_n3A_301 : vector<16xi1>, vector<16xi32>
    %dma_wait3A_431 = arith.constant 0 : i32
    %dma_wait3A_432 = arith.constant 0 : i32
    %dma_wait3A_433 = tpu.memref_slice %arg6[%dma_wait3A_431, %dma_wait3A_432] : memref<8x6528xf32, #tpu.memory_space<vmem>> -> memref<8x6528xf32, #tpu.memory_space<vmem>>
    %dma_wait3A_434 = tpu.memref_slice %arg2[%multiple_of3A, %multiple_of3A_304] : memref<64x100000xf32, #tpu.memory_space<hbm>> -> memref<8x6528xf32, #tpu.memory_space<hbm>>
    %dma_wait3A_435 = arith.constant 0 : i32
    %dma_wait3A_436 = arith.constant 0 : i32
    %dma_wait3A_437 = tpu.memref_slice %arg6[%dma_wait3A_435, %dma_wait3A_436] : memref<8x6528xf32, #tpu.memory_space<vmem>> -> memref<8x6528xf32, #tpu.memory_space<vmem>>
    %dma_wait3A_438 = tpu.memref_slice %arg2[%multiple_of3A, %multiple_of3A_304] : memref<64x100000xf32, #tpu.memory_space<hbm>> -> memref<8x6528xf32, #tpu.memory_space<hbm>>
    tpu.wait_dma2 semaphore(%arg15 : memref<!tpu.dma_semaphore, #tpu.memory_space<semaphore_mem>>) src(%dma_wait3A_438 : memref<8x6528xf32, #tpu.memory_space<hbm>>) dst(%dma_wait3A_437 : memref<8x6528xf32, #tpu.memory_space<vmem>>)
    %add3A_439 = arith.constant 18432 : i32
    %add3A_440 = arith.addi %mul3A_34, %add3A_439 : i32
    %parallel_loop3A_441 = arith.constant 0 : i32
    %parallel_loop3A_442 = arith.constant 408 : i32
    %parallel_loop3A_443 = arith.constant 1 : i32
    %parallel_loop3A_444:16 = scf.for %parallel_loop3A_1241 = %parallel_loop3A_441 to %parallel_loop3A_442 step %parallel_loop3A_443 iter_args(%parallel_loop3A_1242 = %broadcast_in_dim3A_35, %parallel_loop3A_1243 = %broadcast_in_dim3A_35, %parallel_loop3A_1244 = %broadcast_in_dim3A_35, %parallel_loop3A_1245 = %broadcast_in_dim3A_35, %parallel_loop3A_1246 = %broadcast_in_dim3A_35, %parallel_loop3A_1247 = %broadcast_in_dim3A_35, %parallel_loop3A_1248 = %broadcast_in_dim3A_35, %parallel_loop3A_1249 = %broadcast_in_dim3A_35, %parallel_loop3A_1250 = %broadcast_in_dim3A_37, %parallel_loop3A_1251 = %broadcast_in_dim3A_37, %parallel_loop3A_1252 = %broadcast_in_dim3A_37, %parallel_loop3A_1253 = %broadcast_in_dim3A_37, %parallel_loop3A_1254 = %broadcast_in_dim3A_37, %parallel_loop3A_1255 = %broadcast_in_dim3A_37, %parallel_loop3A_1256 = %broadcast_in_dim3A_37, %parallel_loop3A_1257 = %broadcast_in_dim3A_37) -> (vector<16xf32>, vector<16xf32>, vector<16xf32>, vector<16xf32>, vector<16xf32>, vector<16xf32>, vector<16xf32>, vector<16xf32>, vector<16xi32>, vector<16xi32>, vector<16xi32>, vector<16xi32>, vector<16xi32>, vector<16xi32>, vector<16xi32>, vector<16xi32>)  : i32 {
      %parallel_loop3A_1258 = vector.broadcast %parallel_loop3A_1241 : i32 to vector<16xi32>
      %parallel_loop3A_1259 = arith.constant 16 : i32
      %parallel_loop3A_1260 = arith.muli %parallel_loop3A_1241, %parallel_loop3A_1259 : i32
      %parallel_loop3A_1261 = arith.constant 0 : i32
      %parallel_loop3A_1262 = arith.index_cast %parallel_loop3A_1261 : i32 to index
      %parallel_loop3A_1263 = arith.index_cast %parallel_loop3A_1260 : i32 to index
      %parallel_loop3A_1264 = tpu.vector_load %arg6[%parallel_loop3A_1262, %parallel_loop3A_1263] {strides = array<i32>} : memref<8x6528xf32, #tpu.memory_space<vmem>>, vector<1x16xf32>,
      %parallel_loop3A_1265 = vector.shape_cast %parallel_loop3A_1264 : vector<1x16xf32> to vector<16xf32>
      %parallel_loop3A_1266 = arith.cmpf ogt, %parallel_loop3A_1265, %parallel_loop3A_1242 : vector<16xf32>
      %parallel_loop3A_1267 = arith.select %parallel_loop3A_1266, %parallel_loop3A_1265, %parallel_loop3A_1242 : vector<16xi1>, vector<16xf32>
      %parallel_loop3A_1268 = arith.select %parallel_loop3A_1266, %parallel_loop3A_1258, %parallel_loop3A_1250 : vector<16xi1>, vector<16xi32>
      %parallel_loop3A_1269 = arith.constant 16 : i32
      %parallel_loop3A_1270 = arith.muli %parallel_loop3A_1241, %parallel_loop3A_1269 : i32
      %parallel_loop3A_1271 = arith.constant 1 : i32
      %parallel_loop3A_1272 = arith.index_cast %parallel_loop3A_1271 : i32 to index
      %parallel_loop3A_1273 = arith.index_cast %parallel_loop3A_1270 : i32 to index
      %parallel_loop3A_1274 = tpu.vector_load %arg6[%parallel_loop3A_1272, %parallel_loop3A_1273] {strides = array<i32>} : memref<8x6528xf32, #tpu.memory_space<vmem>>, vector<1x16xf32>,
      %parallel_loop3A_1275 = vector.shape_cast %parallel_loop3A_1274 : vector<1x16xf32> to vector<16xf32>
      %parallel_loop3A_1276 = arith.cmpf ogt, %parallel_loop3A_1275, %parallel_loop3A_1243 : vector<16xf32>
      %parallel_loop3A_1277 = arith.select %parallel_loop3A_1276, %parallel_loop3A_1275, %parallel_loop3A_1243 : vector<16xi1>, vector<16xf32>
      %parallel_loop3A_1278 = arith.select %parallel_loop3A_1276, %parallel_loop3A_1258, %parallel_loop3A_1251 : vector<16xi1>, vector<16xi32>
      %parallel_loop3A_1279 = arith.constant 16 : i32
      %parallel_loop3A_1280 = arith.muli %parallel_loop3A_1241, %parallel_loop3A_1279 : i32
      %parallel_loop3A_1281 = arith.constant 2 : i32
      %parallel_loop3A_1282 = arith.index_cast %parallel_loop3A_1281 : i32 to index
      %parallel_loop3A_1283 = arith.index_cast %parallel_loop3A_1280 : i32 to index
      %parallel_loop3A_1284 = tpu.vector_load %arg6[%parallel_loop3A_1282, %parallel_loop3A_1283] {strides = array<i32>} : memref<8x6528xf32, #tpu.memory_space<vmem>>, vector<1x16xf32>,
      %parallel_loop3A_1285 = vector.shape_cast %parallel_loop3A_1284 : vector<1x16xf32> to vector<16xf32>
      %parallel_loop3A_1286 = arith.cmpf ogt, %parallel_loop3A_1285, %parallel_loop3A_1244 : vector<16xf32>
      %parallel_loop3A_1287 = arith.select %parallel_loop3A_1286, %parallel_loop3A_1285, %parallel_loop3A_1244 : vector<16xi1>, vector<16xf32>
      %parallel_loop3A_1288 = arith.select %parallel_loop3A_1286, %parallel_loop3A_1258, %parallel_loop3A_1252 : vector<16xi1>, vector<16xi32>
      %parallel_loop3A_1289 = arith.constant 16 : i32
      %parallel_loop3A_1290 = arith.muli %parallel_loop3A_1241, %parallel_loop3A_1289 : i32
      %parallel_loop3A_1291 = arith.constant 3 : i32
      %parallel_loop3A_1292 = arith.index_cast %parallel_loop3A_1291 : i32 to index
      %parallel_loop3A_1293 = arith.index_cast %parallel_loop3A_1290 : i32 to index
      %parallel_loop3A_1294 = tpu.vector_load %arg6[%parallel_loop3A_1292, %parallel_loop3A_1293] {strides = array<i32>} : memref<8x6528xf32, #tpu.memory_space<vmem>>, vector<1x16xf32>,
      %parallel_loop3A_1295 = vector.shape_cast %parallel_loop3A_1294 : vector<1x16xf32> to vector<16xf32>
      %parallel_loop3A_1296 = arith.cmpf ogt, %parallel_loop3A_1295, %parallel_loop3A_1245 : vector<16xf32>
      %parallel_loop3A_1297 = arith.select %parallel_loop3A_1296, %parallel_loop3A_1295, %parallel_loop3A_1245 : vector<16xi1>, vector<16xf32>
      %parallel_loop3A_1298 = arith.select %parallel_loop3A_1296, %parallel_loop3A_1258, %parallel_loop3A_1253 : vector<16xi1>, vector<16xi32>
      %parallel_loop3A_1299 = arith.constant 16 : i32
      %parallel_loop3A_1300 = arith.muli %parallel_loop3A_1241, %parallel_loop3A_1299 : i32
      %parallel_loop3A_1301 = arith.constant 4 : i32
      %parallel_loop3A_1302 = arith.index_cast %parallel_loop3A_1301 : i32 to index
      %parallel_loop3A_1303 = arith.index_cast %parallel_loop3A_1300 : i32 to index
      %parallel_loop3A_1304 = tpu.vector_load %arg6[%parallel_loop3A_1302, %parallel_loop3A_1303] {strides = array<i32>} : memref<8x6528xf32, #tpu.memory_space<vmem>>, vector<1x16xf32>,
      %parallel_loop3A_1305 = vector.shape_cast %parallel_loop3A_1304 : vector<1x16xf32> to vector<16xf32>
      %parallel_loop3A_1306 = arith.cmpf ogt, %parallel_loop3A_1305, %parallel_loop3A_1246 : vector<16xf32>
      %parallel_loop3A_1307 = arith.select %parallel_loop3A_1306, %parallel_loop3A_1305, %parallel_loop3A_1246 : vector<16xi1>, vector<16xf32>
      %parallel_loop3A_1308 = arith.select %parallel_loop3A_1306, %parallel_loop3A_1258, %parallel_loop3A_1254 : vector<16xi1>, vector<16xi32>
      %parallel_loop3A_1309 = arith.constant 16 : i32
      %parallel_loop3A_1310 = arith.muli %parallel_loop3A_1241, %parallel_loop3A_1309 : i32
      %parallel_loop3A_1311 = arith.constant 5 : i32
      %parallel_loop3A_1312 = arith.index_cast %parallel_loop3A_1311 : i32 to index
      %parallel_loop3A_1313 = arith.index_cast %parallel_loop3A_1310 : i32 to index
      %parallel_loop3A_1314 = tpu.vector_load %arg6[%parallel_loop3A_1312, %parallel_loop3A_1313] {strides = array<i32>} : memref<8x6528xf32, #tpu.memory_space<vmem>>, vector<1x16xf32>,
      %parallel_loop3A_1315 = vector.shape_cast %parallel_loop3A_1314 : vector<1x16xf32> to vector<16xf32>
      %parallel_loop3A_1316 = arith.cmpf ogt, %parallel_loop3A_1315, %parallel_loop3A_1247 : vector<16xf32>
      %parallel_loop3A_1317 = arith.select %parallel_loop3A_1316, %parallel_loop3A_1315, %parallel_loop3A_1247 : vector<16xi1>, vector<16xf32>
      %parallel_loop3A_1318 = arith.select %parallel_loop3A_1316, %parallel_loop3A_1258, %parallel_loop3A_1255 : vector<16xi1>, vector<16xi32>
      %parallel_loop3A_1319 = arith.constant 16 : i32
      %parallel_loop3A_1320 = arith.muli %parallel_loop3A_1241, %parallel_loop3A_1319 : i32
      %parallel_loop3A_1321 = arith.constant 6 : i32
      %parallel_loop3A_1322 = arith.index_cast %parallel_loop3A_1321 : i32 to index
      %parallel_loop3A_1323 = arith.index_cast %parallel_loop3A_1320 : i32 to index
      %parallel_loop3A_1324 = tpu.vector_load %arg6[%parallel_loop3A_1322, %parallel_loop3A_1323] {strides = array<i32>} : memref<8x6528xf32, #tpu.memory_space<vmem>>, vector<1x16xf32>,
      %parallel_loop3A_1325 = vector.shape_cast %parallel_loop3A_1324 : vector<1x16xf32> to vector<16xf32>
      %parallel_loop3A_1326 = arith.cmpf ogt, %parallel_loop3A_1325, %parallel_loop3A_1248 : vector<16xf32>
      %parallel_loop3A_1327 = arith.select %parallel_loop3A_1326, %parallel_loop3A_1325, %parallel_loop3A_1248 : vector<16xi1>, vector<16xf32>
      %parallel_loop3A_1328 = arith.select %parallel_loop3A_1326, %parallel_loop3A_1258, %parallel_loop3A_1256 : vector<16xi1>, vector<16xi32>
      %parallel_loop3A_1329 = arith.constant 16 : i32
      %parallel_loop3A_1330 = arith.muli %parallel_loop3A_1241, %parallel_loop3A_1329 : i32
      %parallel_loop3A_1331 = arith.constant 7 : i32
      %parallel_loop3A_1332 = arith.index_cast %parallel_loop3A_1331 : i32 to index
      %parallel_loop3A_1333 = arith.index_cast %parallel_loop3A_1330 : i32 to index
      %parallel_loop3A_1334 = tpu.vector_load %arg6[%parallel_loop3A_1332, %parallel_loop3A_1333] {strides = array<i32>} : memref<8x6528xf32, #tpu.memory_space<vmem>>, vector<1x16xf32>,
      %parallel_loop3A_1335 = vector.shape_cast %parallel_loop3A_1334 : vector<1x16xf32> to vector<16xf32>
      %parallel_loop3A_1336 = arith.cmpf ogt, %parallel_loop3A_1335, %parallel_loop3A_1249 : vector<16xf32>
      %parallel_loop3A_1337 = arith.select %parallel_loop3A_1336, %parallel_loop3A_1335, %parallel_loop3A_1249 : vector<16xi1>, vector<16xf32>
      %parallel_loop3A_1338 = arith.select %parallel_loop3A_1336, %parallel_loop3A_1258, %parallel_loop3A_1257 : vector<16xi1>, vector<16xi32>
      scf.yield %parallel_loop3A_1267, %parallel_loop3A_1277, %parallel_loop3A_1287, %parallel_loop3A_1297, %parallel_loop3A_1307, %parallel_loop3A_1317, %parallel_loop3A_1327, %parallel_loop3A_1337, %parallel_loop3A_1268, %parallel_loop3A_1278, %parallel_loop3A_1288, %parallel_loop3A_1298, %parallel_loop3A_1308, %parallel_loop3A_1318, %parallel_loop3A_1328, %parallel_loop3A_1338 : vector<16xf32>, vector<16xf32>, vector<16xf32>, vector<16xf32>, vector<16xf32>, vector<16xf32>, vector<16xf32>, vector<16xf32>, vector<16xi32>, vector<16xi32>, vector<16xi32>, vector<16xi32>, vector<16xi32>, vector<16xi32>, vector<16xi32>, vector<16xi32>
    } {sc.loop_unroll_factor = 4 : i64, sc.parallel_access}
    %mul3A_445 = arith.constant 16 : i32
    %mul3A_446 = vector.broadcast %mul3A_445 : i32 to vector<16xi32>
    %mul3A_447 = arith.muli %parallel_loop3A_444#8, %mul3A_446 : vector<16xi32>
    %add3A_448 = arith.addi %mul3A_447, %iota3A : vector<16xi32>
    %add3A_449 = vector.broadcast %add3A_440 : i32 to vector<16xi32>
    %add3A_450 = arith.addi %add3A_448, %add3A_449 : vector<16xi32>
    %gt3A_451 = arith.cmpf ogt, %parallel_loop3A_444#0, %select_n3A_338 : vector<16xf32>
    %eq3A_452 = arith.cmpf oeq, %parallel_loop3A_444#0, %select_n3A_338 : vector<16xf32>
    %lt3A_453 = arith.cmpi slt, %add3A_450, %select_n3A_339 : vector<16xi32>
    %and3A_454 = arith.andi %eq3A_452, %lt3A_453 : vector<16xi1>
    %or3A_455 = arith.ori %gt3A_451, %and3A_454 : vector<16xi1>
    %select_n3A_456 = arith.select %or3A_455, %parallel_loop3A_444#0, %select_n3A_338 : vector<16xi1>, vector<16xf32>
    %select_n3A_457 = arith.select %or3A_455, %add3A_450, %select_n3A_339 : vector<16xi1>, vector<16xi32>
    %mul3A_458 = arith.constant 16 : i32
    %mul3A_459 = vector.broadcast %mul3A_458 : i32 to vector<16xi32>
    %mul3A_460 = arith.muli %parallel_loop3A_444#9, %mul3A_459 : vector<16xi32>
    %add3A_461 = arith.addi %mul3A_460, %iota3A : vector<16xi32>
    %add3A_462 = vector.broadcast %add3A_440 : i32 to vector<16xi32>
    %add3A_463 = arith.addi %add3A_461, %add3A_462 : vector<16xi32>
    %gt3A_464 = arith.cmpf ogt, %parallel_loop3A_444#1, %select_n3A_351 : vector<16xf32>
    %eq3A_465 = arith.cmpf oeq, %parallel_loop3A_444#1, %select_n3A_351 : vector<16xf32>
    %lt3A_466 = arith.cmpi slt, %add3A_463, %select_n3A_352 : vector<16xi32>
    %and3A_467 = arith.andi %eq3A_465, %lt3A_466 : vector<16xi1>
    %or3A_468 = arith.ori %gt3A_464, %and3A_467 : vector<16xi1>
    %select_n3A_469 = arith.select %or3A_468, %parallel_loop3A_444#1, %select_n3A_351 : vector<16xi1>, vector<16xf32>
    %select_n3A_470 = arith.select %or3A_468, %add3A_463, %select_n3A_352 : vector<16xi1>, vector<16xi32>
    %mul3A_471 = arith.constant 16 : i32
    %mul3A_472 = vector.broadcast %mul3A_471 : i32 to vector<16xi32>
    %mul3A_473 = arith.muli %parallel_loop3A_444#10, %mul3A_472 : vector<16xi32>
    %add3A_474 = arith.addi %mul3A_473, %iota3A : vector<16xi32>
    %add3A_475 = vector.broadcast %add3A_440 : i32 to vector<16xi32>
    %add3A_476 = arith.addi %add3A_474, %add3A_475 : vector<16xi32>
    %gt3A_477 = arith.cmpf ogt, %parallel_loop3A_444#2, %select_n3A_364 : vector<16xf32>
    %eq3A_478 = arith.cmpf oeq, %parallel_loop3A_444#2, %select_n3A_364 : vector<16xf32>
    %lt3A_479 = arith.cmpi slt, %add3A_476, %select_n3A_365 : vector<16xi32>
    %and3A_480 = arith.andi %eq3A_478, %lt3A_479 : vector<16xi1>
    %or3A_481 = arith.ori %gt3A_477, %and3A_480 : vector<16xi1>
    %select_n3A_482 = arith.select %or3A_481, %parallel_loop3A_444#2, %select_n3A_364 : vector<16xi1>, vector<16xf32>
    %select_n3A_483 = arith.select %or3A_481, %add3A_476, %select_n3A_365 : vector<16xi1>, vector<16xi32>
    %mul3A_484 = arith.constant 16 : i32
    %mul3A_485 = vector.broadcast %mul3A_484 : i32 to vector<16xi32>
    %mul3A_486 = arith.muli %parallel_loop3A_444#11, %mul3A_485 : vector<16xi32>
    %add3A_487 = arith.addi %mul3A_486, %iota3A : vector<16xi32>
    %add3A_488 = vector.broadcast %add3A_440 : i32 to vector<16xi32>
    %add3A_489 = arith.addi %add3A_487, %add3A_488 : vector<16xi32>
    %gt3A_490 = arith.cmpf ogt, %parallel_loop3A_444#3, %select_n3A_377 : vector<16xf32>
    %eq3A_491 = arith.cmpf oeq, %parallel_loop3A_444#3, %select_n3A_377 : vector<16xf32>
    %lt3A_492 = arith.cmpi slt, %add3A_489, %select_n3A_378 : vector<16xi32>
    %and3A_493 = arith.andi %eq3A_491, %lt3A_492 : vector<16xi1>
    %or3A_494 = arith.ori %gt3A_490, %and3A_493 : vector<16xi1>
    %select_n3A_495 = arith.select %or3A_494, %parallel_loop3A_444#3, %select_n3A_377 : vector<16xi1>, vector<16xf32>
    %select_n3A_496 = arith.select %or3A_494, %add3A_489, %select_n3A_378 : vector<16xi1>, vector<16xi32>
    %mul3A_497 = arith.constant 16 : i32
    %mul3A_498 = vector.broadcast %mul3A_497 : i32 to vector<16xi32>
    %mul3A_499 = arith.muli %parallel_loop3A_444#12, %mul3A_498 : vector<16xi32>
    %add3A_500 = arith.addi %mul3A_499, %iota3A : vector<16xi32>
    %add3A_501 = vector.broadcast %add3A_440 : i32 to vector<16xi32>
    %add3A_502 = arith.addi %add3A_500, %add3A_501 : vector<16xi32>
    %gt3A_503 = arith.cmpf ogt, %parallel_loop3A_444#4, %select_n3A_390 : vector<16xf32>
    %eq3A_504 = arith.cmpf oeq, %parallel_loop3A_444#4, %select_n3A_390 : vector<16xf32>
    %lt3A_505 = arith.cmpi slt, %add3A_502, %select_n3A_391 : vector<16xi32>
    %and3A_506 = arith.andi %eq3A_504, %lt3A_505 : vector<16xi1>
    %or3A_507 = arith.ori %gt3A_503, %and3A_506 : vector<16xi1>
    %select_n3A_508 = arith.select %or3A_507, %parallel_loop3A_444#4, %select_n3A_390 : vector<16xi1>, vector<16xf32>
    %select_n3A_509 = arith.select %or3A_507, %add3A_502, %select_n3A_391 : vector<16xi1>, vector<16xi32>
    %mul3A_510 = arith.constant 16 : i32
    %mul3A_511 = vector.broadcast %mul3A_510 : i32 to vector<16xi32>
    %mul3A_512 = arith.muli %parallel_loop3A_444#13, %mul3A_511 : vector<16xi32>
    %add3A_513 = arith.addi %mul3A_512, %iota3A : vector<16xi32>
    %add3A_514 = vector.broadcast %add3A_440 : i32 to vector<16xi32>
    %add3A_515 = arith.addi %add3A_513, %add3A_514 : vector<16xi32>
    %gt3A_516 = arith.cmpf ogt, %parallel_loop3A_444#5, %select_n3A_403 : vector<16xf32>
    %eq3A_517 = arith.cmpf oeq, %parallel_loop3A_444#5, %select_n3A_403 : vector<16xf32>
    %lt3A_518 = arith.cmpi slt, %add3A_515, %select_n3A_404 : vector<16xi32>
    %and3A_519 = arith.andi %eq3A_517, %lt3A_518 : vector<16xi1>
    %or3A_520 = arith.ori %gt3A_516, %and3A_519 : vector<16xi1>
    %select_n3A_521 = arith.select %or3A_520, %parallel_loop3A_444#5, %select_n3A_403 : vector<16xi1>, vector<16xf32>
    %select_n3A_522 = arith.select %or3A_520, %add3A_515, %select_n3A_404 : vector<16xi1>, vector<16xi32>
    %mul3A_523 = arith.constant 16 : i32
    %mul3A_524 = vector.broadcast %mul3A_523 : i32 to vector<16xi32>
    %mul3A_525 = arith.muli %parallel_loop3A_444#14, %mul3A_524 : vector<16xi32>
    %add3A_526 = arith.addi %mul3A_525, %iota3A : vector<16xi32>
    %add3A_527 = vector.broadcast %add3A_440 : i32 to vector<16xi32>
    %add3A_528 = arith.addi %add3A_526, %add3A_527 : vector<16xi32>
    %gt3A_529 = arith.cmpf ogt, %parallel_loop3A_444#6, %select_n3A_416 : vector<16xf32>
    %eq3A_530 = arith.cmpf oeq, %parallel_loop3A_444#6, %select_n3A_416 : vector<16xf32>
    %lt3A_531 = arith.cmpi slt, %add3A_528, %select_n3A_417 : vector<16xi32>
    %and3A_532 = arith.andi %eq3A_530, %lt3A_531 : vector<16xi1>
    %or3A_533 = arith.ori %gt3A_529, %and3A_532 : vector<16xi1>
    %select_n3A_534 = arith.select %or3A_533, %parallel_loop3A_444#6, %select_n3A_416 : vector<16xi1>, vector<16xf32>
    %select_n3A_535 = arith.select %or3A_533, %add3A_528, %select_n3A_417 : vector<16xi1>, vector<16xi32>
    %mul3A_536 = arith.constant 16 : i32
    %mul3A_537 = vector.broadcast %mul3A_536 : i32 to vector<16xi32>
    %mul3A_538 = arith.muli %parallel_loop3A_444#15, %mul3A_537 : vector<16xi32>
    %add3A_539 = arith.addi %mul3A_538, %iota3A : vector<16xi32>
    %add3A_540 = vector.broadcast %add3A_440 : i32 to vector<16xi32>
    %add3A_541 = arith.addi %add3A_539, %add3A_540 : vector<16xi32>
    %gt3A_542 = arith.cmpf ogt, %parallel_loop3A_444#7, %select_n3A_429 : vector<16xf32>
    %eq3A_543 = arith.cmpf oeq, %parallel_loop3A_444#7, %select_n3A_429 : vector<16xf32>
    %lt3A_544 = arith.cmpi slt, %add3A_541, %select_n3A_430 : vector<16xi32>
    %and3A_545 = arith.andi %eq3A_543, %lt3A_544 : vector<16xi1>
    %or3A_546 = arith.ori %gt3A_542, %and3A_545 : vector<16xi1>
    %select_n3A_547 = arith.select %or3A_546, %parallel_loop3A_444#7, %select_n3A_429 : vector<16xi1>, vector<16xf32>
    %select_n3A_548 = arith.select %or3A_546, %add3A_541, %select_n3A_430 : vector<16xi1>, vector<16xi32>
    "tpu.region"() ({
      %run_scoped3A = tpu.sem_alloc : memref<!tpu.dma_semaphore, #tpu.memory_space<semaphore_mem>>
      %dma_start3A_1241 = arith.constant 0 : i32
      %dma_start3A_1242 = arith.constant 0 : i32
      %dma_start3A_1243 = tpu.memref_slice %arg5[%dma_start3A_1241, %dma_start3A_1242] : memref<8x6528xf32, #tpu.memory_space<vmem>> -> memref<8x256xf32, #tpu.memory_space<vmem>>
      %dma_start3A_1244 = arith.constant 0 : i32
      %dma_start3A_1245 = tpu.memref_slice %arg3[%multiple_of3A, %dma_start3A_1244] : memref<64x256xf32, #tpu.memory_space<hbm>> -> memref<8x256xf32, #tpu.memory_space<hbm>>
      %dma_start3A_1246 = arith.constant 0 : i32
      %dma_start3A_1247 = arith.constant 0 : i32
      %dma_start3A_1248 = tpu.memref_slice %arg5[%dma_start3A_1246, %dma_start3A_1247] : memref<8x6528xf32, #tpu.memory_space<vmem>> -> memref<8x256xf32, #tpu.memory_space<vmem>>
      %dma_start3A_1249 = arith.constant 0 : i32
      %dma_start3A_1250 = tpu.memref_slice %arg3[%multiple_of3A, %dma_start3A_1249] : memref<64x256xf32, #tpu.memory_space<hbm>> -> memref<8x256xf32, #tpu.memory_space<hbm>>
      tpu.enqueue_dma source(%dma_start3A_1250 : memref<8x256xf32, #tpu.memory_space<hbm>>) target(%dma_start3A_1248 : memref<8x256xf32, #tpu.memory_space<vmem>>) target_semaphore(%run_scoped3A : memref<!tpu.dma_semaphore, #tpu.memory_space<semaphore_mem>>)
      %dma_wait3A_1251 = arith.constant 0 : i32
      %dma_wait3A_1252 = arith.constant 0 : i32
      %dma_wait3A_1253 = tpu.memref_slice %arg5[%dma_wait3A_1251, %dma_wait3A_1252] : memref<8x6528xf32, #tpu.memory_space<vmem>> -> memref<8x256xf32, #tpu.memory_space<vmem>>
      %dma_wait3A_1254 = arith.constant 0 : i32
      %dma_wait3A_1255 = tpu.memref_slice %arg3[%multiple_of3A, %dma_wait3A_1254] : memref<64x256xf32, #tpu.memory_space<hbm>> -> memref<8x256xf32, #tpu.memory_space<hbm>>
      %dma_wait3A_1256 = arith.constant 0 : i32
      %dma_wait3A_1257 = arith.constant 0 : i32
      %dma_wait3A_1258 = tpu.memref_slice %arg5[%dma_wait3A_1256, %dma_wait3A_1257] : memref<8x6528xf32, #tpu.memory_space<vmem>> -> memref<8x256xf32, #tpu.memory_space<vmem>>
      %dma_wait3A_1259 = arith.constant 0 : i32
      %dma_wait3A_1260 = tpu.memref_slice %arg3[%multiple_of3A, %dma_wait3A_1259] : memref<64x256xf32, #tpu.memory_space<hbm>> -> memref<8x256xf32, #tpu.memory_space<hbm>>
      tpu.wait_dma2 semaphore(%run_scoped3A : memref<!tpu.dma_semaphore, #tpu.memory_space<semaphore_mem>>) src(%dma_wait3A_1260 : memref<8x256xf32, #tpu.memory_space<hbm>>) dst(%dma_wait3A_1258 : memref<8x256xf32, #tpu.memory_space<vmem>>)
      tpu.yield
    }) : () -> ()
    %parallel_loop3A_549 = arith.constant 0 : i32
    %parallel_loop3A_550 = arith.constant 10 : i32
    %parallel_loop3A_551 = arith.constant 1 : i32
    %parallel_loop3A_552:16 = scf.for %parallel_loop3A_1241 = %parallel_loop3A_549 to %parallel_loop3A_550 step %parallel_loop3A_551 iter_args(%parallel_loop3A_1242 = %broadcast_in_dim3A_35, %parallel_loop3A_1243 = %broadcast_in_dim3A_35, %parallel_loop3A_1244 = %broadcast_in_dim3A_35, %parallel_loop3A_1245 = %broadcast_in_dim3A_35, %parallel_loop3A_1246 = %broadcast_in_dim3A_35, %parallel_loop3A_1247 = %broadcast_in_dim3A_35, %parallel_loop3A_1248 = %broadcast_in_dim3A_35, %parallel_loop3A_1249 = %broadcast_in_dim3A_35, %parallel_loop3A_1250 = %broadcast_in_dim3A_37, %parallel_loop3A_1251 = %broadcast_in_dim3A_37, %parallel_loop3A_1252 = %broadcast_in_dim3A_37, %parallel_loop3A_1253 = %broadcast_in_dim3A_37, %parallel_loop3A_1254 = %broadcast_in_dim3A_37, %parallel_loop3A_1255 = %broadcast_in_dim3A_37, %parallel_loop3A_1256 = %broadcast_in_dim3A_37, %parallel_loop3A_1257 = %broadcast_in_dim3A_37) -> (vector<16xf32>, vector<16xf32>, vector<16xf32>, vector<16xf32>, vector<16xf32>, vector<16xf32>, vector<16xf32>, vector<16xf32>, vector<16xi32>, vector<16xi32>, vector<16xi32>, vector<16xi32>, vector<16xi32>, vector<16xi32>, vector<16xi32>, vector<16xi32>)  : i32 {
      %parallel_loop3A_1258 = vector.broadcast %parallel_loop3A_1241 : i32 to vector<16xi32>
      %parallel_loop3A_1259 = arith.constant 16 : i32
      %parallel_loop3A_1260 = arith.muli %parallel_loop3A_1241, %parallel_loop3A_1259 : i32
      %parallel_loop3A_1261 = arith.constant 0 : i32
      %parallel_loop3A_1262 = arith.index_cast %parallel_loop3A_1261 : i32 to index
      %parallel_loop3A_1263 = arith.index_cast %parallel_loop3A_1260 : i32 to index
      %parallel_loop3A_1264 = tpu.vector_load %arg5[%parallel_loop3A_1262, %parallel_loop3A_1263] {strides = array<i32>} : memref<8x6528xf32, #tpu.memory_space<vmem>>, vector<1x16xf32>,
      %parallel_loop3A_1265 = vector.shape_cast %parallel_loop3A_1264 : vector<1x16xf32> to vector<16xf32>
      %parallel_loop3A_1266 = arith.cmpf ogt, %parallel_loop3A_1265, %parallel_loop3A_1242 : vector<16xf32>
      %parallel_loop3A_1267 = arith.select %parallel_loop3A_1266, %parallel_loop3A_1265, %parallel_loop3A_1242 : vector<16xi1>, vector<16xf32>
      %parallel_loop3A_1268 = arith.select %parallel_loop3A_1266, %parallel_loop3A_1258, %parallel_loop3A_1250 : vector<16xi1>, vector<16xi32>
      %parallel_loop3A_1269 = arith.constant 16 : i32
      %parallel_loop3A_1270 = arith.muli %parallel_loop3A_1241, %parallel_loop3A_1269 : i32
      %parallel_loop3A_1271 = arith.constant 1 : i32
      %parallel_loop3A_1272 = arith.index_cast %parallel_loop3A_1271 : i32 to index
      %parallel_loop3A_1273 = arith.index_cast %parallel_loop3A_1270 : i32 to index
      %parallel_loop3A_1274 = tpu.vector_load %arg5[%parallel_loop3A_1272, %parallel_loop3A_1273] {strides = array<i32>} : memref<8x6528xf32, #tpu.memory_space<vmem>>, vector<1x16xf32>,
      %parallel_loop3A_1275 = vector.shape_cast %parallel_loop3A_1274 : vector<1x16xf32> to vector<16xf32>
      %parallel_loop3A_1276 = arith.cmpf ogt, %parallel_loop3A_1275, %parallel_loop3A_1243 : vector<16xf32>
      %parallel_loop3A_1277 = arith.select %parallel_loop3A_1276, %parallel_loop3A_1275, %parallel_loop3A_1243 : vector<16xi1>, vector<16xf32>
      %parallel_loop3A_1278 = arith.select %parallel_loop3A_1276, %parallel_loop3A_1258, %parallel_loop3A_1251 : vector<16xi1>, vector<16xi32>
      %parallel_loop3A_1279 = arith.constant 16 : i32
      %parallel_loop3A_1280 = arith.muli %parallel_loop3A_1241, %parallel_loop3A_1279 : i32
      %parallel_loop3A_1281 = arith.constant 2 : i32
      %parallel_loop3A_1282 = arith.index_cast %parallel_loop3A_1281 : i32 to index
      %parallel_loop3A_1283 = arith.index_cast %parallel_loop3A_1280 : i32 to index
      %parallel_loop3A_1284 = tpu.vector_load %arg5[%parallel_loop3A_1282, %parallel_loop3A_1283] {strides = array<i32>} : memref<8x6528xf32, #tpu.memory_space<vmem>>, vector<1x16xf32>,
      %parallel_loop3A_1285 = vector.shape_cast %parallel_loop3A_1284 : vector<1x16xf32> to vector<16xf32>
      %parallel_loop3A_1286 = arith.cmpf ogt, %parallel_loop3A_1285, %parallel_loop3A_1244 : vector<16xf32>
      %parallel_loop3A_1287 = arith.select %parallel_loop3A_1286, %parallel_loop3A_1285, %parallel_loop3A_1244 : vector<16xi1>, vector<16xf32>
      %parallel_loop3A_1288 = arith.select %parallel_loop3A_1286, %parallel_loop3A_1258, %parallel_loop3A_1252 : vector<16xi1>, vector<16xi32>
      %parallel_loop3A_1289 = arith.constant 16 : i32
      %parallel_loop3A_1290 = arith.muli %parallel_loop3A_1241, %parallel_loop3A_1289 : i32
      %parallel_loop3A_1291 = arith.constant 3 : i32
      %parallel_loop3A_1292 = arith.index_cast %parallel_loop3A_1291 : i32 to index
      %parallel_loop3A_1293 = arith.index_cast %parallel_loop3A_1290 : i32 to index
      %parallel_loop3A_1294 = tpu.vector_load %arg5[%parallel_loop3A_1292, %parallel_loop3A_1293] {strides = array<i32>} : memref<8x6528xf32, #tpu.memory_space<vmem>>, vector<1x16xf32>,
      %parallel_loop3A_1295 = vector.shape_cast %parallel_loop3A_1294 : vector<1x16xf32> to vector<16xf32>
      %parallel_loop3A_1296 = arith.cmpf ogt, %parallel_loop3A_1295, %parallel_loop3A_1245 : vector<16xf32>
      %parallel_loop3A_1297 = arith.select %parallel_loop3A_1296, %parallel_loop3A_1295, %parallel_loop3A_1245 : vector<16xi1>, vector<16xf32>
      %parallel_loop3A_1298 = arith.select %parallel_loop3A_1296, %parallel_loop3A_1258, %parallel_loop3A_1253 : vector<16xi1>, vector<16xi32>
      %parallel_loop3A_1299 = arith.constant 16 : i32
      %parallel_loop3A_1300 = arith.muli %parallel_loop3A_1241, %parallel_loop3A_1299 : i32
      %parallel_loop3A_1301 = arith.constant 4 : i32
      %parallel_loop3A_1302 = arith.index_cast %parallel_loop3A_1301 : i32 to index
      %parallel_loop3A_1303 = arith.index_cast %parallel_loop3A_1300 : i32 to index
      %parallel_loop3A_1304 = tpu.vector_load %arg5[%parallel_loop3A_1302, %parallel_loop3A_1303] {strides = array<i32>} : memref<8x6528xf32, #tpu.memory_space<vmem>>, vector<1x16xf32>,
      %parallel_loop3A_1305 = vector.shape_cast %parallel_loop3A_1304 : vector<1x16xf32> to vector<16xf32>
      %parallel_loop3A_1306 = arith.cmpf ogt, %parallel_loop3A_1305, %parallel_loop3A_1246 : vector<16xf32>
      %parallel_loop3A_1307 = arith.select %parallel_loop3A_1306, %parallel_loop3A_1305, %parallel_loop3A_1246 : vector<16xi1>, vector<16xf32>
      %parallel_loop3A_1308 = arith.select %parallel_loop3A_1306, %parallel_loop3A_1258, %parallel_loop3A_1254 : vector<16xi1>, vector<16xi32>
      %parallel_loop3A_1309 = arith.constant 16 : i32
      %parallel_loop3A_1310 = arith.muli %parallel_loop3A_1241, %parallel_loop3A_1309 : i32
      %parallel_loop3A_1311 = arith.constant 5 : i32
      %parallel_loop3A_1312 = arith.index_cast %parallel_loop3A_1311 : i32 to index
      %parallel_loop3A_1313 = arith.index_cast %parallel_loop3A_1310 : i32 to index
      %parallel_loop3A_1314 = tpu.vector_load %arg5[%parallel_loop3A_1312, %parallel_loop3A_1313] {strides = array<i32>} : memref<8x6528xf32, #tpu.memory_space<vmem>>, vector<1x16xf32>,
      %parallel_loop3A_1315 = vector.shape_cast %parallel_loop3A_1314 : vector<1x16xf32> to vector<16xf32>
      %parallel_loop3A_1316 = arith.cmpf ogt, %parallel_loop3A_1315, %parallel_loop3A_1247 : vector<16xf32>
      %parallel_loop3A_1317 = arith.select %parallel_loop3A_1316, %parallel_loop3A_1315, %parallel_loop3A_1247 : vector<16xi1>, vector<16xf32>
      %parallel_loop3A_1318 = arith.select %parallel_loop3A_1316, %parallel_loop3A_1258, %parallel_loop3A_1255 : vector<16xi1>, vector<16xi32>
      %parallel_loop3A_1319 = arith.constant 16 : i32
      %parallel_loop3A_1320 = arith.muli %parallel_loop3A_1241, %parallel_loop3A_1319 : i32
      %parallel_loop3A_1321 = arith.constant 6 : i32
      %parallel_loop3A_1322 = arith.index_cast %parallel_loop3A_1321 : i32 to index
      %parallel_loop3A_1323 = arith.index_cast %parallel_loop3A_1320 : i32 to index
      %parallel_loop3A_1324 = tpu.vector_load %arg5[%parallel_loop3A_1322, %parallel_loop3A_1323] {strides = array<i32>} : memref<8x6528xf32, #tpu.memory_space<vmem>>, vector<1x16xf32>,
      %parallel_loop3A_1325 = vector.shape_cast %parallel_loop3A_1324 : vector<1x16xf32> to vector<16xf32>
      %parallel_loop3A_1326 = arith.cmpf ogt, %parallel_loop3A_1325, %parallel_loop3A_1248 : vector<16xf32>
      %parallel_loop3A_1327 = arith.select %parallel_loop3A_1326, %parallel_loop3A_1325, %parallel_loop3A_1248 : vector<16xi1>, vector<16xf32>
      %parallel_loop3A_1328 = arith.select %parallel_loop3A_1326, %parallel_loop3A_1258, %parallel_loop3A_1256 : vector<16xi1>, vector<16xi32>
      %parallel_loop3A_1329 = arith.constant 16 : i32
      %parallel_loop3A_1330 = arith.muli %parallel_loop3A_1241, %parallel_loop3A_1329 : i32
      %parallel_loop3A_1331 = arith.constant 7 : i32
      %parallel_loop3A_1332 = arith.index_cast %parallel_loop3A_1331 : i32 to index
      %parallel_loop3A_1333 = arith.index_cast %parallel_loop3A_1330 : i32 to index
      %parallel_loop3A_1334 = tpu.vector_load %arg5[%parallel_loop3A_1332, %parallel_loop3A_1333] {strides = array<i32>} : memref<8x6528xf32, #tpu.memory_space<vmem>>, vector<1x16xf32>,
      %parallel_loop3A_1335 = vector.shape_cast %parallel_loop3A_1334 : vector<1x16xf32> to vector<16xf32>
      %parallel_loop3A_1336 = arith.cmpf ogt, %parallel_loop3A_1335, %parallel_loop3A_1249 : vector<16xf32>
      %parallel_loop3A_1337 = arith.select %parallel_loop3A_1336, %parallel_loop3A_1335, %parallel_loop3A_1249 : vector<16xi1>, vector<16xf32>
      %parallel_loop3A_1338 = arith.select %parallel_loop3A_1336, %parallel_loop3A_1258, %parallel_loop3A_1257 : vector<16xi1>, vector<16xi32>
      scf.yield %parallel_loop3A_1267, %parallel_loop3A_1277, %parallel_loop3A_1287, %parallel_loop3A_1297, %parallel_loop3A_1307, %parallel_loop3A_1317, %parallel_loop3A_1327, %parallel_loop3A_1337, %parallel_loop3A_1268, %parallel_loop3A_1278, %parallel_loop3A_1288, %parallel_loop3A_1298, %parallel_loop3A_1308, %parallel_loop3A_1318, %parallel_loop3A_1328, %parallel_loop3A_1338 : vector<16xf32>, vector<16xf32>, vector<16xf32>, vector<16xf32>, vector<16xf32>, vector<16xf32>, vector<16xf32>, vector<16xf32>, vector<16xi32>, vector<16xi32>, vector<16xi32>, vector<16xi32>, vector<16xi32>, vector<16xi32>, vector<16xi32>, vector<16xi32>
    } {sc.loop_unroll_factor = 4 : i64, sc.parallel_access}
    %mul3A_553 = arith.constant 16 : i32
    %mul3A_554 = vector.broadcast %mul3A_553 : i32 to vector<16xi32>
    %mul3A_555 = arith.muli %parallel_loop3A_552#8, %mul3A_554 : vector<16xi32>
    %add3A_556 = arith.addi %mul3A_555, %iota3A : vector<16xi32>
    %add3A_557 = arith.constant 99840 : i32
    %add3A_558 = vector.broadcast %add3A_557 : i32 to vector<16xi32>
    %add3A_559 = arith.addi %add3A_556, %add3A_558 : vector<16xi32>
    %gt3A_560 = arith.cmpf ogt, %parallel_loop3A_552#0, %select_n3A_456 : vector<16xf32>
    %eq3A_561 = arith.cmpf oeq, %parallel_loop3A_552#0, %select_n3A_456 : vector<16xf32>
    %lt3A_562 = arith.cmpi slt, %add3A_559, %select_n3A_457 : vector<16xi32>
    %and3A_563 = arith.andi %eq3A_561, %lt3A_562 : vector<16xi1>
    %or3A_564 = arith.ori %gt3A_560, %and3A_563 : vector<16xi1>
    %select_n3A_565 = arith.select %or3A_564, %parallel_loop3A_552#0, %select_n3A_456 : vector<16xi1>, vector<16xf32>
    %select_n3A_566 = arith.select %or3A_564, %add3A_559, %select_n3A_457 : vector<16xi1>, vector<16xi32>
    %mul3A_567 = arith.constant 16 : i32
    %mul3A_568 = vector.broadcast %mul3A_567 : i32 to vector<16xi32>
    %mul3A_569 = arith.muli %parallel_loop3A_552#9, %mul3A_568 : vector<16xi32>
    %add3A_570 = arith.addi %mul3A_569, %iota3A : vector<16xi32>
    %add3A_571 = arith.constant 99840 : i32
    %add3A_572 = vector.broadcast %add3A_571 : i32 to vector<16xi32>
    %add3A_573 = arith.addi %add3A_570, %add3A_572 : vector<16xi32>
    %gt3A_574 = arith.cmpf ogt, %parallel_loop3A_552#1, %select_n3A_469 : vector<16xf32>
    %eq3A_575 = arith.cmpf oeq, %parallel_loop3A_552#1, %select_n3A_469 : vector<16xf32>
    %lt3A_576 = arith.cmpi slt, %add3A_573, %select_n3A_470 : vector<16xi32>
    %and3A_577 = arith.andi %eq3A_575, %lt3A_576 : vector<16xi1>
    %or3A_578 = arith.ori %gt3A_574, %and3A_577 : vector<16xi1>
    %select_n3A_579 = arith.select %or3A_578, %parallel_loop3A_552#1, %select_n3A_469 : vector<16xi1>, vector<16xf32>
    %select_n3A_580 = arith.select %or3A_578, %add3A_573, %select_n3A_470 : vector<16xi1>, vector<16xi32>
    %mul3A_581 = arith.constant 16 : i32
    %mul3A_582 = vector.broadcast %mul3A_581 : i32 to vector<16xi32>
    %mul3A_583 = arith.muli %parallel_loop3A_552#10, %mul3A_582 : vector<16xi32>
    %add3A_584 = arith.addi %mul3A_583, %iota3A : vector<16xi32>
    %add3A_585 = arith.constant 99840 : i32
    %add3A_586 = vector.broadcast %add3A_585 : i32 to vector<16xi32>
    %add3A_587 = arith.addi %add3A_584, %add3A_586 : vector<16xi32>
    %gt3A_588 = arith.cmpf ogt, %parallel_loop3A_552#2, %select_n3A_482 : vector<16xf32>
    %eq3A_589 = arith.cmpf oeq, %parallel_loop3A_552#2, %select_n3A_482 : vector<16xf32>
    %lt3A_590 = arith.cmpi slt, %add3A_587, %select_n3A_483 : vector<16xi32>
    %and3A_591 = arith.andi %eq3A_589, %lt3A_590 : vector<16xi1>
    %or3A_592 = arith.ori %gt3A_588, %and3A_591 : vector<16xi1>
    %select_n3A_593 = arith.select %or3A_592, %parallel_loop3A_552#2, %select_n3A_482 : vector<16xi1>, vector<16xf32>
    %select_n3A_594 = arith.select %or3A_592, %add3A_587, %select_n3A_483 : vector<16xi1>, vector<16xi32>
    %mul3A_595 = arith.constant 16 : i32
    %mul3A_596 = vector.broadcast %mul3A_595 : i32 to vector<16xi32>
    %mul3A_597 = arith.muli %parallel_loop3A_552#11, %mul3A_596 : vector<16xi32>
    %add3A_598 = arith.addi %mul3A_597, %iota3A : vector<16xi32>
    %add3A_599 = arith.constant 99840 : i32
    %add3A_600 = vector.broadcast %add3A_599 : i32 to vector<16xi32>
    %add3A_601 = arith.addi %add3A_598, %add3A_600 : vector<16xi32>
    %gt3A_602 = arith.cmpf ogt, %parallel_loop3A_552#3, %select_n3A_495 : vector<16xf32>
    %eq3A_603 = arith.cmpf oeq, %parallel_loop3A_552#3, %select_n3A_495 : vector<16xf32>
    %lt3A_604 = arith.cmpi slt, %add3A_601, %select_n3A_496 : vector<16xi32>
    %and3A_605 = arith.andi %eq3A_603, %lt3A_604 : vector<16xi1>
    %or3A_606 = arith.ori %gt3A_602, %and3A_605 : vector<16xi1>
    %select_n3A_607 = arith.select %or3A_606, %parallel_loop3A_552#3, %select_n3A_495 : vector<16xi1>, vector<16xf32>
    %select_n3A_608 = arith.select %or3A_606, %add3A_601, %select_n3A_496 : vector<16xi1>, vector<16xi32>
    %mul3A_609 = arith.constant 16 : i32
    %mul3A_610 = vector.broadcast %mul3A_609 : i32 to vector<16xi32>
    %mul3A_611 = arith.muli %parallel_loop3A_552#12, %mul3A_610 : vector<16xi32>
    %add3A_612 = arith.addi %mul3A_611, %iota3A : vector<16xi32>
    %add3A_613 = arith.constant 99840 : i32
    %add3A_614 = vector.broadcast %add3A_613 : i32 to vector<16xi32>
    %add3A_615 = arith.addi %add3A_612, %add3A_614 : vector<16xi32>
    %gt3A_616 = arith.cmpf ogt, %parallel_loop3A_552#4, %select_n3A_508 : vector<16xf32>
    %eq3A_617 = arith.cmpf oeq, %parallel_loop3A_552#4, %select_n3A_508 : vector<16xf32>
    %lt3A_618 = arith.cmpi slt, %add3A_615, %select_n3A_509 : vector<16xi32>
    %and3A_619 = arith.andi %eq3A_617, %lt3A_618 : vector<16xi1>
    %or3A_620 = arith.ori %gt3A_616, %and3A_619 : vector<16xi1>
    %select_n3A_621 = arith.select %or3A_620, %parallel_loop3A_552#4, %select_n3A_508 : vector<16xi1>, vector<16xf32>
    %select_n3A_622 = arith.select %or3A_620, %add3A_615, %select_n3A_509 : vector<16xi1>, vector<16xi32>
    %mul3A_623 = arith.constant 16 : i32
    %mul3A_624 = vector.broadcast %mul3A_623 : i32 to vector<16xi32>
    %mul3A_625 = arith.muli %parallel_loop3A_552#13, %mul3A_624 : vector<16xi32>
    %add3A_626 = arith.addi %mul3A_625, %iota3A : vector<16xi32>
    %add3A_627 = arith.constant 99840 : i32
    %add3A_628 = vector.broadcast %add3A_627 : i32 to vector<16xi32>
    %add3A_629 = arith.addi %add3A_626, %add3A_628 : vector<16xi32>
    %gt3A_630 = arith.cmpf ogt, %parallel_loop3A_552#5, %select_n3A_521 : vector<16xf32>
    %eq3A_631 = arith.cmpf oeq, %parallel_loop3A_552#5, %select_n3A_521 : vector<16xf32>
    %lt3A_632 = arith.cmpi slt, %add3A_629, %select_n3A_522 : vector<16xi32>
    %and3A_633 = arith.andi %eq3A_631, %lt3A_632 : vector<16xi1>
    %or3A_634 = arith.ori %gt3A_630, %and3A_633 : vector<16xi1>
    %select_n3A_635 = arith.select %or3A_634, %parallel_loop3A_552#5, %select_n3A_521 : vector<16xi1>, vector<16xf32>
    %select_n3A_636 = arith.select %or3A_634, %add3A_629, %select_n3A_522 : vector<16xi1>, vector<16xi32>
    %mul3A_637 = arith.constant 16 : i32
    %mul3A_638 = vector.broadcast %mul3A_637 : i32 to vector<16xi32>
    %mul3A_639 = arith.muli %parallel_loop3A_552#14, %mul3A_638 : vector<16xi32>
    %add3A_640 = arith.addi %mul3A_639, %iota3A : vector<16xi32>
    %add3A_641 = arith.constant 99840 : i32
    %add3A_642 = vector.broadcast %add3A_641 : i32 to vector<16xi32>
    %add3A_643 = arith.addi %add3A_640, %add3A_642 : vector<16xi32>
    %gt3A_644 = arith.cmpf ogt, %parallel_loop3A_552#6, %select_n3A_534 : vector<16xf32>
    %eq3A_645 = arith.cmpf oeq, %parallel_loop3A_552#6, %select_n3A_534 : vector<16xf32>
    %lt3A_646 = arith.cmpi slt, %add3A_643, %select_n3A_535 : vector<16xi32>
    %and3A_647 = arith.andi %eq3A_645, %lt3A_646 : vector<16xi1>
    %or3A_648 = arith.ori %gt3A_644, %and3A_647 : vector<16xi1>
    %select_n3A_649 = arith.select %or3A_648, %parallel_loop3A_552#6, %select_n3A_534 : vector<16xi1>, vector<16xf32>
    %select_n3A_650 = arith.select %or3A_648, %add3A_643, %select_n3A_535 : vector<16xi1>, vector<16xi32>
    %mul3A_651 = arith.constant 16 : i32
    %mul3A_652 = vector.broadcast %mul3A_651 : i32 to vector<16xi32>
    %mul3A_653 = arith.muli %parallel_loop3A_552#15, %mul3A_652 : vector<16xi32>
    %add3A_654 = arith.addi %mul3A_653, %iota3A : vector<16xi32>
    %add3A_655 = arith.constant 99840 : i32
    %add3A_656 = vector.broadcast %add3A_655 : i32 to vector<16xi32>
    %add3A_657 = arith.addi %add3A_654, %add3A_656 : vector<16xi32>
    %gt3A_658 = arith.cmpf ogt, %parallel_loop3A_552#7, %select_n3A_547 : vector<16xf32>
    %eq3A_659 = arith.cmpf oeq, %parallel_loop3A_552#7, %select_n3A_547 : vector<16xf32>
    %lt3A_660 = arith.cmpi slt, %add3A_657, %select_n3A_548 : vector<16xi32>
    %and3A_661 = arith.andi %eq3A_659, %lt3A_660 : vector<16xi1>
    %or3A_662 = arith.ori %gt3A_658, %and3A_661 : vector<16xi1>
    %select_n3A_663 = arith.select %or3A_662, %parallel_loop3A_552#7, %select_n3A_547 : vector<16xi1>, vector<16xf32>
    %select_n3A_664 = arith.select %or3A_662, %add3A_657, %select_n3A_548 : vector<16xi1>, vector<16xi32>
    %swap3A = arith.constant 0 : index
    %swap3A_665 = tpu.vector_load %arg7[%swap3A] {strides = array<i32>} : memref<128xf32, #tpu.memory_space<vmem>>, vector<16xf32>,
    %swap3A_666 = vector.shape_cast %swap3A_665 : vector<16xf32> to vector<16xf32>
    %swap3A_667 = vector.shape_cast %select_n3A_565 : vector<16xf32> to vector<16xf32>
    tpu.vector_store %arg7[%swap3A], %swap3A_667 {strides = array<i32>} : memref<128xf32, #tpu.memory_space<vmem>>, vector<16xf32>,
    %swap3A_668 = arith.constant 0 : index
    %swap3A_669 = tpu.vector_load %arg8[%swap3A_668] {strides = array<i32>} : memref<128xi32, #tpu.memory_space<vmem>>, vector<16xi32>,
    %swap3A_670 = vector.shape_cast %swap3A_669 : vector<16xi32> to vector<16xi32>
    %swap3A_671 = vector.shape_cast %select_n3A_566 : vector<16xi32> to vector<16xi32>
    tpu.vector_store %arg8[%swap3A_668], %swap3A_671 {strides = array<i32>} : memref<128xi32, #tpu.memory_space<vmem>>, vector<16xi32>,
    %swap3A_672 = arith.constant 16 : index
    %swap3A_673 = tpu.vector_load %arg7[%swap3A_672] {strides = array<i32>} : memref<128xf32, #tpu.memory_space<vmem>>, vector<16xf32>,
    %swap3A_674 = vector.shape_cast %swap3A_673 : vector<16xf32> to vector<16xf32>
    %swap3A_675 = vector.shape_cast %select_n3A_579 : vector<16xf32> to vector<16xf32>
    tpu.vector_store %arg7[%swap3A_672], %swap3A_675 {strides = array<i32>} : memref<128xf32, #tpu.memory_space<vmem>>, vector<16xf32>,
    %swap3A_676 = arith.constant 16 : index
    %swap3A_677 = tpu.vector_load %arg8[%swap3A_676] {strides = array<i32>} : memref<128xi32, #tpu.memory_space<vmem>>, vector<16xi32>,
    %swap3A_678 = vector.shape_cast %swap3A_677 : vector<16xi32> to vector<16xi32>
    %swap3A_679 = vector.shape_cast %select_n3A_580 : vector<16xi32> to vector<16xi32>
    tpu.vector_store %arg8[%swap3A_676], %swap3A_679 {strides = array<i32>} : memref<128xi32, #tpu.memory_space<vmem>>, vector<16xi32>,
    %swap3A_680 = arith.constant 32 : index
    %swap3A_681 = tpu.vector_load %arg7[%swap3A_680] {strides = array<i32>} : memref<128xf32, #tpu.memory_space<vmem>>, vector<16xf32>,
    %swap3A_682 = vector.shape_cast %swap3A_681 : vector<16xf32> to vector<16xf32>
    %swap3A_683 = vector.shape_cast %select_n3A_593 : vector<16xf32> to vector<16xf32>
    tpu.vector_store %arg7[%swap3A_680], %swap3A_683 {strides = array<i32>} : memref<128xf32, #tpu.memory_space<vmem>>, vector<16xf32>,
    %swap3A_684 = arith.constant 32 : index
    %swap3A_685 = tpu.vector_load %arg8[%swap3A_684] {strides = array<i32>} : memref<128xi32, #tpu.memory_space<vmem>>, vector<16xi32>,
    %swap3A_686 = vector.shape_cast %swap3A_685 : vector<16xi32> to vector<16xi32>
    %swap3A_687 = vector.shape_cast %select_n3A_594 : vector<16xi32> to vector<16xi32>
    tpu.vector_store %arg8[%swap3A_684], %swap3A_687 {strides = array<i32>} : memref<128xi32, #tpu.memory_space<vmem>>, vector<16xi32>,
    %swap3A_688 = arith.constant 48 : index
    %swap3A_689 = tpu.vector_load %arg7[%swap3A_688] {strides = array<i32>} : memref<128xf32, #tpu.memory_space<vmem>>, vector<16xf32>,
    %swap3A_690 = vector.shape_cast %swap3A_689 : vector<16xf32> to vector<16xf32>
    %swap3A_691 = vector.shape_cast %select_n3A_607 : vector<16xf32> to vector<16xf32>
    tpu.vector_store %arg7[%swap3A_688], %swap3A_691 {strides = array<i32>} : memref<128xf32, #tpu.memory_space<vmem>>, vector<16xf32>,
    %swap3A_692 = arith.constant 48 : index
    %swap3A_693 = tpu.vector_load %arg8[%swap3A_692] {strides = array<i32>} : memref<128xi32, #tpu.memory_space<vmem>>, vector<16xi32>,
    %swap3A_694 = vector.shape_cast %swap3A_693 : vector<16xi32> to vector<16xi32>
    %swap3A_695 = vector.shape_cast %select_n3A_608 : vector<16xi32> to vector<16xi32>
    tpu.vector_store %arg8[%swap3A_692], %swap3A_695 {strides = array<i32>} : memref<128xi32, #tpu.memory_space<vmem>>, vector<16xi32>,
    %swap3A_696 = arith.constant 64 : index
    %swap3A_697 = tpu.vector_load %arg7[%swap3A_696] {strides = array<i32>} : memref<128xf32, #tpu.memory_space<vmem>>, vector<16xf32>,
    %swap3A_698 = vector.shape_cast %swap3A_697 : vector<16xf32> to vector<16xf32>
    %swap3A_699 = vector.shape_cast %select_n3A_621 : vector<16xf32> to vector<16xf32>
    tpu.vector_store %arg7[%swap3A_696], %swap3A_699 {strides = array<i32>} : memref<128xf32, #tpu.memory_space<vmem>>, vector<16xf32>,
    %swap3A_700 = arith.constant 64 : index
    %swap3A_701 = tpu.vector_load %arg8[%swap3A_700] {strides = array<i32>} : memref<128xi32, #tpu.memory_space<vmem>>, vector<16xi32>,
    %swap3A_702 = vector.shape_cast %swap3A_701 : vector<16xi32> to vector<16xi32>
    %swap3A_703 = vector.shape_cast %select_n3A_622 : vector<16xi32> to vector<16xi32>
    tpu.vector_store %arg8[%swap3A_700], %swap3A_703 {strides = array<i32>} : memref<128xi32, #tpu.memory_space<vmem>>, vector<16xi32>,
    %swap3A_704 = arith.constant 80 : index
    %swap3A_705 = tpu.vector_load %arg7[%swap3A_704] {strides = array<i32>} : memref<128xf32, #tpu.memory_space<vmem>>, vector<16xf32>,
    %swap3A_706 = vector.shape_cast %swap3A_705 : vector<16xf32> to vector<16xf32>
    %swap3A_707 = vector.shape_cast %select_n3A_635 : vector<16xf32> to vector<16xf32>
    tpu.vector_store %arg7[%swap3A_704], %swap3A_707 {strides = array<i32>} : memref<128xf32, #tpu.memory_space<vmem>>, vector<16xf32>,
    %swap3A_708 = arith.constant 80 : index
    %swap3A_709 = tpu.vector_load %arg8[%swap3A_708] {strides = array<i32>} : memref<128xi32, #tpu.memory_space<vmem>>, vector<16xi32>,
    %swap3A_710 = vector.shape_cast %swap3A_709 : vector<16xi32> to vector<16xi32>
    %swap3A_711 = vector.shape_cast %select_n3A_636 : vector<16xi32> to vector<16xi32>
    tpu.vector_store %arg8[%swap3A_708], %swap3A_711 {strides = array<i32>} : memref<128xi32, #tpu.memory_space<vmem>>, vector<16xi32>,
    %swap3A_712 = arith.constant 96 : index
    %swap3A_713 = tpu.vector_load %arg7[%swap3A_712] {strides = array<i32>} : memref<128xf32, #tpu.memory_space<vmem>>, vector<16xf32>,
    %swap3A_714 = vector.shape_cast %swap3A_713 : vector<16xf32> to vector<16xf32>
    %swap3A_715 = vector.shape_cast %select_n3A_649 : vector<16xf32> to vector<16xf32>
    tpu.vector_store %arg7[%swap3A_712], %swap3A_715 {strides = array<i32>} : memref<128xf32, #tpu.memory_space<vmem>>, vector<16xf32>,
    %swap3A_716 = arith.constant 96 : index
    %swap3A_717 = tpu.vector_load %arg8[%swap3A_716] {strides = array<i32>} : memref<128xi32, #tpu.memory_space<vmem>>, vector<16xi32>,
    %swap3A_718 = vector.shape_cast %swap3A_717 : vector<16xi32> to vector<16xi32>
    %swap3A_719 = vector.shape_cast %select_n3A_650 : vector<16xi32> to vector<16xi32>
    tpu.vector_store %arg8[%swap3A_716], %swap3A_719 {strides = array<i32>} : memref<128xi32, #tpu.memory_space<vmem>>, vector<16xi32>,
    %swap3A_720 = arith.constant 112 : index
    %swap3A_721 = tpu.vector_load %arg7[%swap3A_720] {strides = array<i32>} : memref<128xf32, #tpu.memory_space<vmem>>, vector<16xf32>,
    %swap3A_722 = vector.shape_cast %swap3A_721 : vector<16xf32> to vector<16xf32>
    %swap3A_723 = vector.shape_cast %select_n3A_663 : vector<16xf32> to vector<16xf32>
    tpu.vector_store %arg7[%swap3A_720], %swap3A_723 {strides = array<i32>} : memref<128xf32, #tpu.memory_space<vmem>>, vector<16xf32>,
    %swap3A_724 = arith.constant 112 : index
    %swap3A_725 = tpu.vector_load %arg8[%swap3A_724] {strides = array<i32>} : memref<128xi32, #tpu.memory_space<vmem>>, vector<16xi32>,
    %swap3A_726 = vector.shape_cast %swap3A_725 : vector<16xi32> to vector<16xi32>
    %swap3A_727 = vector.shape_cast %select_n3A_664 : vector<16xi32> to vector<16xi32>
    tpu.vector_store %arg8[%swap3A_724], %swap3A_727 {strides = array<i32>} : memref<128xi32, #tpu.memory_space<vmem>>, vector<16xi32>,
    %mul3A_728 = arith.constant 128 : i32
    %mul3A_729 = arith.muli %arg1, %mul3A_728 : i32
    %multiple_of3A_730 = tpu.assume_multiple %mul3A_729, 8 : i32
    "tpu.region"() ({
      %run_scoped3A = tpu.sem_alloc : memref<!tpu.dma_semaphore, #tpu.memory_space<semaphore_mem>>
      %dma_start3A_1241 = tpu.memref_slice %arg12[%multiple_of3A_730] : memref<2048xf32, #tpu.memory_space<vmem_shared>> -> memref<128xf32, #tpu.memory_space<vmem_shared>>
      %dma_start3A_1242 = tpu.memref_slice %arg12[%multiple_of3A_730] : memref<2048xf32, #tpu.memory_space<vmem_shared>> -> memref<128xf32, #tpu.memory_space<vmem_shared>>
      tpu.enqueue_dma source(%arg7 : memref<128xf32, #tpu.memory_space<vmem>>) target(%dma_start3A_1242 : memref<128xf32, #tpu.memory_space<vmem_shared>>) target_semaphore(%run_scoped3A : memref<!tpu.dma_semaphore, #tpu.memory_space<semaphore_mem>>)
      %dma_wait3A_1243 = tpu.memref_slice %arg12[%multiple_of3A_730] : memref<2048xf32, #tpu.memory_space<vmem_shared>> -> memref<128xf32, #tpu.memory_space<vmem_shared>>
      %dma_wait3A_1244 = tpu.memref_slice %arg12[%multiple_of3A_730] : memref<2048xf32, #tpu.memory_space<vmem_shared>> -> memref<128xf32, #tpu.memory_space<vmem_shared>>
      tpu.wait_dma2 semaphore(%run_scoped3A : memref<!tpu.dma_semaphore, #tpu.memory_space<semaphore_mem>>) src(%arg7 : memref<128xf32, #tpu.memory_space<vmem>>) dst(%dma_wait3A_1244 : memref<128xf32, #tpu.memory_space<vmem_shared>>)
      tpu.yield
    }) : () -> ()
    "tpu.region"() ({
      %run_scoped3A = tpu.sem_alloc : memref<!tpu.dma_semaphore, #tpu.memory_space<semaphore_mem>>
      %dma_start3A_1241 = tpu.memref_slice %arg13[%multiple_of3A_730] : memref<2048xi32, #tpu.memory_space<vmem_shared>> -> memref<128xi32, #tpu.memory_space<vmem_shared>>
      %dma_start3A_1242 = tpu.memref_slice %arg13[%multiple_of3A_730] : memref<2048xi32, #tpu.memory_space<vmem_shared>> -> memref<128xi32, #tpu.memory_space<vmem_shared>>
      tpu.enqueue_dma source(%arg8 : memref<128xi32, #tpu.memory_space<vmem>>) target(%dma_start3A_1242 : memref<128xi32, #tpu.memory_space<vmem_shared>>) target_semaphore(%run_scoped3A : memref<!tpu.dma_semaphore, #tpu.memory_space<semaphore_mem>>)
      %dma_wait3A_1243 = tpu.memref_slice %arg13[%multiple_of3A_730] : memref<2048xi32, #tpu.memory_space<vmem_shared>> -> memref<128xi32, #tpu.memory_space<vmem_shared>>
      %dma_wait3A_1244 = tpu.memref_slice %arg13[%multiple_of3A_730] : memref<2048xi32, #tpu.memory_space<vmem_shared>> -> memref<128xi32, #tpu.memory_space<vmem_shared>>
      tpu.wait_dma2 semaphore(%run_scoped3A : memref<!tpu.dma_semaphore, #tpu.memory_space<semaphore_mem>>) src(%arg8 : memref<128xi32, #tpu.memory_space<vmem>>) dst(%dma_wait3A_1244 : memref<128xi32, #tpu.memory_space<vmem_shared>>)
      tpu.yield
    }) : () -> ()
    %barrier3A = arith.constant 0 : index
    tpu.barrier barrier_id(%barrier3A)
    %mul3A_731 = arith.constant 512 : i32
    %mul3A_732 = arith.muli %select_n3A, %mul3A_731 : i32
    %multiple_of3A_733 = tpu.assume_multiple %mul3A_732, 8 : i32
    "tpu.region"() ({
      %run_scoped3A = tpu.sem_alloc : memref<!tpu.dma_semaphore, #tpu.memory_space<semaphore_mem>>
      %dma_start3A_1241 = tpu.memref_slice %arg12[%multiple_of3A_733] : memref<2048xf32, #tpu.memory_space<vmem_shared>> -> memref<512xf32, #tpu.memory_space<vmem_shared>>
      %dma_start3A_1242 = tpu.memref_slice %arg12[%multiple_of3A_733] : memref<2048xf32, #tpu.memory_space<vmem_shared>> -> memref<512xf32, #tpu.memory_space<vmem_shared>>
      tpu.enqueue_dma source(%dma_start3A_1242 : memref<512xf32, #tpu.memory_space<vmem_shared>>) target(%arg9 : memref<512xf32, #tpu.memory_space<vmem>>) target_semaphore(%run_scoped3A : memref<!tpu.dma_semaphore, #tpu.memory_space<semaphore_mem>>)
      %dma_wait3A_1243 = tpu.memref_slice %arg12[%multiple_of3A_733] : memref<2048xf32, #tpu.memory_space<vmem_shared>> -> memref<512xf32, #tpu.memory_space<vmem_shared>>
      %dma_wait3A_1244 = tpu.memref_slice %arg12[%multiple_of3A_733] : memref<2048xf32, #tpu.memory_space<vmem_shared>> -> memref<512xf32, #tpu.memory_space<vmem_shared>>
      tpu.wait_dma2 semaphore(%run_scoped3A : memref<!tpu.dma_semaphore, #tpu.memory_space<semaphore_mem>>) src(%dma_wait3A_1244 : memref<512xf32, #tpu.memory_space<vmem_shared>>) dst(%arg9 : memref<512xf32, #tpu.memory_space<vmem>>)
      tpu.yield
    }) : () -> ()
    "tpu.region"() ({
      %run_scoped3A = tpu.sem_alloc : memref<!tpu.dma_semaphore, #tpu.memory_space<semaphore_mem>>
      %dma_start3A_1241 = tpu.memref_slice %arg13[%multiple_of3A_733] : memref<2048xi32, #tpu.memory_space<vmem_shared>> -> memref<512xi32, #tpu.memory_space<vmem_shared>>
      %dma_start3A_1242 = tpu.memref_slice %arg13[%multiple_of3A_733] : memref<2048xi32, #tpu.memory_space<vmem_shared>> -> memref<512xi32, #tpu.memory_space<vmem_shared>>
      tpu.enqueue_dma source(%dma_start3A_1242 : memref<512xi32, #tpu.memory_space<vmem_shared>>) target(%arg10 : memref<512xi32, #tpu.memory_space<vmem>>) target_semaphore(%run_scoped3A : memref<!tpu.dma_semaphore, #tpu.memory_space<semaphore_mem>>)
      %dma_wait3A_1243 = tpu.memref_slice %arg13[%multiple_of3A_733] : memref<2048xi32, #tpu.memory_space<vmem_shared>> -> memref<512xi32, #tpu.memory_space<vmem_shared>>
      %dma_wait3A_1244 = tpu.memref_slice %arg13[%multiple_of3A_733] : memref<2048xi32, #tpu.memory_space<vmem_shared>> -> memref<512xi32, #tpu.memory_space<vmem_shared>>
      tpu.wait_dma2 semaphore(%run_scoped3A : memref<!tpu.dma_semaphore, #tpu.memory_space<semaphore_mem>>) src(%dma_wait3A_1244 : memref<512xi32, #tpu.memory_space<vmem_shared>>) dst(%arg10 : memref<512xi32, #tpu.memory_space<vmem>>)
      tpu.yield
    }) : () -> ()
    %mul3A_734 = arith.constant 2 : i32
    %mul3A_735 = arith.muli %select_n3A_28, %mul3A_734 : i32
    %add3A_736 = arith.constant 0 : i32
    %add3A_737 = arith.addi %mul3A_735, %add3A_736 : i32
    %mul3A_738 = arith.constant 16 : i32
    %mul3A_739 = arith.muli %add3A_737, %mul3A_738 : i32
    %get3A = arith.index_cast %mul3A_739 : i32 to index
    %get3A_740 = tpu.vector_load %arg9[%get3A] {strides = array<i32>} : memref<512xf32, #tpu.memory_space<vmem>>, vector<16xf32>,
    %get3A_741 = vector.shape_cast %get3A_740 : vector<16xf32> to vector<16xf32>
    %get3A_742 = arith.index_cast %mul3A_739 : i32 to index
    %get3A_743 = tpu.vector_load %arg10[%get3A_742] {strides = array<i32>} : memref<512xi32, #tpu.memory_space<vmem>>, vector<16xi32>,
    %get3A_744 = vector.shape_cast %get3A_743 : vector<16xi32> to vector<16xi32>
    %add3A_745 = arith.constant 128 : i32
    %add3A_746 = arith.addi %add3A_745, %mul3A_739 : i32
    %get3A_747 = arith.index_cast %add3A_746 : i32 to index
    %get3A_748 = tpu.vector_load %arg9[%get3A_747] {strides = array<i32>} : memref<512xf32, #tpu.memory_space<vmem>>, vector<16xf32>,
    %get3A_749 = vector.shape_cast %get3A_748 : vector<16xf32> to vector<16xf32>
    %add3A_750 = arith.constant 128 : i32
    %add3A_751 = arith.addi %add3A_750, %mul3A_739 : i32
    %get3A_752 = arith.index_cast %add3A_751 : i32 to index
    %get3A_753 = tpu.vector_load %arg10[%get3A_752] {strides = array<i32>} : memref<512xi32, #tpu.memory_space<vmem>>, vector<16xi32>,
    %get3A_754 = vector.shape_cast %get3A_753 : vector<16xi32> to vector<16xi32>
    %gt3A_755 = arith.cmpf ogt, %get3A_749, %get3A_741 : vector<16xf32>
    %eq3A_756 = arith.cmpf oeq, %get3A_749, %get3A_741 : vector<16xf32>
    %lt3A_757 = arith.cmpi slt, %get3A_754, %get3A_744 : vector<16xi32>
    %and3A_758 = arith.andi %eq3A_756, %lt3A_757 : vector<16xi1>
    %or3A_759 = arith.ori %gt3A_755, %and3A_758 : vector<16xi1>
    %select_n3A_760 = arith.select %or3A_759, %get3A_749, %get3A_741 : vector<16xi1>, vector<16xf32>
    %select_n3A_761 = arith.select %or3A_759, %get3A_754, %get3A_744 : vector<16xi1>, vector<16xi32>
    %add3A_762 = arith.constant 256 : i32
    %add3A_763 = arith.addi %add3A_762, %mul3A_739 : i32
    %get3A_764 = arith.index_cast %add3A_763 : i32 to index
    %get3A_765 = tpu.vector_load %arg9[%get3A_764] {strides = array<i32>} : memref<512xf32, #tpu.memory_space<vmem>>, vector<16xf32>,
    %get3A_766 = vector.shape_cast %get3A_765 : vector<16xf32> to vector<16xf32>
    %add3A_767 = arith.constant 256 : i32
    %add3A_768 = arith.addi %add3A_767, %mul3A_739 : i32
    %get3A_769 = arith.index_cast %add3A_768 : i32 to index
    %get3A_770 = tpu.vector_load %arg10[%get3A_769] {strides = array<i32>} : memref<512xi32, #tpu.memory_space<vmem>>, vector<16xi32>,
    %get3A_771 = vector.shape_cast %get3A_770 : vector<16xi32> to vector<16xi32>
    %gt3A_772 = arith.cmpf ogt, %get3A_766, %select_n3A_760 : vector<16xf32>
    %eq3A_773 = arith.cmpf oeq, %get3A_766, %select_n3A_760 : vector<16xf32>
    %lt3A_774 = arith.cmpi slt, %get3A_771, %select_n3A_761 : vector<16xi32>
    %and3A_775 = arith.andi %eq3A_773, %lt3A_774 : vector<16xi1>
    %or3A_776 = arith.ori %gt3A_772, %and3A_775 : vector<16xi1>
    %select_n3A_777 = arith.select %or3A_776, %get3A_766, %select_n3A_760 : vector<16xi1>, vector<16xf32>
    %select_n3A_778 = arith.select %or3A_776, %get3A_771, %select_n3A_761 : vector<16xi1>, vector<16xi32>
    %add3A_779 = arith.constant 384 : i32
    %add3A_780 = arith.addi %add3A_779, %mul3A_739 : i32
    %get3A_781 = arith.index_cast %add3A_780 : i32 to index
    %get3A_782 = tpu.vector_load %arg9[%get3A_781] {strides = array<i32>} : memref<512xf32, #tpu.memory_space<vmem>>, vector<16xf32>,
    %get3A_783 = vector.shape_cast %get3A_782 : vector<16xf32> to vector<16xf32>
    %add3A_784 = arith.constant 384 : i32
    %add3A_785 = arith.addi %add3A_784, %mul3A_739 : i32
    %get3A_786 = arith.index_cast %add3A_785 : i32 to index
    %get3A_787 = tpu.vector_load %arg10[%get3A_786] {strides = array<i32>} : memref<512xi32, #tpu.memory_space<vmem>>, vector<16xi32>,
    %get3A_788 = vector.shape_cast %get3A_787 : vector<16xi32> to vector<16xi32>
    %gt3A_789 = arith.cmpf ogt, %get3A_783, %select_n3A_777 : vector<16xf32>
    %eq3A_790 = arith.cmpf oeq, %get3A_783, %select_n3A_777 : vector<16xf32>
    %lt3A_791 = arith.cmpi slt, %get3A_788, %select_n3A_778 : vector<16xi32>
    %and3A_792 = arith.andi %eq3A_790, %lt3A_791 : vector<16xi1>
    %or3A_793 = arith.ori %gt3A_789, %and3A_792 : vector<16xi1>
    %select_n3A_794 = arith.select %or3A_793, %get3A_783, %select_n3A_777 : vector<16xi1>, vector<16xf32>
    %select_n3A_795 = arith.select %or3A_793, %get3A_788, %select_n3A_778 : vector<16xi1>, vector<16xi32>
    %slice3A = vector.extract_strided_slice %select_n3A_794 {offsets = [0], sizes = [1], strides = [1]} : vector<16xf32> to vector<1xf32>
    %squeeze3A = vector.extract %slice3A[0] : f32 from vector<1xf32>
    %slice3A_796 = vector.extract_strided_slice %select_n3A_795 {offsets = [0], sizes = [1], strides = [1]} : vector<16xi32> to vector<1xi32>
    %squeeze3A_797 = vector.extract %slice3A_796[0] : i32 from vector<1xi32>
    %slice3A_798 = vector.extract_strided_slice %select_n3A_794 {offsets = [1], sizes = [1], strides = [1]} : vector<16xf32> to vector<1xf32>
    %squeeze3A_799 = vector.extract %slice3A_798[0] : f32 from vector<1xf32>
    %slice3A_800 = vector.extract_strided_slice %select_n3A_795 {offsets = [1], sizes = [1], strides = [1]} : vector<16xi32> to vector<1xi32>
    %squeeze3A_801 = vector.extract %slice3A_800[0] : i32 from vector<1xi32>
    %gt3A_802 = arith.cmpf ogt, %squeeze3A_799, %squeeze3A : f32
    %eq3A_803 = arith.cmpf oeq, %squeeze3A_799, %squeeze3A : f32
    %lt3A_804 = arith.cmpi slt, %squeeze3A_801, %squeeze3A_797 : i32
    %and3A_805 = arith.andi %eq3A_803, %lt3A_804 : i1
    %or3A_806 = arith.ori %gt3A_802, %and3A_805 : i1
    %select_n3A_807 = arith.select %or3A_806, %squeeze3A_799, %squeeze3A : f32
    %select_n3A_808 = arith.select %or3A_806, %squeeze3A_801, %squeeze3A_797 : i32
    %slice3A_809 = vector.extract_strided_slice %select_n3A_794 {offsets = [2], sizes = [1], strides = [1]} : vector<16xf32> to vector<1xf32>
    %squeeze3A_810 = vector.extract %slice3A_809[0] : f32 from vector<1xf32>
    %slice3A_811 = vector.extract_strided_slice %select_n3A_795 {offsets = [2], sizes = [1], strides = [1]} : vector<16xi32> to vector<1xi32>
    %squeeze3A_812 = vector.extract %slice3A_811[0] : i32 from vector<1xi32>
    %gt3A_813 = arith.cmpf ogt, %squeeze3A_810, %select_n3A_807 : f32
    %eq3A_814 = arith.cmpf oeq, %squeeze3A_810, %select_n3A_807 : f32
    %lt3A_815 = arith.cmpi slt, %squeeze3A_812, %select_n3A_808 : i32
    %and3A_816 = arith.andi %eq3A_814, %lt3A_815 : i1
    %or3A_817 = arith.ori %gt3A_813, %and3A_816 : i1
    %select_n3A_818 = arith.select %or3A_817, %squeeze3A_810, %select_n3A_807 : f32
    %select_n3A_819 = arith.select %or3A_817, %squeeze3A_812, %select_n3A_808 : i32
    %slice3A_820 = vector.extract_strided_slice %select_n3A_794 {offsets = [3], sizes = [1], strides = [1]} : vector<16xf32> to vector<1xf32>
    %squeeze3A_821 = vector.extract %slice3A_820[0] : f32 from vector<1xf32>
    %slice3A_822 = vector.extract_strided_slice %select_n3A_795 {offsets = [3], sizes = [1], strides = [1]} : vector<16xi32> to vector<1xi32>
    %squeeze3A_823 = vector.extract %slice3A_822[0] : i32 from vector<1xi32>
    %gt3A_824 = arith.cmpf ogt, %squeeze3A_821, %select_n3A_818 : f32
    %eq3A_825 = arith.cmpf oeq, %squeeze3A_821, %select_n3A_818 : f32
    %lt3A_826 = arith.cmpi slt, %squeeze3A_823, %select_n3A_819 : i32
    %and3A_827 = arith.andi %eq3A_825, %lt3A_826 : i1
    %or3A_828 = arith.ori %gt3A_824, %and3A_827 : i1
    %select_n3A_829 = arith.select %or3A_828, %squeeze3A_821, %select_n3A_818 : f32
    %select_n3A_830 = arith.select %or3A_828, %squeeze3A_823, %select_n3A_819 : i32
    %slice3A_831 = vector.extract_strided_slice %select_n3A_794 {offsets = [4], sizes = [1], strides = [1]} : vector<16xf32> to vector<1xf32>
    %squeeze3A_832 = vector.extract %slice3A_831[0] : f32 from vector<1xf32>
    %slice3A_833 = vector.extract_strided_slice %select_n3A_795 {offsets = [4], sizes = [1], strides = [1]} : vector<16xi32> to vector<1xi32>
    %squeeze3A_834 = vector.extract %slice3A_833[0] : i32 from vector<1xi32>
    %gt3A_835 = arith.cmpf ogt, %squeeze3A_832, %select_n3A_829 : f32
    %eq3A_836 = arith.cmpf oeq, %squeeze3A_832, %select_n3A_829 : f32
    %lt3A_837 = arith.cmpi slt, %squeeze3A_834, %select_n3A_830 : i32
    %and3A_838 = arith.andi %eq3A_836, %lt3A_837 : i1
    %or3A_839 = arith.ori %gt3A_835, %and3A_838 : i1
    %select_n3A_840 = arith.select %or3A_839, %squeeze3A_832, %select_n3A_829 : f32
    %select_n3A_841 = arith.select %or3A_839, %squeeze3A_834, %select_n3A_830 : i32
    %slice3A_842 = vector.extract_strided_slice %select_n3A_794 {offsets = [5], sizes = [1], strides = [1]} : vector<16xf32> to vector<1xf32>
    %squeeze3A_843 = vector.extract %slice3A_842[0] : f32 from vector<1xf32>
    %slice3A_844 = vector.extract_strided_slice %select_n3A_795 {offsets = [5], sizes = [1], strides = [1]} : vector<16xi32> to vector<1xi32>
    %squeeze3A_845 = vector.extract %slice3A_844[0] : i32 from vector<1xi32>
    %gt3A_846 = arith.cmpf ogt, %squeeze3A_843, %select_n3A_840 : f32
    %eq3A_847 = arith.cmpf oeq, %squeeze3A_843, %select_n3A_840 : f32
    %lt3A_848 = arith.cmpi slt, %squeeze3A_845, %select_n3A_841 : i32
    %and3A_849 = arith.andi %eq3A_847, %lt3A_848 : i1
    %or3A_850 = arith.ori %gt3A_846, %and3A_849 : i1
    %select_n3A_851 = arith.select %or3A_850, %squeeze3A_843, %select_n3A_840 : f32
    %select_n3A_852 = arith.select %or3A_850, %squeeze3A_845, %select_n3A_841 : i32
    %slice3A_853 = vector.extract_strided_slice %select_n3A_794 {offsets = [6], sizes = [1], strides = [1]} : vector<16xf32> to vector<1xf32>
    %squeeze3A_854 = vector.extract %slice3A_853[0] : f32 from vector<1xf32>
    %slice3A_855 = vector.extract_strided_slice %select_n3A_795 {offsets = [6], sizes = [1], strides = [1]} : vector<16xi32> to vector<1xi32>
    %squeeze3A_856 = vector.extract %slice3A_855[0] : i32 from vector<1xi32>
    %gt3A_857 = arith.cmpf ogt, %squeeze3A_854, %select_n3A_851 : f32
    %eq3A_858 = arith.cmpf oeq, %squeeze3A_854, %select_n3A_851 : f32
    %lt3A_859 = arith.cmpi slt, %squeeze3A_856, %select_n3A_852 : i32
    %and3A_860 = arith.andi %eq3A_858, %lt3A_859 : i1
    %or3A_861 = arith.ori %gt3A_857, %and3A_860 : i1
    %select_n3A_862 = arith.select %or3A_861, %squeeze3A_854, %select_n3A_851 : f32
    %select_n3A_863 = arith.select %or3A_861, %squeeze3A_856, %select_n3A_852 : i32
    %slice3A_864 = vector.extract_strided_slice %select_n3A_794 {offsets = [7], sizes = [1], strides = [1]} : vector<16xf32> to vector<1xf32>
    %squeeze3A_865 = vector.extract %slice3A_864[0] : f32 from vector<1xf32>
    %slice3A_866 = vector.extract_strided_slice %select_n3A_795 {offsets = [7], sizes = [1], strides = [1]} : vector<16xi32> to vector<1xi32>
    %squeeze3A_867 = vector.extract %slice3A_866[0] : i32 from vector<1xi32>
    %gt3A_868 = arith.cmpf ogt, %squeeze3A_865, %select_n3A_862 : f32
    %eq3A_869 = arith.cmpf oeq, %squeeze3A_865, %select_n3A_862 : f32
    %lt3A_870 = arith.cmpi slt, %squeeze3A_867, %select_n3A_863 : i32
    %and3A_871 = arith.andi %eq3A_869, %lt3A_870 : i1
    %or3A_872 = arith.ori %gt3A_868, %and3A_871 : i1
    %select_n3A_873 = arith.select %or3A_872, %squeeze3A_865, %select_n3A_862 : f32
    %select_n3A_874 = arith.select %or3A_872, %squeeze3A_867, %select_n3A_863 : i32
    %slice3A_875 = vector.extract_strided_slice %select_n3A_794 {offsets = [8], sizes = [1], strides = [1]} : vector<16xf32> to vector<1xf32>
    %squeeze3A_876 = vector.extract %slice3A_875[0] : f32 from vector<1xf32>
    %slice3A_877 = vector.extract_strided_slice %select_n3A_795 {offsets = [8], sizes = [1], strides = [1]} : vector<16xi32> to vector<1xi32>
    %squeeze3A_878 = vector.extract %slice3A_877[0] : i32 from vector<1xi32>
    %gt3A_879 = arith.cmpf ogt, %squeeze3A_876, %select_n3A_873 : f32
    %eq3A_880 = arith.cmpf oeq, %squeeze3A_876, %select_n3A_873 : f32
    %lt3A_881 = arith.cmpi slt, %squeeze3A_878, %select_n3A_874 : i32
    %and3A_882 = arith.andi %eq3A_880, %lt3A_881 : i1
    %or3A_883 = arith.ori %gt3A_879, %and3A_882 : i1
    %select_n3A_884 = arith.select %or3A_883, %squeeze3A_876, %select_n3A_873 : f32
    %select_n3A_885 = arith.select %or3A_883, %squeeze3A_878, %select_n3A_874 : i32
    %slice3A_886 = vector.extract_strided_slice %select_n3A_794 {offsets = [9], sizes = [1], strides = [1]} : vector<16xf32> to vector<1xf32>
    %squeeze3A_887 = vector.extract %slice3A_886[0] : f32 from vector<1xf32>
    %slice3A_888 = vector.extract_strided_slice %select_n3A_795 {offsets = [9], sizes = [1], strides = [1]} : vector<16xi32> to vector<1xi32>
    %squeeze3A_889 = vector.extract %slice3A_888[0] : i32 from vector<1xi32>
    %gt3A_890 = arith.cmpf ogt, %squeeze3A_887, %select_n3A_884 : f32
    %eq3A_891 = arith.cmpf oeq, %squeeze3A_887, %select_n3A_884 : f32
    %lt3A_892 = arith.cmpi slt, %squeeze3A_889, %select_n3A_885 : i32
    %and3A_893 = arith.andi %eq3A_891, %lt3A_892 : i1
    %or3A_894 = arith.ori %gt3A_890, %and3A_893 : i1
    %select_n3A_895 = arith.select %or3A_894, %squeeze3A_887, %select_n3A_884 : f32
    %select_n3A_896 = arith.select %or3A_894, %squeeze3A_889, %select_n3A_885 : i32
    %slice3A_897 = vector.extract_strided_slice %select_n3A_794 {offsets = [10], sizes = [1], strides = [1]} : vector<16xf32> to vector<1xf32>
    %squeeze3A_898 = vector.extract %slice3A_897[0] : f32 from vector<1xf32>
    %slice3A_899 = vector.extract_strided_slice %select_n3A_795 {offsets = [10], sizes = [1], strides = [1]} : vector<16xi32> to vector<1xi32>
    %squeeze3A_900 = vector.extract %slice3A_899[0] : i32 from vector<1xi32>
    %gt3A_901 = arith.cmpf ogt, %squeeze3A_898, %select_n3A_895 : f32
    %eq3A_902 = arith.cmpf oeq, %squeeze3A_898, %select_n3A_895 : f32
    %lt3A_903 = arith.cmpi slt, %squeeze3A_900, %select_n3A_896 : i32
    %and3A_904 = arith.andi %eq3A_902, %lt3A_903 : i1
    %or3A_905 = arith.ori %gt3A_901, %and3A_904 : i1
    %select_n3A_906 = arith.select %or3A_905, %squeeze3A_898, %select_n3A_895 : f32
    %select_n3A_907 = arith.select %or3A_905, %squeeze3A_900, %select_n3A_896 : i32
    %slice3A_908 = vector.extract_strided_slice %select_n3A_794 {offsets = [11], sizes = [1], strides = [1]} : vector<16xf32> to vector<1xf32>
    %squeeze3A_909 = vector.extract %slice3A_908[0] : f32 from vector<1xf32>
    %slice3A_910 = vector.extract_strided_slice %select_n3A_795 {offsets = [11], sizes = [1], strides = [1]} : vector<16xi32> to vector<1xi32>
    %squeeze3A_911 = vector.extract %slice3A_910[0] : i32 from vector<1xi32>
    %gt3A_912 = arith.cmpf ogt, %squeeze3A_909, %select_n3A_906 : f32
    %eq3A_913 = arith.cmpf oeq, %squeeze3A_909, %select_n3A_906 : f32
    %lt3A_914 = arith.cmpi slt, %squeeze3A_911, %select_n3A_907 : i32
    %and3A_915 = arith.andi %eq3A_913, %lt3A_914 : i1
    %or3A_916 = arith.ori %gt3A_912, %and3A_915 : i1
    %select_n3A_917 = arith.select %or3A_916, %squeeze3A_909, %select_n3A_906 : f32
    %select_n3A_918 = arith.select %or3A_916, %squeeze3A_911, %select_n3A_907 : i32
    %slice3A_919 = vector.extract_strided_slice %select_n3A_794 {offsets = [12], sizes = [1], strides = [1]} : vector<16xf32> to vector<1xf32>
    %squeeze3A_920 = vector.extract %slice3A_919[0] : f32 from vector<1xf32>
    %slice3A_921 = vector.extract_strided_slice %select_n3A_795 {offsets = [12], sizes = [1], strides = [1]} : vector<16xi32> to vector<1xi32>
    %squeeze3A_922 = vector.extract %slice3A_921[0] : i32 from vector<1xi32>
    %gt3A_923 = arith.cmpf ogt, %squeeze3A_920, %select_n3A_917 : f32
    %eq3A_924 = arith.cmpf oeq, %squeeze3A_920, %select_n3A_917 : f32
    %lt3A_925 = arith.cmpi slt, %squeeze3A_922, %select_n3A_918 : i32
    %and3A_926 = arith.andi %eq3A_924, %lt3A_925 : i1
    %or3A_927 = arith.ori %gt3A_923, %and3A_926 : i1
    %select_n3A_928 = arith.select %or3A_927, %squeeze3A_920, %select_n3A_917 : f32
    %select_n3A_929 = arith.select %or3A_927, %squeeze3A_922, %select_n3A_918 : i32
    %slice3A_930 = vector.extract_strided_slice %select_n3A_794 {offsets = [13], sizes = [1], strides = [1]} : vector<16xf32> to vector<1xf32>
    %squeeze3A_931 = vector.extract %slice3A_930[0] : f32 from vector<1xf32>
    %slice3A_932 = vector.extract_strided_slice %select_n3A_795 {offsets = [13], sizes = [1], strides = [1]} : vector<16xi32> to vector<1xi32>
    %squeeze3A_933 = vector.extract %slice3A_932[0] : i32 from vector<1xi32>
    %gt3A_934 = arith.cmpf ogt, %squeeze3A_931, %select_n3A_928 : f32
    %eq3A_935 = arith.cmpf oeq, %squeeze3A_931, %select_n3A_928 : f32
    %lt3A_936 = arith.cmpi slt, %squeeze3A_933, %select_n3A_929 : i32
    %and3A_937 = arith.andi %eq3A_935, %lt3A_936 : i1
    %or3A_938 = arith.ori %gt3A_934, %and3A_937 : i1
    %select_n3A_939 = arith.select %or3A_938, %squeeze3A_931, %select_n3A_928 : f32
    %select_n3A_940 = arith.select %or3A_938, %squeeze3A_933, %select_n3A_929 : i32
    %slice3A_941 = vector.extract_strided_slice %select_n3A_794 {offsets = [14], sizes = [1], strides = [1]} : vector<16xf32> to vector<1xf32>
    %squeeze3A_942 = vector.extract %slice3A_941[0] : f32 from vector<1xf32>
    %slice3A_943 = vector.extract_strided_slice %select_n3A_795 {offsets = [14], sizes = [1], strides = [1]} : vector<16xi32> to vector<1xi32>
    %squeeze3A_944 = vector.extract %slice3A_943[0] : i32 from vector<1xi32>
    %gt3A_945 = arith.cmpf ogt, %squeeze3A_942, %select_n3A_939 : f32
    %eq3A_946 = arith.cmpf oeq, %squeeze3A_942, %select_n3A_939 : f32
    %lt3A_947 = arith.cmpi slt, %squeeze3A_944, %select_n3A_940 : i32
    %and3A_948 = arith.andi %eq3A_946, %lt3A_947 : i1
    %or3A_949 = arith.ori %gt3A_945, %and3A_948 : i1
    %select_n3A_950 = arith.select %or3A_949, %squeeze3A_942, %select_n3A_939 : f32
    %select_n3A_951 = arith.select %or3A_949, %squeeze3A_944, %select_n3A_940 : i32
    %slice3A_952 = vector.extract_strided_slice %select_n3A_794 {offsets = [15], sizes = [1], strides = [1]} : vector<16xf32> to vector<1xf32>
    %squeeze3A_953 = vector.extract %slice3A_952[0] : f32 from vector<1xf32>
    %slice3A_954 = vector.extract_strided_slice %select_n3A_795 {offsets = [15], sizes = [1], strides = [1]} : vector<16xi32> to vector<1xi32>
    %squeeze3A_955 = vector.extract %slice3A_954[0] : i32 from vector<1xi32>
    %gt3A_956 = arith.cmpf ogt, %squeeze3A_953, %select_n3A_950 : f32
    %eq3A_957 = arith.cmpf oeq, %squeeze3A_953, %select_n3A_950 : f32
    %lt3A_958 = arith.cmpi slt, %squeeze3A_955, %select_n3A_951 : i32
    %and3A_959 = arith.andi %eq3A_957, %lt3A_958 : i1
    %or3A_960 = arith.ori %gt3A_956, %and3A_959 : i1
    %select_n3A_961 = arith.select %or3A_960, %squeeze3A_953, %select_n3A_950 : f32
    %select_n3A_962 = arith.select %or3A_960, %squeeze3A_955, %select_n3A_951 : i32
    %mul3A_963 = arith.constant 2 : i32
    %mul3A_964 = arith.muli %select_n3A_28, %mul3A_963 : i32
    %add3A_965 = arith.constant 1 : i32
    %add3A_966 = arith.addi %mul3A_964, %add3A_965 : i32
    %mul3A_967 = arith.constant 16 : i32
    %mul3A_968 = arith.muli %add3A_966, %mul3A_967 : i32
    %get3A_969 = arith.index_cast %mul3A_968 : i32 to index
    %get3A_970 = tpu.vector_load %arg9[%get3A_969] {strides = array<i32>} : memref<512xf32, #tpu.memory_space<vmem>>, vector<16xf32>,
    %get3A_971 = vector.shape_cast %get3A_970 : vector<16xf32> to vector<16xf32>
    %get3A_972 = arith.index_cast %mul3A_968 : i32 to index
    %get3A_973 = tpu.vector_load %arg10[%get3A_972] {strides = array<i32>} : memref<512xi32, #tpu.memory_space<vmem>>, vector<16xi32>,
    %get3A_974 = vector.shape_cast %get3A_973 : vector<16xi32> to vector<16xi32>
    %add3A_975 = arith.constant 128 : i32
    %add3A_976 = arith.addi %add3A_975, %mul3A_968 : i32
    %get3A_977 = arith.index_cast %add3A_976 : i32 to index
    %get3A_978 = tpu.vector_load %arg9[%get3A_977] {strides = array<i32>} : memref<512xf32, #tpu.memory_space<vmem>>, vector<16xf32>,
    %get3A_979 = vector.shape_cast %get3A_978 : vector<16xf32> to vector<16xf32>
    %add3A_980 = arith.constant 128 : i32
    %add3A_981 = arith.addi %add3A_980, %mul3A_968 : i32
    %get3A_982 = arith.index_cast %add3A_981 : i32 to index
    %get3A_983 = tpu.vector_load %arg10[%get3A_982] {strides = array<i32>} : memref<512xi32, #tpu.memory_space<vmem>>, vector<16xi32>,
    %get3A_984 = vector.shape_cast %get3A_983 : vector<16xi32> to vector<16xi32>
    %gt3A_985 = arith.cmpf ogt, %get3A_979, %get3A_971 : vector<16xf32>
    %eq3A_986 = arith.cmpf oeq, %get3A_979, %get3A_971 : vector<16xf32>
    %lt3A_987 = arith.cmpi slt, %get3A_984, %get3A_974 : vector<16xi32>
    %and3A_988 = arith.andi %eq3A_986, %lt3A_987 : vector<16xi1>
    %or3A_989 = arith.ori %gt3A_985, %and3A_988 : vector<16xi1>
    %select_n3A_990 = arith.select %or3A_989, %get3A_979, %get3A_971 : vector<16xi1>, vector<16xf32>
    %select_n3A_991 = arith.select %or3A_989, %get3A_984, %get3A_974 : vector<16xi1>, vector<16xi32>
    %add3A_992 = arith.constant 256 : i32
    %add3A_993 = arith.addi %add3A_992, %mul3A_968 : i32
    %get3A_994 = arith.index_cast %add3A_993 : i32 to index
    %get3A_995 = tpu.vector_load %arg9[%get3A_994] {strides = array<i32>} : memref<512xf32, #tpu.memory_space<vmem>>, vector<16xf32>,
    %get3A_996 = vector.shape_cast %get3A_995 : vector<16xf32> to vector<16xf32>
    %add3A_997 = arith.constant 256 : i32
    %add3A_998 = arith.addi %add3A_997, %mul3A_968 : i32
    %get3A_999 = arith.index_cast %add3A_998 : i32 to index
    %get3A_1000 = tpu.vector_load %arg10[%get3A_999] {strides = array<i32>} : memref<512xi32, #tpu.memory_space<vmem>>, vector<16xi32>,
    %get3A_1001 = vector.shape_cast %get3A_1000 : vector<16xi32> to vector<16xi32>
    %gt3A_1002 = arith.cmpf ogt, %get3A_996, %select_n3A_990 : vector<16xf32>
    %eq3A_1003 = arith.cmpf oeq, %get3A_996, %select_n3A_990 : vector<16xf32>
    %lt3A_1004 = arith.cmpi slt, %get3A_1001, %select_n3A_991 : vector<16xi32>
    %and3A_1005 = arith.andi %eq3A_1003, %lt3A_1004 : vector<16xi1>
    %or3A_1006 = arith.ori %gt3A_1002, %and3A_1005 : vector<16xi1>
    %select_n3A_1007 = arith.select %or3A_1006, %get3A_996, %select_n3A_990 : vector<16xi1>, vector<16xf32>
    %select_n3A_1008 = arith.select %or3A_1006, %get3A_1001, %select_n3A_991 : vector<16xi1>, vector<16xi32>
    %add3A_1009 = arith.constant 384 : i32
    %add3A_1010 = arith.addi %add3A_1009, %mul3A_968 : i32
    %get3A_1011 = arith.index_cast %add3A_1010 : i32 to index
    %get3A_1012 = tpu.vector_load %arg9[%get3A_1011] {strides = array<i32>} : memref<512xf32, #tpu.memory_space<vmem>>, vector<16xf32>,
    %get3A_1013 = vector.shape_cast %get3A_1012 : vector<16xf32> to vector<16xf32>
    %add3A_1014 = arith.constant 384 : i32
    %add3A_1015 = arith.addi %add3A_1014, %mul3A_968 : i32
    %get3A_1016 = arith.index_cast %add3A_1015 : i32 to index
    %get3A_1017 = tpu.vector_load %arg10[%get3A_1016] {strides = array<i32>} : memref<512xi32, #tpu.memory_space<vmem>>, vector<16xi32>,
    %get3A_1018 = vector.shape_cast %get3A_1017 : vector<16xi32> to vector<16xi32>
    %gt3A_1019 = arith.cmpf ogt, %get3A_1013, %select_n3A_1007 : vector<16xf32>
    %eq3A_1020 = arith.cmpf oeq, %get3A_1013, %select_n3A_1007 : vector<16xf32>
    %lt3A_1021 = arith.cmpi slt, %get3A_1018, %select_n3A_1008 : vector<16xi32>
    %and3A_1022 = arith.andi %eq3A_1020, %lt3A_1021 : vector<16xi1>
    %or3A_1023 = arith.ori %gt3A_1019, %and3A_1022 : vector<16xi1>
    %select_n3A_1024 = arith.select %or3A_1023, %get3A_1013, %select_n3A_1007 : vector<16xi1>, vector<16xf32>
    %select_n3A_1025 = arith.select %or3A_1023, %get3A_1018, %select_n3A_1008 : vector<16xi1>, vector<16xi32>
    %slice3A_1026 = vector.extract_strided_slice %select_n3A_1024 {offsets = [0], sizes = [1], strides = [1]} : vector<16xf32> to vector<1xf32>
    %squeeze3A_1027 = vector.extract %slice3A_1026[0] : f32 from vector<1xf32>
    %slice3A_1028 = vector.extract_strided_slice %select_n3A_1025 {offsets = [0], sizes = [1], strides = [1]} : vector<16xi32> to vector<1xi32>
    %squeeze3A_1029 = vector.extract %slice3A_1028[0] : i32 from vector<1xi32>
    %slice3A_1030 = vector.extract_strided_slice %select_n3A_1024 {offsets = [1], sizes = [1], strides = [1]} : vector<16xf32> to vector<1xf32>
    %squeeze3A_1031 = vector.extract %slice3A_1030[0] : f32 from vector<1xf32>
    %slice3A_1032 = vector.extract_strided_slice %select_n3A_1025 {offsets = [1], sizes = [1], strides = [1]} : vector<16xi32> to vector<1xi32>
    %squeeze3A_1033 = vector.extract %slice3A_1032[0] : i32 from vector<1xi32>
    %gt3A_1034 = arith.cmpf ogt, %squeeze3A_1031, %squeeze3A_1027 : f32
    %eq3A_1035 = arith.cmpf oeq, %squeeze3A_1031, %squeeze3A_1027 : f32
    %lt3A_1036 = arith.cmpi slt, %squeeze3A_1033, %squeeze3A_1029 : i32
    %and3A_1037 = arith.andi %eq3A_1035, %lt3A_1036 : i1
    %or3A_1038 = arith.ori %gt3A_1034, %and3A_1037 : i1
    %select_n3A_1039 = arith.select %or3A_1038, %squeeze3A_1031, %squeeze3A_1027 : f32
    %select_n3A_1040 = arith.select %or3A_1038, %squeeze3A_1033, %squeeze3A_1029 : i32
    %slice3A_1041 = vector.extract_strided_slice %select_n3A_1024 {offsets = [2], sizes = [1], strides = [1]} : vector<16xf32> to vector<1xf32>
    %squeeze3A_1042 = vector.extract %slice3A_1041[0] : f32 from vector<1xf32>
    %slice3A_1043 = vector.extract_strided_slice %select_n3A_1025 {offsets = [2], sizes = [1], strides = [1]} : vector<16xi32> to vector<1xi32>
    %squeeze3A_1044 = vector.extract %slice3A_1043[0] : i32 from vector<1xi32>
    %gt3A_1045 = arith.cmpf ogt, %squeeze3A_1042, %select_n3A_1039 : f32
    %eq3A_1046 = arith.cmpf oeq, %squeeze3A_1042, %select_n3A_1039 : f32
    %lt3A_1047 = arith.cmpi slt, %squeeze3A_1044, %select_n3A_1040 : i32
    %and3A_1048 = arith.andi %eq3A_1046, %lt3A_1047 : i1
    %or3A_1049 = arith.ori %gt3A_1045, %and3A_1048 : i1
    %select_n3A_1050 = arith.select %or3A_1049, %squeeze3A_1042, %select_n3A_1039 : f32
    %select_n3A_1051 = arith.select %or3A_1049, %squeeze3A_1044, %select_n3A_1040 : i32
    %slice3A_1052 = vector.extract_strided_slice %select_n3A_1024 {offsets = [3], sizes = [1], strides = [1]} : vector<16xf32> to vector<1xf32>
    %squeeze3A_1053 = vector.extract %slice3A_1052[0] : f32 from vector<1xf32>
    %slice3A_1054 = vector.extract_strided_slice %select_n3A_1025 {offsets = [3], sizes = [1], strides = [1]} : vector<16xi32> to vector<1xi32>
    %squeeze3A_1055 = vector.extract %slice3A_1054[0] : i32 from vector<1xi32>
    %gt3A_1056 = arith.cmpf ogt, %squeeze3A_1053, %select_n3A_1050 : f32
    %eq3A_1057 = arith.cmpf oeq, %squeeze3A_1053, %select_n3A_1050 : f32
    %lt3A_1058 = arith.cmpi slt, %squeeze3A_1055, %select_n3A_1051 : i32
    %and3A_1059 = arith.andi %eq3A_1057, %lt3A_1058 : i1
    %or3A_1060 = arith.ori %gt3A_1056, %and3A_1059 : i1
    %select_n3A_1061 = arith.select %or3A_1060, %squeeze3A_1053, %select_n3A_1050 : f32
    %select_n3A_1062 = arith.select %or3A_1060, %squeeze3A_1055, %select_n3A_1051 : i32
    %slice3A_1063 = vector.extract_strided_slice %select_n3A_1024 {offsets = [4], sizes = [1], strides = [1]} : vector<16xf32> to vector<1xf32>
    %squeeze3A_1064 = vector.extract %slice3A_1063[0] : f32 from vector<1xf32>
    %slice3A_1065 = vector.extract_strided_slice %select_n3A_1025 {offsets = [4], sizes = [1], strides = [1]} : vector<16xi32> to vector<1xi32>
    %squeeze3A_1066 = vector.extract %slice3A_1065[0] : i32 from vector<1xi32>
    %gt3A_1067 = arith.cmpf ogt, %squeeze3A_1064, %select_n3A_1061 : f32
    %eq3A_1068 = arith.cmpf oeq, %squeeze3A_1064, %select_n3A_1061 : f32
    %lt3A_1069 = arith.cmpi slt, %squeeze3A_1066, %select_n3A_1062 : i32
    %and3A_1070 = arith.andi %eq3A_1068, %lt3A_1069 : i1
    %or3A_1071 = arith.ori %gt3A_1067, %and3A_1070 : i1
    %select_n3A_1072 = arith.select %or3A_1071, %squeeze3A_1064, %select_n3A_1061 : f32
    %select_n3A_1073 = arith.select %or3A_1071, %squeeze3A_1066, %select_n3A_1062 : i32
    %slice3A_1074 = vector.extract_strided_slice %select_n3A_1024 {offsets = [5], sizes = [1], strides = [1]} : vector<16xf32> to vector<1xf32>
    %squeeze3A_1075 = vector.extract %slice3A_1074[0] : f32 from vector<1xf32>
    %slice3A_1076 = vector.extract_strided_slice %select_n3A_1025 {offsets = [5], sizes = [1], strides = [1]} : vector<16xi32> to vector<1xi32>
    %squeeze3A_1077 = vector.extract %slice3A_1076[0] : i32 from vector<1xi32>
    %gt3A_1078 = arith.cmpf ogt, %squeeze3A_1075, %select_n3A_1072 : f32
    %eq3A_1079 = arith.cmpf oeq, %squeeze3A_1075, %select_n3A_1072 : f32
    %lt3A_1080 = arith.cmpi slt, %squeeze3A_1077, %select_n3A_1073 : i32
    %and3A_1081 = arith.andi %eq3A_1079, %lt3A_1080 : i1
    %or3A_1082 = arith.ori %gt3A_1078, %and3A_1081 : i1
    %select_n3A_1083 = arith.select %or3A_1082, %squeeze3A_1075, %select_n3A_1072 : f32
    %select_n3A_1084 = arith.select %or3A_1082, %squeeze3A_1077, %select_n3A_1073 : i32
    %slice3A_1085 = vector.extract_strided_slice %select_n3A_1024 {offsets = [6], sizes = [1], strides = [1]} : vector<16xf32> to vector<1xf32>
    %squeeze3A_1086 = vector.extract %slice3A_1085[0] : f32 from vector<1xf32>
    %slice3A_1087 = vector.extract_strided_slice %select_n3A_1025 {offsets = [6], sizes = [1], strides = [1]} : vector<16xi32> to vector<1xi32>
    %squeeze3A_1088 = vector.extract %slice3A_1087[0] : i32 from vector<1xi32>
    %gt3A_1089 = arith.cmpf ogt, %squeeze3A_1086, %select_n3A_1083 : f32
    %eq3A_1090 = arith.cmpf oeq, %squeeze3A_1086, %select_n3A_1083 : f32
    %lt3A_1091 = arith.cmpi slt, %squeeze3A_1088, %select_n3A_1084 : i32
    %and3A_1092 = arith.andi %eq3A_1090, %lt3A_1091 : i1
    %or3A_1093 = arith.ori %gt3A_1089, %and3A_1092 : i1
    %select_n3A_1094 = arith.select %or3A_1093, %squeeze3A_1086, %select_n3A_1083 : f32
    %select_n3A_1095 = arith.select %or3A_1093, %squeeze3A_1088, %select_n3A_1084 : i32
    %slice3A_1096 = vector.extract_strided_slice %select_n3A_1024 {offsets = [7], sizes = [1], strides = [1]} : vector<16xf32> to vector<1xf32>
    %squeeze3A_1097 = vector.extract %slice3A_1096[0] : f32 from vector<1xf32>
    %slice3A_1098 = vector.extract_strided_slice %select_n3A_1025 {offsets = [7], sizes = [1], strides = [1]} : vector<16xi32> to vector<1xi32>
    %squeeze3A_1099 = vector.extract %slice3A_1098[0] : i32 from vector<1xi32>
    %gt3A_1100 = arith.cmpf ogt, %squeeze3A_1097, %select_n3A_1094 : f32
    %eq3A_1101 = arith.cmpf oeq, %squeeze3A_1097, %select_n3A_1094 : f32
    %lt3A_1102 = arith.cmpi slt, %squeeze3A_1099, %select_n3A_1095 : i32
    %and3A_1103 = arith.andi %eq3A_1101, %lt3A_1102 : i1
    %or3A_1104 = arith.ori %gt3A_1100, %and3A_1103 : i1
    %select_n3A_1105 = arith.select %or3A_1104, %squeeze3A_1097, %select_n3A_1094 : f32
    %select_n3A_1106 = arith.select %or3A_1104, %squeeze3A_1099, %select_n3A_1095 : i32
    %slice3A_1107 = vector.extract_strided_slice %select_n3A_1024 {offsets = [8], sizes = [1], strides = [1]} : vector<16xf32> to vector<1xf32>
    %squeeze3A_1108 = vector.extract %slice3A_1107[0] : f32 from vector<1xf32>
    %slice3A_1109 = vector.extract_strided_slice %select_n3A_1025 {offsets = [8], sizes = [1], strides = [1]} : vector<16xi32> to vector<1xi32>
    %squeeze3A_1110 = vector.extract %slice3A_1109[0] : i32 from vector<1xi32>
    %gt3A_1111 = arith.cmpf ogt, %squeeze3A_1108, %select_n3A_1105 : f32
    %eq3A_1112 = arith.cmpf oeq, %squeeze3A_1108, %select_n3A_1105 : f32
    %lt3A_1113 = arith.cmpi slt, %squeeze3A_1110, %select_n3A_1106 : i32
    %and3A_1114 = arith.andi %eq3A_1112, %lt3A_1113 : i1
    %or3A_1115 = arith.ori %gt3A_1111, %and3A_1114 : i1
    %select_n3A_1116 = arith.select %or3A_1115, %squeeze3A_1108, %select_n3A_1105 : f32
    %select_n3A_1117 = arith.select %or3A_1115, %squeeze3A_1110, %select_n3A_1106 : i32
    %slice3A_1118 = vector.extract_strided_slice %select_n3A_1024 {offsets = [9], sizes = [1], strides = [1]} : vector<16xf32> to vector<1xf32>
    %squeeze3A_1119 = vector.extract %slice3A_1118[0] : f32 from vector<1xf32>
    %slice3A_1120 = vector.extract_strided_slice %select_n3A_1025 {offsets = [9], sizes = [1], strides = [1]} : vector<16xi32> to vector<1xi32>
    %squeeze3A_1121 = vector.extract %slice3A_1120[0] : i32 from vector<1xi32>
    %gt3A_1122 = arith.cmpf ogt, %squeeze3A_1119, %select_n3A_1116 : f32
    %eq3A_1123 = arith.cmpf oeq, %squeeze3A_1119, %select_n3A_1116 : f32
    %lt3A_1124 = arith.cmpi slt, %squeeze3A_1121, %select_n3A_1117 : i32
    %and3A_1125 = arith.andi %eq3A_1123, %lt3A_1124 : i1
    %or3A_1126 = arith.ori %gt3A_1122, %and3A_1125 : i1
    %select_n3A_1127 = arith.select %or3A_1126, %squeeze3A_1119, %select_n3A_1116 : f32
    %select_n3A_1128 = arith.select %or3A_1126, %squeeze3A_1121, %select_n3A_1117 : i32
    %slice3A_1129 = vector.extract_strided_slice %select_n3A_1024 {offsets = [10], sizes = [1], strides = [1]} : vector<16xf32> to vector<1xf32>
    %squeeze3A_1130 = vector.extract %slice3A_1129[0] : f32 from vector<1xf32>
    %slice3A_1131 = vector.extract_strided_slice %select_n3A_1025 {offsets = [10], sizes = [1], strides = [1]} : vector<16xi32> to vector<1xi32>
    %squeeze3A_1132 = vector.extract %slice3A_1131[0] : i32 from vector<1xi32>
    %gt3A_1133 = arith.cmpf ogt, %squeeze3A_1130, %select_n3A_1127 : f32
    %eq3A_1134 = arith.cmpf oeq, %squeeze3A_1130, %select_n3A_1127 : f32
    %lt3A_1135 = arith.cmpi slt, %squeeze3A_1132, %select_n3A_1128 : i32
    %and3A_1136 = arith.andi %eq3A_1134, %lt3A_1135 : i1
    %or3A_1137 = arith.ori %gt3A_1133, %and3A_1136 : i1
    %select_n3A_1138 = arith.select %or3A_1137, %squeeze3A_1130, %select_n3A_1127 : f32
    %select_n3A_1139 = arith.select %or3A_1137, %squeeze3A_1132, %select_n3A_1128 : i32
    %slice3A_1140 = vector.extract_strided_slice %select_n3A_1024 {offsets = [11], sizes = [1], strides = [1]} : vector<16xf32> to vector<1xf32>
    %squeeze3A_1141 = vector.extract %slice3A_1140[0] : f32 from vector<1xf32>
    %slice3A_1142 = vector.extract_strided_slice %select_n3A_1025 {offsets = [11], sizes = [1], strides = [1]} : vector<16xi32> to vector<1xi32>
    %squeeze3A_1143 = vector.extract %slice3A_1142[0] : i32 from vector<1xi32>
    %gt3A_1144 = arith.cmpf ogt, %squeeze3A_1141, %select_n3A_1138 : f32
    %eq3A_1145 = arith.cmpf oeq, %squeeze3A_1141, %select_n3A_1138 : f32
    %lt3A_1146 = arith.cmpi slt, %squeeze3A_1143, %select_n3A_1139 : i32
    %and3A_1147 = arith.andi %eq3A_1145, %lt3A_1146 : i1
    %or3A_1148 = arith.ori %gt3A_1144, %and3A_1147 : i1
    %select_n3A_1149 = arith.select %or3A_1148, %squeeze3A_1141, %select_n3A_1138 : f32
    %select_n3A_1150 = arith.select %or3A_1148, %squeeze3A_1143, %select_n3A_1139 : i32
    %slice3A_1151 = vector.extract_strided_slice %select_n3A_1024 {offsets = [12], sizes = [1], strides = [1]} : vector<16xf32> to vector<1xf32>
    %squeeze3A_1152 = vector.extract %slice3A_1151[0] : f32 from vector<1xf32>
    %slice3A_1153 = vector.extract_strided_slice %select_n3A_1025 {offsets = [12], sizes = [1], strides = [1]} : vector<16xi32> to vector<1xi32>
    %squeeze3A_1154 = vector.extract %slice3A_1153[0] : i32 from vector<1xi32>
    %gt3A_1155 = arith.cmpf ogt, %squeeze3A_1152, %select_n3A_1149 : f32
    %eq3A_1156 = arith.cmpf oeq, %squeeze3A_1152, %select_n3A_1149 : f32
    %lt3A_1157 = arith.cmpi slt, %squeeze3A_1154, %select_n3A_1150 : i32
    %and3A_1158 = arith.andi %eq3A_1156, %lt3A_1157 : i1
    %or3A_1159 = arith.ori %gt3A_1155, %and3A_1158 : i1
    %select_n3A_1160 = arith.select %or3A_1159, %squeeze3A_1152, %select_n3A_1149 : f32
    %select_n3A_1161 = arith.select %or3A_1159, %squeeze3A_1154, %select_n3A_1150 : i32
    %slice3A_1162 = vector.extract_strided_slice %select_n3A_1024 {offsets = [13], sizes = [1], strides = [1]} : vector<16xf32> to vector<1xf32>
    %squeeze3A_1163 = vector.extract %slice3A_1162[0] : f32 from vector<1xf32>
    %slice3A_1164 = vector.extract_strided_slice %select_n3A_1025 {offsets = [13], sizes = [1], strides = [1]} : vector<16xi32> to vector<1xi32>
    %squeeze3A_1165 = vector.extract %slice3A_1164[0] : i32 from vector<1xi32>
    %gt3A_1166 = arith.cmpf ogt, %squeeze3A_1163, %select_n3A_1160 : f32
    %eq3A_1167 = arith.cmpf oeq, %squeeze3A_1163, %select_n3A_1160 : f32
    %lt3A_1168 = arith.cmpi slt, %squeeze3A_1165, %select_n3A_1161 : i32
    %and3A_1169 = arith.andi %eq3A_1167, %lt3A_1168 : i1
    %or3A_1170 = arith.ori %gt3A_1166, %and3A_1169 : i1
    %select_n3A_1171 = arith.select %or3A_1170, %squeeze3A_1163, %select_n3A_1160 : f32
    %select_n3A_1172 = arith.select %or3A_1170, %squeeze3A_1165, %select_n3A_1161 : i32
    %slice3A_1173 = vector.extract_strided_slice %select_n3A_1024 {offsets = [14], sizes = [1], strides = [1]} : vector<16xf32> to vector<1xf32>
    %squeeze3A_1174 = vector.extract %slice3A_1173[0] : f32 from vector<1xf32>
    %slice3A_1175 = vector.extract_strided_slice %select_n3A_1025 {offsets = [14], sizes = [1], strides = [1]} : vector<16xi32> to vector<1xi32>
    %squeeze3A_1176 = vector.extract %slice3A_1175[0] : i32 from vector<1xi32>
    %gt3A_1177 = arith.cmpf ogt, %squeeze3A_1174, %select_n3A_1171 : f32
    %eq3A_1178 = arith.cmpf oeq, %squeeze3A_1174, %select_n3A_1171 : f32
    %lt3A_1179 = arith.cmpi slt, %squeeze3A_1176, %select_n3A_1172 : i32
    %and3A_1180 = arith.andi %eq3A_1178, %lt3A_1179 : i1
    %or3A_1181 = arith.ori %gt3A_1177, %and3A_1180 : i1
    %select_n3A_1182 = arith.select %or3A_1181, %squeeze3A_1174, %select_n3A_1171 : f32
    %select_n3A_1183 = arith.select %or3A_1181, %squeeze3A_1176, %select_n3A_1172 : i32
    %slice3A_1184 = vector.extract_strided_slice %select_n3A_1024 {offsets = [15], sizes = [1], strides = [1]} : vector<16xf32> to vector<1xf32>
    %squeeze3A_1185 = vector.extract %slice3A_1184[0] : f32 from vector<1xf32>
    %slice3A_1186 = vector.extract_strided_slice %select_n3A_1025 {offsets = [15], sizes = [1], strides = [1]} : vector<16xi32> to vector<1xi32>
    %squeeze3A_1187 = vector.extract %slice3A_1186[0] : i32 from vector<1xi32>
    %gt3A_1188 = arith.cmpf ogt, %squeeze3A_1185, %select_n3A_1182 : f32
    %eq3A_1189 = arith.cmpf oeq, %squeeze3A_1185, %select_n3A_1182 : f32
    %lt3A_1190 = arith.cmpi slt, %squeeze3A_1187, %select_n3A_1183 : i32
    %and3A_1191 = arith.andi %eq3A_1189, %lt3A_1190 : i1
    %or3A_1192 = arith.ori %gt3A_1188, %and3A_1191 : i1
    %select_n3A_1193 = arith.select %or3A_1192, %squeeze3A_1185, %select_n3A_1182 : f32
    %select_n3A_1194 = arith.select %or3A_1192, %squeeze3A_1187, %select_n3A_1183 : i32
    %eq3A_1195 = arith.constant 0 : i32
    %eq3A_1196 = vector.broadcast %eq3A_1195 : i32 to vector<16xi32>
    %eq3A_1197 = arith.cmpi eq, %iota3A, %eq3A_1196 : vector<16xi32>
    %eq3A_1198 = arith.constant 1 : i32
    %eq3A_1199 = vector.broadcast %eq3A_1198 : i32 to vector<16xi32>
    %eq3A_1200 = arith.cmpi eq, %iota3A, %eq3A_1199 : vector<16xi32>
    %jit3A_1201 = arith.constant 0 : i32
    %broadcast_in_dim3A_1202 = vector.broadcast %select_n3A_1194 : i32 to vector<16xi32>
    %broadcast_in_dim3A_1203 = vector.broadcast %jit3A_1201 : i32 to vector<16xi32>
    %select_n3A_1204 = arith.select %eq3A_1200, %broadcast_in_dim3A_1202, %broadcast_in_dim3A_1203 : vector<16xi1>, vector<16xi32>
    %broadcast_in_dim3A_1205 = vector.broadcast %select_n3A_962 : i32 to vector<16xi32>
    %select_n3A_1206 = arith.select %eq3A_1197, %broadcast_in_dim3A_1205, %select_n3A_1204 : vector<16xi1>, vector<16xi32>
    %swap3A_1207 = arith.constant 0 : index
    %swap3A_1208 = tpu.vector_load %arg11[%swap3A_1207] {strides = array<i32>} : memref<16xi32, #tpu.memory_space<vmem>>, vector<16xi32>,
    %swap3A_1209 = vector.shape_cast %swap3A_1208 : vector<16xi32> to vector<16xi32>
    %swap3A_1210 = vector.shape_cast %select_n3A_1206 : vector<16xi32> to vector<16xi32>
    tpu.vector_store %arg11[%swap3A_1207], %swap3A_1210 {strides = array<i32>} : memref<16xi32, #tpu.memory_space<vmem>>, vector<16xi32>,
    %mul3A_1211 = arith.constant 2 : i32
    %mul3A_1212 = arith.muli %select_n3A_28, %mul3A_1211 : i32
    %add3A_1213 = arith.addi %multiple_of3A, %mul3A_1212 : i32
    %jit3A_1214 = arith.constant 2 : i32
    %div3A_1215 = arith.divsi %add3A_1213, %jit3A_1214 : i32
    %sign3A_1216 = arith.constant 0 : i32
    %sign3A_1217 = arith.cmpi sgt, %add3A_1213, %sign3A_1216 : i32
    %sign3A_1218 = arith.extui %sign3A_1217 : i1 to i32
    %sign3A_1219 = arith.constant 0 : i32
    %sign3A_1220 = arith.cmpi slt, %add3A_1213, %sign3A_1219 : i32
    %sign3A_1221 = arith.extui %sign3A_1220 : i1 to i32
    %sign3A_1222 = arith.subi %sign3A_1218, %sign3A_1221 : i32
    %sign3A_1223 = arith.constant 0 : i32
    %sign3A_1224 = arith.cmpi sgt, %jit3A_1214, %sign3A_1223 : i32
    %sign3A_1225 = arith.extui %sign3A_1224 : i1 to i32
    %sign3A_1226 = arith.constant 0 : i32
    %sign3A_1227 = arith.cmpi slt, %jit3A_1214, %sign3A_1226 : i32
    %sign3A_1228 = arith.extui %sign3A_1227 : i1 to i32
    %sign3A_1229 = arith.subi %sign3A_1225, %sign3A_1228 : i32
    %ne3A_1230 = arith.cmpi ne, %sign3A_1222, %sign3A_1229 : i32
    %rem3A_1231 = arith.remsi %add3A_1213, %jit3A_1214 : i32
    %ne3A_1232 = arith.constant 0 : i32
    %ne3A_1233 = arith.cmpi ne, %rem3A_1231, %ne3A_1232 : i32
    %and3A_1234 = arith.andi %ne3A_1230, %ne3A_1233 : i1
    %sub3A_1235 = arith.constant 1 : i32
    %sub3A_1236 = arith.subi %div3A_1215, %sub3A_1235 : i32
    %select_n3A_1237 = arith.select %and3A_1234, %sub3A_1236, %div3A_1215 : i32
    %mul3A_1238 = arith.constant 16 : i32
    %mul3A_1239 = arith.muli %select_n3A_1237, %mul3A_1238 : i32
    %multiple_of3A_1240 = tpu.assume_multiple %mul3A_1239, 8 : i32
    "tpu.region"() ({
      %run_scoped3A = tpu.sem_alloc : memref<!tpu.dma_semaphore, #tpu.memory_space<semaphore_mem>>
      %dma_start3A_1241 = tpu.memref_slice %arg4[%multiple_of3A_1240] : memref<512xi32, #tpu.memory_space<hbm>> -> memref<16xi32, #tpu.memory_space<hbm>>
      %dma_start3A_1242 = tpu.memref_slice %arg4[%multiple_of3A_1240] : memref<512xi32, #tpu.memory_space<hbm>> -> memref<16xi32, #tpu.memory_space<hbm>>
      tpu.enqueue_dma source(%arg11 : memref<16xi32, #tpu.memory_space<vmem>>) target(%dma_start3A_1242 : memref<16xi32, #tpu.memory_space<hbm>>) target_semaphore(%run_scoped3A : memref<!tpu.dma_semaphore, #tpu.memory_space<semaphore_mem>>)
      %dma_wait3A_1243 = tpu.memref_slice %arg4[%multiple_of3A_1240] : memref<512xi32, #tpu.memory_space<hbm>> -> memref<16xi32, #tpu.memory_space<hbm>>
      %dma_wait3A_1244 = tpu.memref_slice %arg4[%multiple_of3A_1240] : memref<512xi32, #tpu.memory_space<hbm>> -> memref<16xi32, #tpu.memory_space<hbm>>
      tpu.wait_dma2 semaphore(%run_scoped3A : memref<!tpu.dma_semaphore, #tpu.memory_space<semaphore_mem>>) src(%arg11 : memref<16xi32, #tpu.memory_space<vmem>>) dst(%dma_wait3A_1244 : memref<16xi32, #tpu.memory_space<hbm>>)
      tpu.yield
    }) : () -> ()
    return
  }
}

#map = affine_map<(d0, d1) -> (0, 0)>
#map1 = affine_map<(d0, d1) -> (0)>
module attributes {stable_mosaic.version = 14 : i64} {
  func.func @gather_rows(%arg0: i32, %arg1: i32, %arg2: memref<64x100000xf32, #tpu.memory_space<hbm>>, %arg3: memref<512xi32, #tpu.memory_space<hbm>>, %arg4: memref<4096xf32, #tpu.memory_space<hbm>>, %arg5: memref<512xi32, #tpu.memory_space<vmem>>, %arg6: memref<64x128xf32, #tpu.memory_space<vmem>>, %arg7: memref<64xf32, #tpu.memory_space<vmem>>) attributes {dimension_semantics = [#tpu.dimension_semantics<core_parallel>, #tpu.dimension_semantics<subcore_parallel>], iteration_bounds = array<i64: 2, 16>, scalar_prefetch = 0 : i64, scratch_operands = 3 : i64, tpu.core_type = #tpu.core_type<sc_vector_subcore>, window_params = [{transform_indices = #map}, {transform_indices = #map1}, {transform_indices = #map1}]} {
    %mul3A = arith.constant 2 : i32
    %mul3A_0 = arith.muli %arg1, %mul3A : i32
    %add3A = arith.addi %mul3A_0, %arg0 : i32
    %iota3A = tpu.iota {dimensions = array<i32: 0>} : vector<16xi32>
    "tpu.region"() ({
      %run_scoped3A = tpu.sem_alloc : memref<!tpu.dma_semaphore, #tpu.memory_space<semaphore_mem>>
      tpu.enqueue_dma source(%arg3 : memref<512xi32, #tpu.memory_space<hbm>>) target(%arg5 : memref<512xi32, #tpu.memory_space<vmem>>) target_semaphore(%run_scoped3A : memref<!tpu.dma_semaphore, #tpu.memory_space<semaphore_mem>>)
      tpu.wait_dma2 semaphore(%run_scoped3A : memref<!tpu.dma_semaphore, #tpu.memory_space<semaphore_mem>>) src(%arg3 : memref<512xi32, #tpu.memory_space<hbm>>) dst(%arg5 : memref<512xi32, #tpu.memory_space<vmem>>)
      tpu.yield
    }) : () -> ()
    %mul3A_1 = arith.constant 16 : i32
    %mul3A_2 = arith.muli %add3A, %mul3A_1 : i32
    %get3A = arith.index_cast %mul3A_2 : i32 to index
    %get3A_3 = tpu.vector_load %arg5[%get3A] {strides = array<i32>} : memref<512xi32, #tpu.memory_space<vmem>>, vector<16xi32>,
    %get3A_4 = vector.shape_cast %get3A_3 : vector<16xi32> to vector<16xi32>
    %slice3A = vector.extract_strided_slice %get3A_4 {offsets = [0], sizes = [1], strides = [1]} : vector<16xi32> to vector<1xi32>
    %squeeze3A = vector.extract %slice3A[0] : i32 from vector<1xi32>
    %jit3A = arith.constant 128 : i32
    %div3A = arith.divsi %squeeze3A, %jit3A : i32
    %sign3A = arith.constant 0 : i32
    %sign3A_5 = arith.cmpi sgt, %squeeze3A, %sign3A : i32
    %sign3A_6 = arith.extui %sign3A_5 : i1 to i32
    %sign3A_7 = arith.constant 0 : i32
    %sign3A_8 = arith.cmpi slt, %squeeze3A, %sign3A_7 : i32
    %sign3A_9 = arith.extui %sign3A_8 : i1 to i32
    %sign3A_10 = arith.subi %sign3A_6, %sign3A_9 : i32
    %sign3A_11 = arith.constant 0 : i32
    %sign3A_12 = arith.cmpi sgt, %jit3A, %sign3A_11 : i32
    %sign3A_13 = arith.extui %sign3A_12 : i1 to i32
    %sign3A_14 = arith.constant 0 : i32
    %sign3A_15 = arith.cmpi slt, %jit3A, %sign3A_14 : i32
    %sign3A_16 = arith.extui %sign3A_15 : i1 to i32
    %sign3A_17 = arith.subi %sign3A_13, %sign3A_16 : i32
    %ne3A = arith.cmpi ne, %sign3A_10, %sign3A_17 : i32
    %rem3A = arith.remsi %squeeze3A, %jit3A : i32
    %ne3A_18 = arith.constant 0 : i32
    %ne3A_19 = arith.cmpi ne, %rem3A, %ne3A_18 : i32
    %and3A = arith.andi %ne3A, %ne3A_19 : i1
    %sub3A = arith.constant 1 : i32
    %sub3A_20 = arith.subi %div3A, %sub3A : i32
    %select_n3A = arith.select %and3A, %sub3A_20, %div3A : i32
    %mul3A_21 = arith.constant 128 : i32
    %mul3A_22 = arith.muli %select_n3A, %mul3A_21 : i32
    %multiple_of3A = tpu.assume_multiple %mul3A_22, 128 : i32
    %sub3A_23 = arith.subi %squeeze3A, %multiple_of3A : i32
    "tpu.region"() ({
      %run_scoped3A = tpu.sem_alloc : memref<!tpu.dma_semaphore, #tpu.memory_space<semaphore_mem>>
      %dma_start3A = arith.constant 0 : i32
      %dma_start3A_121 = tpu.memref_slice %arg2[%dma_start3A, %multiple_of3A] : memref<64x100000xf32, #tpu.memory_space<hbm>> -> memref<64x128xf32, #tpu.memory_space<hbm>>
      %dma_start3A_122 = arith.constant 0 : i32
      %dma_start3A_123 = tpu.memref_slice %arg2[%dma_start3A_122, %multiple_of3A] : memref<64x100000xf32, #tpu.memory_space<hbm>> -> memref<64x128xf32, #tpu.memory_space<hbm>>
      tpu.enqueue_dma source(%dma_start3A_123 : memref<64x128xf32, #tpu.memory_space<hbm>>) target(%arg6 : memref<64x128xf32, #tpu.memory_space<vmem>>) target_semaphore(%run_scoped3A : memref<!tpu.dma_semaphore, #tpu.memory_space<semaphore_mem>>)
      %dma_wait3A = arith.constant 0 : i32
      %dma_wait3A_124 = tpu.memref_slice %arg2[%dma_wait3A, %multiple_of3A] : memref<64x100000xf32, #tpu.memory_space<hbm>> -> memref<64x128xf32, #tpu.memory_space<hbm>>
      %dma_wait3A_125 = arith.constant 0 : i32
      %dma_wait3A_126 = tpu.memref_slice %arg2[%dma_wait3A_125, %multiple_of3A] : memref<64x100000xf32, #tpu.memory_space<hbm>> -> memref<64x128xf32, #tpu.memory_space<hbm>>
      tpu.wait_dma2 semaphore(%run_scoped3A : memref<!tpu.dma_semaphore, #tpu.memory_space<semaphore_mem>>) src(%dma_wait3A_126 : memref<64x128xf32, #tpu.memory_space<hbm>>) dst(%arg6 : memref<64x128xf32, #tpu.memory_space<vmem>>)
      tpu.yield
    }) : () -> ()
    %broadcast_in_dim3A = arith.constant 0 : i32
    %broadcast_in_dim3A_24 = vector.broadcast %broadcast_in_dim3A : i32 to vector<16xi32>
    %add3A_25 = vector.broadcast %sub3A_23 : i32 to vector<16xi32>
    %add3A_26 = arith.addi %broadcast_in_dim3A_24, %add3A_25 : vector<16xi32>
    %add3A_27 = arith.constant 0 : i32
    %add3A_28 = vector.broadcast %add3A_27 : i32 to vector<16xi32>
    %add3A_29 = arith.addi %iota3A, %add3A_28 : vector<16xi32>
    %gather3A = tpu.vector_load_idx %arg6[%add3A_29, %add3A_26] : memref<64x128xf32, #tpu.memory_space<vmem>>[vector<16xi32>, vector<16xi32>], vector<16xf32>,
    %swap3A = arith.constant 0 : index
    %swap3A_30 = tpu.vector_load %arg7[%swap3A] {strides = array<i32>} : memref<64xf32, #tpu.memory_space<vmem>>, vector<16xf32>,
    tpu.vector_store %arg7[%swap3A], %gather3A {strides = array<i32>} : memref<64xf32, #tpu.memory_space<vmem>>, vector<16xf32>,
    %add3A_31 = arith.constant 16 : i32
    %add3A_32 = vector.broadcast %add3A_31 : i32 to vector<16xi32>
    %add3A_33 = arith.addi %iota3A, %add3A_32 : vector<16xi32>
    %gather3A_34 = tpu.vector_load_idx %arg6[%add3A_33, %add3A_26] : memref<64x128xf32, #tpu.memory_space<vmem>>[vector<16xi32>, vector<16xi32>], vector<16xf32>,
    %swap3A_35 = arith.constant 16 : index
    %swap3A_36 = tpu.vector_load %arg7[%swap3A_35] {strides = array<i32>} : memref<64xf32, #tpu.memory_space<vmem>>, vector<16xf32>,
    tpu.vector_store %arg7[%swap3A_35], %gather3A_34 {strides = array<i32>} : memref<64xf32, #tpu.memory_space<vmem>>, vector<16xf32>,
    %add3A_37 = arith.constant 32 : i32
    %add3A_38 = vector.broadcast %add3A_37 : i32 to vector<16xi32>
    %add3A_39 = arith.addi %iota3A, %add3A_38 : vector<16xi32>
    %gather3A_40 = tpu.vector_load_idx %arg6[%add3A_39, %add3A_26] : memref<64x128xf32, #tpu.memory_space<vmem>>[vector<16xi32>, vector<16xi32>], vector<16xf32>,
    %swap3A_41 = arith.constant 32 : index
    %swap3A_42 = tpu.vector_load %arg7[%swap3A_41] {strides = array<i32>} : memref<64xf32, #tpu.memory_space<vmem>>, vector<16xf32>,
    tpu.vector_store %arg7[%swap3A_41], %gather3A_40 {strides = array<i32>} : memref<64xf32, #tpu.memory_space<vmem>>, vector<16xf32>,
    %add3A_43 = arith.constant 48 : i32
    %add3A_44 = vector.broadcast %add3A_43 : i32 to vector<16xi32>
    %add3A_45 = arith.addi %iota3A, %add3A_44 : vector<16xi32>
    %gather3A_46 = tpu.vector_load_idx %arg6[%add3A_45, %add3A_26] : memref<64x128xf32, #tpu.memory_space<vmem>>[vector<16xi32>, vector<16xi32>], vector<16xf32>,
    %swap3A_47 = arith.constant 48 : index
    %swap3A_48 = tpu.vector_load %arg7[%swap3A_47] {strides = array<i32>} : memref<64xf32, #tpu.memory_space<vmem>>, vector<16xf32>,
    tpu.vector_store %arg7[%swap3A_47], %gather3A_46 {strides = array<i32>} : memref<64xf32, #tpu.memory_space<vmem>>, vector<16xf32>,
    %mul3A_49 = arith.constant 2 : i32
    %mul3A_50 = arith.muli %add3A, %mul3A_49 : i32
    %add3A_51 = arith.constant 0 : i32
    %add3A_52 = arith.addi %mul3A_50, %add3A_51 : i32
    %mul3A_53 = arith.constant 64 : i32
    %mul3A_54 = arith.muli %add3A_52, %mul3A_53 : i32
    %multiple_of3A_55 = tpu.assume_multiple %mul3A_54, 8 : i32
    "tpu.region"() ({
      %run_scoped3A = tpu.sem_alloc : memref<!tpu.dma_semaphore, #tpu.memory_space<semaphore_mem>>
      %dma_start3A = tpu.memref_slice %arg4[%multiple_of3A_55] : memref<4096xf32, #tpu.memory_space<hbm>> -> memref<64xf32, #tpu.memory_space<hbm>>
      %dma_start3A_121 = tpu.memref_slice %arg4[%multiple_of3A_55] : memref<4096xf32, #tpu.memory_space<hbm>> -> memref<64xf32, #tpu.memory_space<hbm>>
      tpu.enqueue_dma source(%arg7 : memref<64xf32, #tpu.memory_space<vmem>>) target(%dma_start3A_121 : memref<64xf32, #tpu.memory_space<hbm>>) target_semaphore(%run_scoped3A : memref<!tpu.dma_semaphore, #tpu.memory_space<semaphore_mem>>)
      %dma_wait3A = tpu.memref_slice %arg4[%multiple_of3A_55] : memref<4096xf32, #tpu.memory_space<hbm>> -> memref<64xf32, #tpu.memory_space<hbm>>
      %dma_wait3A_122 = tpu.memref_slice %arg4[%multiple_of3A_55] : memref<4096xf32, #tpu.memory_space<hbm>> -> memref<64xf32, #tpu.memory_space<hbm>>
      tpu.wait_dma2 semaphore(%run_scoped3A : memref<!tpu.dma_semaphore, #tpu.memory_space<semaphore_mem>>) src(%arg7 : memref<64xf32, #tpu.memory_space<vmem>>) dst(%dma_wait3A_122 : memref<64xf32, #tpu.memory_space<hbm>>)
      tpu.yield
    }) : () -> ()
    %slice3A_56 = vector.extract_strided_slice %get3A_4 {offsets = [1], sizes = [1], strides = [1]} : vector<16xi32> to vector<1xi32>
    %squeeze3A_57 = vector.extract %slice3A_56[0] : i32 from vector<1xi32>
    %jit3A_58 = arith.constant 128 : i32
    %div3A_59 = arith.divsi %squeeze3A_57, %jit3A_58 : i32
    %sign3A_60 = arith.constant 0 : i32
    %sign3A_61 = arith.cmpi sgt, %squeeze3A_57, %sign3A_60 : i32
    %sign3A_62 = arith.extui %sign3A_61 : i1 to i32
    %sign3A_63 = arith.constant 0 : i32
    %sign3A_64 = arith.cmpi slt, %squeeze3A_57, %sign3A_63 : i32
    %sign3A_65 = arith.extui %sign3A_64 : i1 to i32
    %sign3A_66 = arith.subi %sign3A_62, %sign3A_65 : i32
    %sign3A_67 = arith.constant 0 : i32
    %sign3A_68 = arith.cmpi sgt, %jit3A_58, %sign3A_67 : i32
    %sign3A_69 = arith.extui %sign3A_68 : i1 to i32
    %sign3A_70 = arith.constant 0 : i32
    %sign3A_71 = arith.cmpi slt, %jit3A_58, %sign3A_70 : i32
    %sign3A_72 = arith.extui %sign3A_71 : i1 to i32
    %sign3A_73 = arith.subi %sign3A_69, %sign3A_72 : i32
    %ne3A_74 = arith.cmpi ne, %sign3A_66, %sign3A_73 : i32
    %rem3A_75 = arith.remsi %squeeze3A_57, %jit3A_58 : i32
    %ne3A_76 = arith.constant 0 : i32
    %ne3A_77 = arith.cmpi ne, %rem3A_75, %ne3A_76 : i32
    %and3A_78 = arith.andi %ne3A_74, %ne3A_77 : i1
    %sub3A_79 = arith.constant 1 : i32
    %sub3A_80 = arith.subi %div3A_59, %sub3A_79 : i32
    %select_n3A_81 = arith.select %and3A_78, %sub3A_80, %div3A_59 : i32
    %mul3A_82 = arith.constant 128 : i32
    %mul3A_83 = arith.muli %select_n3A_81, %mul3A_82 : i32
    %multiple_of3A_84 = tpu.assume_multiple %mul3A_83, 128 : i32
    %sub3A_85 = arith.subi %squeeze3A_57, %multiple_of3A_84 : i32
    "tpu.region"() ({
      %run_scoped3A = tpu.sem_alloc : memref<!tpu.dma_semaphore, #tpu.memory_space<semaphore_mem>>
      %dma_start3A = arith.constant 0 : i32
      %dma_start3A_121 = tpu.memref_slice %arg2[%dma_start3A, %multiple_of3A_84] : memref<64x100000xf32, #tpu.memory_space<hbm>> -> memref<64x128xf32, #tpu.memory_space<hbm>>
      %dma_start3A_122 = arith.constant 0 : i32
      %dma_start3A_123 = tpu.memref_slice %arg2[%dma_start3A_122, %multiple_of3A_84] : memref<64x100000xf32, #tpu.memory_space<hbm>> -> memref<64x128xf32, #tpu.memory_space<hbm>>
      tpu.enqueue_dma source(%dma_start3A_123 : memref<64x128xf32, #tpu.memory_space<hbm>>) target(%arg6 : memref<64x128xf32, #tpu.memory_space<vmem>>) target_semaphore(%run_scoped3A : memref<!tpu.dma_semaphore, #tpu.memory_space<semaphore_mem>>)
      %dma_wait3A = arith.constant 0 : i32
      %dma_wait3A_124 = tpu.memref_slice %arg2[%dma_wait3A, %multiple_of3A_84] : memref<64x100000xf32, #tpu.memory_space<hbm>> -> memref<64x128xf32, #tpu.memory_space<hbm>>
      %dma_wait3A_125 = arith.constant 0 : i32
      %dma_wait3A_126 = tpu.memref_slice %arg2[%dma_wait3A_125, %multiple_of3A_84] : memref<64x100000xf32, #tpu.memory_space<hbm>> -> memref<64x128xf32, #tpu.memory_space<hbm>>
      tpu.wait_dma2 semaphore(%run_scoped3A : memref<!tpu.dma_semaphore, #tpu.memory_space<semaphore_mem>>) src(%dma_wait3A_126 : memref<64x128xf32, #tpu.memory_space<hbm>>) dst(%arg6 : memref<64x128xf32, #tpu.memory_space<vmem>>)
      tpu.yield
    }) : () -> ()
    %broadcast_in_dim3A_86 = arith.constant 0 : i32
    %broadcast_in_dim3A_87 = vector.broadcast %broadcast_in_dim3A_86 : i32 to vector<16xi32>
    %add3A_88 = vector.broadcast %sub3A_85 : i32 to vector<16xi32>
    %add3A_89 = arith.addi %broadcast_in_dim3A_87, %add3A_88 : vector<16xi32>
    %add3A_90 = arith.constant 0 : i32
    %add3A_91 = vector.broadcast %add3A_90 : i32 to vector<16xi32>
    %add3A_92 = arith.addi %iota3A, %add3A_91 : vector<16xi32>
    %gather3A_93 = tpu.vector_load_idx %arg6[%add3A_92, %add3A_89] : memref<64x128xf32, #tpu.memory_space<vmem>>[vector<16xi32>, vector<16xi32>], vector<16xf32>,
    %swap3A_94 = arith.constant 0 : index
    %swap3A_95 = tpu.vector_load %arg7[%swap3A_94] {strides = array<i32>} : memref<64xf32, #tpu.memory_space<vmem>>, vector<16xf32>,
    tpu.vector_store %arg7[%swap3A_94], %gather3A_93 {strides = array<i32>} : memref<64xf32, #tpu.memory_space<vmem>>, vector<16xf32>,
    %add3A_96 = arith.constant 16 : i32
    %add3A_97 = vector.broadcast %add3A_96 : i32 to vector<16xi32>
    %add3A_98 = arith.addi %iota3A, %add3A_97 : vector<16xi32>
    %gather3A_99 = tpu.vector_load_idx %arg6[%add3A_98, %add3A_89] : memref<64x128xf32, #tpu.memory_space<vmem>>[vector<16xi32>, vector<16xi32>], vector<16xf32>,
    %swap3A_100 = arith.constant 16 : index
    %swap3A_101 = tpu.vector_load %arg7[%swap3A_100] {strides = array<i32>} : memref<64xf32, #tpu.memory_space<vmem>>, vector<16xf32>,
    tpu.vector_store %arg7[%swap3A_100], %gather3A_99 {strides = array<i32>} : memref<64xf32, #tpu.memory_space<vmem>>, vector<16xf32>,
    %add3A_102 = arith.constant 32 : i32
    %add3A_103 = vector.broadcast %add3A_102 : i32 to vector<16xi32>
    %add3A_104 = arith.addi %iota3A, %add3A_103 : vector<16xi32>
    %gather3A_105 = tpu.vector_load_idx %arg6[%add3A_104, %add3A_89] : memref<64x128xf32, #tpu.memory_space<vmem>>[vector<16xi32>, vector<16xi32>], vector<16xf32>,
    %swap3A_106 = arith.constant 32 : index
    %swap3A_107 = tpu.vector_load %arg7[%swap3A_106] {strides = array<i32>} : memref<64xf32, #tpu.memory_space<vmem>>, vector<16xf32>,
    tpu.vector_store %arg7[%swap3A_106], %gather3A_105 {strides = array<i32>} : memref<64xf32, #tpu.memory_space<vmem>>, vector<16xf32>,
    %add3A_108 = arith.constant 48 : i32
    %add3A_109 = vector.broadcast %add3A_108 : i32 to vector<16xi32>
    %add3A_110 = arith.addi %iota3A, %add3A_109 : vector<16xi32>
    %gather3A_111 = tpu.vector_load_idx %arg6[%add3A_110, %add3A_89] : memref<64x128xf32, #tpu.memory_space<vmem>>[vector<16xi32>, vector<16xi32>], vector<16xf32>,
    %swap3A_112 = arith.constant 48 : index
    %swap3A_113 = tpu.vector_load %arg7[%swap3A_112] {strides = array<i32>} : memref<64xf32, #tpu.memory_space<vmem>>, vector<16xf32>,
    tpu.vector_store %arg7[%swap3A_112], %gather3A_111 {strides = array<i32>} : memref<64xf32, #tpu.memory_space<vmem>>, vector<16xf32>,
    %mul3A_114 = arith.constant 2 : i32
    %mul3A_115 = arith.muli %add3A, %mul3A_114 : i32
    %add3A_116 = arith.constant 1 : i32
    %add3A_117 = arith.addi %mul3A_115, %add3A_116 : i32
    %mul3A_118 = arith.constant 64 : i32
    %mul3A_119 = arith.muli %add3A_117, %mul3A_118 : i32
    %multiple_of3A_120 = tpu.assume_multiple %mul3A_119, 8 : i32
    "tpu.region"() ({
      %run_scoped3A = tpu.sem_alloc : memref<!tpu.dma_semaphore, #tpu.memory_space<semaphore_mem>>
      %dma_start3A = tpu.memref_slice %arg4[%multiple_of3A_120] : memref<4096xf32, #tpu.memory_space<hbm>> -> memref<64xf32, #tpu.memory_space<hbm>>
      %dma_start3A_121 = tpu.memref_slice %arg4[%multiple_of3A_120] : memref<4096xf32, #tpu.memory_space<hbm>> -> memref<64xf32, #tpu.memory_space<hbm>>
      tpu.enqueue_dma source(%arg7 : memref<64xf32, #tpu.memory_space<vmem>>) target(%dma_start3A_121 : memref<64xf32, #tpu.memory_space<hbm>>) target_semaphore(%run_scoped3A : memref<!tpu.dma_semaphore, #tpu.memory_space<semaphore_mem>>)
      %dma_wait3A = tpu.memref_slice %arg4[%multiple_of3A_120] : memref<4096xf32, #tpu.memory_space<hbm>> -> memref<64xf32, #tpu.memory_space<hbm>>
      %dma_wait3A_122 = tpu.memref_slice %arg4[%multiple_of3A_120] : memref<4096xf32, #tpu.memory_space<hbm>> -> memref<64xf32, #tpu.memory_space<hbm>>
      tpu.wait_dma2 semaphore(%run_scoped3A : memref<!tpu.dma_semaphore, #tpu.memory_space<semaphore_mem>>) src(%arg7 : memref<64xf32, #tpu.memory_space<vmem>>) dst(%dma_wait3A_122 : memref<64xf32, #tpu.memory_space<hbm>>)
      tpu.yield
    }) : () -> ()
    return
  }
}

</mosaic_0001>

<sc_bundles>
// kernel: kernel.4.cloned.1.call-start
scs
__scs_entry_jumppad:
0x0: {  	(pc) =	sbr.rel $0x88, $3  }
0x1: {  	(tag) =	ssettag $0x0;
	lr =	simm.s32 $0x1  }
0x2: {  	[smem:$0x3F9F] =	sst lr;
	_ =	strace $0xD0000000  }
0x3: {  	_ = 	snop  }
0x4: {  	_ = 	snop  }
0x5: {  	_ = 	snop  }
0x6: {  	_ = 	snop  }
0x7: {  	_ = 	snop  }
__scs_overlays_trampoline_lowered:
0x8: {  	[smem:$0x3FAE] =	sst s0  }
0x9: {  	[smem:$0x3FAF] =	sst s1  }
0xa: {  	[smem:$0x3FB0] =	sst s2  }
0xb: {  	[smem:$0x3FB1] =	sst s3  }
0xc: {  	[smem:$0x3FB2] =	sst s4  }
0xd: {  	[smem:$0x3FB3] =	sst s5  }
0xe: {  	[smem:$0x3FB4] =	sst s6  }
0xf: {  	[smem:$0x3FB5] =	sst s7  }
0x10: {  	[smem:$0x3FB6] =	sst s8  }
0x11: {  	[smem:$0x3FB7] =	sst s9;
	s0 =	simm.s32 @!p0 $0x0  }
0x12: {  	s1 =	sld [smem:$0x3F9D];
	s0 =	simm.s32 @p0 $0x1  }
0x13: {  	[smem:$0x3FB8] =	sst s0;
	s0 =	simm.s32 @!p1 $0x0  }
0x14: {  	s2 =	sld [smem:$0x3F9C];
	s0 =	simm.s32 @p1 $0x1  }
0x15: {  	[smem:$0x3FB9] =	sst s0;
	s0 =	simm.s32 @!p2 $0x0  }
0x16: {  	s3 =	sld [smem:$0x3FDB];
	s0 =	simm.s32 @p2 $0x1  }
0x17: {  	s4 =	simm.s32 $0x1BF5;
	[smem:$0x3FBB] =	sst s0  }
0x18: {  	s0 =	sld [smem:$0x3F9E];
	_ =	swait.ge [sflag:s4], $0x0  }
0x19: {  	s7 =	sld [smem:$0x3F9F]  }
0x1a: {  	s8 =	sadd.s32 $0xFFFFE003, lr  }
0x1b: {  	s9 =	sadd.s32 $0xFFFFFEF7, lr;
	s5 =	simm.s32 $0xFFFFFFFF;
	p2 =	slt.u32 s8, $0xFFFFF086  }
0x1c: {  	p1 =	slt.u32 s9, $0xF7A;
	s5 =	simm.s32 @!p2 $0x0  }
0x1d: {  	s5 =	simm.s32 @p1 $0x1;
	p0 =	seq.s32 s7, s2  }
0x1e: {  	s7 =	smul.u32 @!p0 $0xF7A, s2;
	p2 =	seq.s32 @!p0 s5, $0x0  }
0x1f: {  	s9 =	smul.u32 $0xF7A, s1;
	s8 =	simm.s32 @!p0 $0x1BF5;
	p2 =	por !p2, p0  }
0x20: {  	[sflag:s8] =	ssyncset.s32 @!p0 $0xFFFFF086;
	s6 =	sadd.s32 @!p0 s3, s7;
	s7 =	simm.s32 @!p0 $0x108  }
0x21: {  	s3 =	sadd.s32 s3, s9;
	s6 =	sadd.s32 @!p0 $0x88, s6;
	s7 =	simm.s32 @p2 $0x1082  }
0x22: {  	[simem:s7], [sflag:s8] =	dma.local @!p0 [hbm:s6], $0xF7A  }
0x23: {  	s9 =	sor.u32 $0xD0000000, s2;
	s6 =	simm.s32 $0x108;
	_ =	swait.ge @!p0 [sflag:s8], $0x0  }
0x24: {  	s3 =	sadd.s32 $0x88, s3;
	s6 =	simm.s32 @!p1 $0x1082;
	[sflag:s4] =	ssyncset.s32 $0xFFFFF086  }
0x25: {  	[simem:s6], [sflag:s4] =	dma.local [hbm:s3], $0xF7A  }
0x26: {  	[smem:$0x3F9F] =	sst s1;
	(tag) =	ssettag s2;
	_ =	strace s9  }
0x27: {  	s1 =	sld [smem:$0x3FAF]  }
0x28: {  	s2 =	sld [smem:$0x3FB0]  }
0x29: {  	s4 =	sld [smem:$0x3FB2]  }
0x2a: {  	p0 =	seq.s32 s5, $0x0;
	s5 =	sld [smem:$0x3FB3]  }
0x2b: {  	s6 =	sld [smem:$0x3FB4]  }
0x2c: {  	s7 =	sld [smem:$0x3FB5]  }
0x2d: {  	s3 =	simm.s32 $0x108;
	s8 =	sld [smem:$0x3FB6]  }
0x2e: {  	s3 =	simm.s32 @!p0 $0x1082;
	s9 =	sld [smem:$0x3FB7]  }
0x2f: {  	lr =	sadd.s32 s0, s3;
	s0 =	sld [smem:$0x3FAE]  }
0x30: {  	s3 =	sld [smem:$0x3FB1]  }
0x31: {  	[smem:$0x3FBA] =	sst s10  }
0x32: {  	s10 =	sld [smem:$0x3FB8];
	_ =	sdelay $0x3  }
0x33: {  	p0 =	seq.s32 s10, $0x1;
	s10 =	sld [smem:$0x3FBA];
	_ =	sdelay $0x3  }
0x34: {  	[smem:$0x3FBA] =	sst s10  }
0x35: {  	s10 =	sld [smem:$0x3FB9];
	_ =	sdelay $0x3  }
0x36: {  	p1 =	seq.s32 s10, $0x1;
	s10 =	sld [smem:$0x3FBA];
	_ =	sdelay $0x3  }
0x37: {  	[smem:$0x3FBA] =	sst s10  }
0x38: {  	s10 =	sld [smem:$0x3FBB]  }
0x39: {  	_ = 	snop;
	(pc) =	sbr.ind lr, $3  }
0x3a: {  	_ = 	snop  }
0x3b: {  	_ = 	snop  }
0x3c: {  	p2 =	seq.s32 s10, $0x1;
	s10 =	sld [smem:$0x3FBA]  }
0x3d: {  	_ =	shalt  }
0x3e: {  	_ =	shalt  }
0x3f: {  	_ =	shalt  }
0x40: {  	_ =	shalt  }
0x41: {  	_ =	shalt  }
0x42: {  	_ =	shalt  }
0x43: {  	_ =	shalt  }
0x44: {  	_ =	shalt  }
0x45: {  	_ =	shalt  }
0x46: {  	_ =	shalt  }
0x47: {  	_ =	shalt  }
0x48: {  	_ =	shalt  }
0x49: {  	_ =	shalt  }
0x4a: {  	_ =	shalt  }
0x4b: {  	_ =	shalt  }
0x4c: {  	_ =	shalt  }
0x4d: {  	_ =	shalt  }
0x4e: {  	_ =	shalt  }
0x4f: {  	_ =	shalt  }
0x50: {  	_ =	shalt  }
0x51: {  	_ =	shalt  }
0x52: {  	_ =	shalt  }
0x53: {  	_ =	shalt  }
0x54: {  	_ =	shalt  }
0x55: {  	_ =	shalt  }
0x56: {  	_ =	shalt  }
0x57: {  	_ =	shalt  }
0x58: {  	_ =	shalt  }
0x59: {  	_ =	shalt  }
0x5a: {  	_ =	shalt  }
0x5b: {  	_ =	shalt  }
0x5c: {  	_ =	shalt  }
0x5d: {  	_ =	shalt  }
0x5e: {  	_ =	shalt  }
0x5f: {  	_ =	shalt  }
0x60: {  	_ =	shalt  }
0x61: {  	_ =	shalt  }
0x62: {  	_ =	shalt  }
0x63: {  	_ =	shalt  }
0x64: {  	_ =	shalt  }
0x65: {  	_ =	shalt  }
0x66: {  	_ =	shalt  }
0x67: {  	_ =	shalt  }
0x68: {  	_ =	shalt  }
0x69: {  	_ =	shalt  }
0x6a: {  	_ =	shalt  }
0x6b: {  	_ =	shalt  }
0x6c: {  	_ =	shalt  }
0x6d: {  	_ =	shalt  }
0x6e: {  	_ =	shalt  }
0x6f: {  	_ =	shalt  }
0x70: {  	_ =	shalt  }
0x71: {  	_ =	shalt  }
0x72: {  	_ =	shalt  }
0x73: {  	_ =	shalt  }
0x74: {  	_ =	shalt  }
0x75: {  	_ =	shalt  }
0x76: {  	_ =	shalt  }
0x77: {  	_ =	shalt  }
0x78: {  	_ =	shalt  }
0x79: {  	_ =	shalt  }
0x7a: {  	_ =	shalt  }
0x7b: {  	_ =	shalt  }
0x7c: {  	_ =	shalt  }
0x7d: {  	_ =	shalt  }
0x7e: {  	_ =	shalt  }
0x7f: {  	_ =	shalt  }
0x80: {  	_ =	shalt  }
0x81: {  	_ =	shalt  }
0x82: {  	_ =	shalt  }
0x83: {  	_ =	shalt  }
0x84: {  	_ =	shalt  }
0x85: {  	_ =	shalt  }
0x86: {  	_ =	shalt  }
0x87: {  	_ =	shalt  }
.Lfunc_end0:
.L_simem_size_0:
called_computation_lowered:
.L_overlay_start_0:
0x88: {  	s2 =	sld [smem:$0x3FD9]  }
0x89: {  	s3 =	sld [smem:$0x3FFE];
	_ =	sdelay $0x1  }
0x8a: {  	s1 =	srdreg.scid  }
0x8b: {  	s0 =	sand.u32 $0x1, s1  }
0x8c: {  	s17 =	sshll.u32 s0, $0xA;
	s2 =	sadd.s32 s3, s2  }
0x8d: {  	s2 =	sadd.s32 s2, s17  }
0x8e: {  	[smem:$0x3FC6] =	sst s2  }
0x8f: {  	_ = 	snop  }
0x90: {  	s2 =	sld [smem:$0x3FD0];
	(tm) =	ssettm $0x1  }
0x91: {  	s18 =	sld [smem:$0x3FFB];
	_ =	sdelay $0x3  }
0x92: {  	_ =	strace s18  }
0x93: {  	s3 =	sld [smem:$0x3FFC];
	_ =	sdelay $0x3  }
0x94: {  	_ =	strace s3  }
0x95: {  	s3 =	sld [smem:$0x3FFD];
	_ =	sdelay $0x3  }
0x96: {  	_ =	strace s3  }
0x97: {  	_ =	strace $0x8FFFFFFF  }
0x98: {  	s19 =	sld [smem:$0x3FDB];
	_ =	sdelay $0x1  }
0x99: {  	s4 =	simm.s32 $_scs_section_size  }
0x9a: {  	s5 =	simm.s32 $_size__tile_overlayer_lowered;
	s6 =	simm.s32 $_tile_overlayer_lowered  }
0x9b: {  	s22 =	simm.s32 $0x1BFF;
	s21 =	sshll.u32 s6, $0x1;
	s3 =	sadd.s32 s4, s19  }
0x9c: {  	s7 =	simm.s32 $0x0;
	s20 =	sshll.u32 s5, $0x1;
	s5 =	sadd.s32 s21, s3  }
0x9d: {  	[timem:s7], [sflag:s22] =	dma.local [hbm:s5], s20  }
0x9e: {  	_ =	swait.ge [sflag:s22], s20  }
0x9f: {  	s4 =	ssub.s32 $0x0, s20;
	[sflag:s22] =	ssyncset.done $0x0  }
0xa0: {  	[sflag:s22] =	ssyncadd.s32 s4;
	_ =	sdelay $0x1  }
0xa1: {  	s23 =	simm.s32 $0x1B8B  }
0xa2: {  	_ =	swait.ge [sflag:s23], $0x1  }
0xa3: {  	[sflag:s23] =	ssyncset.done $0x0  }
0xa4: {  	s25 =	simm.s32 $0x1B8E;
	s24 =	sld [smem:$0x3FFE];
	[sflag:s23] =	ssyncadd.s32 $0xFFFFFFFF  }
0xa5: {  	s26 =	simm.s32 $execute0_lowered;
	[smem:$0x3FD2] =	sst s25  }
0xa6: {  	s5 =	sshll.u32 s26, $0x1;
	_ =	strace $0x80000046;
	[dreg:$0x1] =	wrdreg $0xFFFFFFFF  }
0xa7: {  	s28 =	simm.s32 $_size_execute0_lowered;
	s3 =	sadd.s32 s3, s5;
	[dreg:$0x0] =	wrdreg $0x0  }
0xa8: {  	s5 =	sshll.u32 s28, $0x1;
	[dreg:$0x2] =	wrdreg s3  }
0xa9: {  	[dreg:$0x3] =	wrdreg s5  }
0xaa: {  	[dreg:$0x4] =	wrdreg $0xC0  }
0xab: {  	_ =	task [dreg:s7], $0x5FFFF  }
0xac: {  	[dreg:$0x1] =	wrdreg $0xFFFFFFFF  }
0xad: {  	[dreg:$0x0] =	wrdreg $0x60  }
0xae: {  	[dreg:$0x2] =	wrdreg s24  }
0xaf: {  	[dreg:$0x3] =	wrdreg s2  }
0xb0: {  	[dreg:$0x4] =	wrdreg $0x19D800  }
0xb1: {  	[dreg:$0x5] =	wrdreg $0x19E000  }
0xb2: {  	[dreg:$0x6] =	wrdreg $0x9  }
0xb3: {  	_ =	task.clear_ibuf [dreg:s7], $0x7FFFF;
	_ =	strace $0x90000046  }
0xb4: {  	s29 =	simm.s32 $0x9;
	_ =	strace $0x80000048  }
0xb5: {  	_ =	swait.ge [sflag:s29], $0x1  }
0xb6: {  	[sflag:s29] =	ssyncadd.s32 $0xFFFFFFFF  }
0xb7: {  	_ =	strace $0x90000048  }
0xb8: {  	_ =	sfence  }
0xb9: {  	s30 =	sld [smem:$0x0];
	_ =	sdelay $0x2  }
0xba: {  	s31 =	sshll.u32 s1, $0xD;
	s1 =	sshrl.u32 s1, $0x2  }
0xbb: {  	s3 =	sand.u32 $0x4000, s31;
	s1 =	sadd.s32 s1, s30  }
0xbc: {  	s0 =	sor.u32 s3, s0;
	s1 =	sshll.u32 s1, $0x11  }
0xbd: {  	s0 =	sor.u32 s1, s0  }
0xbe: {  	s0 =	sadd.s32 $0x8F2B, s0  }
0xbf: {  	[sflag:s0] =	ssyncadd.remote.s32 $0x1  }
0xc0: {  	_ =	sfence.sel $0xFFFF  }
0xc1: {  	[dreg:$0x0] =	wrdreg $0xFFFFFFFF;
	(pc) =	sbr.abs _section_cstart, $3  }
0xc2: {  	[dreg:$0x1] =	wrdreg $0xFFFFFFFF  }
0xc3: {  	_ =	task.clear_ibuf [dreg:s7], $0x2FFFF;
	_ =	strace $0x9FFFFFFF  }
0xc4: {  	(tm) =	ssettm $0x7FFFFFFF  }
0xc5: {  	_ =	shalt  }
tec
execute0_lowered:
.L_overlay_start_1:
0x0: {  	(tag) =	ssettag $0x1  }
0x1: {  	s0 =	rddreg [dreg:$0x0]  }
0x2: {  	s2 =	rddreg [dreg:$0x1]  }
0x3: {  	s1 =	srdreg.scid;
	s4 =	rddreg [dreg:$0x2]  }
0x4: {  	s16 =	stileid.u32;
	s7 =	rddreg [dreg:$0x3]  }
0x5: {  	s17 =	simm.s32 $0x0;
	s1 =	sand.u32 $0x1, s1;
	s3 =	sshrl.u32 s16, $0x2  }
0x6: {  	s8 =	sand.u32 $0x3, s16;
	[smem:$0x7FF] =	sst s17;
	s10 =	sadd.s32 $0xA00, s0  }
0x7: {  	s18 =	sshll.u32 s16, $0x7;
	s16 =	simm.s32 $0x3;
	s5 =	sshll.u32 s1, $0x5  }
0x8: {  	s6 =	sshll.u32 s3, $0x3;
	s9 =	smul.u32 $0x30C00, s8;
	_ =	strace $0x80000047  }
0x9: {  	s1 =	ssub.s32 $0x2, s1;
	s13 =	smul.u32 $0x6180, s8;
	s19 =	sadd.s32 s18, s4  }
0xa: {  	s20 =	sshll.u32 s3, $0x9;
	s21 =	sshll.u32 s8, $0x5;
	[dreg:$0xa] =	wrdreg s19  }
0xb: {  	s24 =	sshll.u32 s8, $0x1;
	s3 =	sadd.s32 s20, s4;
	[dreg:$0xe] =	wrdreg s21  }
0xc: {  	s5 =	sor.u32 s5, s6;
	s22 =	sor.u32 $0x80, s21;
	[dreg:$0xc] =	wrdreg s3  }
0xd: {  	s12 =	sshrl.u32 s1, $0x1;
	s23 =	sor.u32 $0x100, s21;
	[dreg:$0xf] =	wrdreg s22  }
0xe: {  	s25 =	sor.u32 $0x180, s21;
	s26 =	sor.u32 $0x10, s21;
	[dreg:$0x10] =	wrdreg s23  }
0xf: {  	s28 =	sor.u32 $0x90, s21;
	s29 =	sor.u32 $0x110, s21;
	[dreg:$0x11] =	wrdreg s25  }
0x10: {  	s30 =	sor.u32 $0x190, s21;
	s6 =	sshrl.u32 s5, $0x3;
	[dreg:$0x12] =	wrdreg s26  }
0x11: {  	s11 =	sshll.u32 s5, $0x5;
	s1 =	ssub.s32 s1, s12;
	[dreg:$0x13] =	wrdreg s28  }
0x12: {  	s15 =	sadd.s32 $0x4800, s13;
	[dreg:$0x14] =	wrdreg s29;
	s6 =	smul.u32 $0xC3800, s6  }
0x13: {  	[dreg:$0x16] =	wrdreg s30;
	s0 =	sadd.s32 s11, s0;
	s11 =	sadd.s32 $0x3000, s13  }
0x14: {  	s14 =	sadd.s32 s10, s11;
	s0 =	sadd.s32 $0xC4200, s0;
	s9 =	sadd.s32 s9, s6  }
0x15: {  	s6 =	sshrl.u32 s6, $0x3;
	[dreg:$0x9] =	wrdreg s0;
	s0 =	sadd.s32 s18, s7  }
0x16: {  	s9 =	sshrl.u32 s9, $0x3;
	s14 =	sadd.s32 s6, s14;
	[dreg:$0xb] =	wrdreg s0  }
0x17: {  	s31 =	sadd.s32 s10, s6;
	s0 =	sadd.s32 s20, s7;
	[dreg:$0x7] =	wrdreg s14  }
0x18: {  	s9 =	sadd.s32 s10, s9;
	s10 =	sadd.s32 s10, s15;
	[dreg:$0xd] =	wrdreg s0  }
0x19: {  	v0 =	vlaneseq.u32;
	s0 =	sadd.s32 s2, s24;
	[dreg:$0x5] =	wrdreg s9;
	s6 =	sadd.s32 s6, s10  }
0x1a: {  	v1 =	vor.u32 s13, v0;
	s9 =	sadd.s32 $0x1800, s13;
	s0 =	sadd.s32 s5, s0;
	[dreg:$0x8] =	wrdreg s6  }
0x1b: {  	[tilespmem:$0x1FFD0] =	vst v1;
	v63 =	vor.u32 s11, v0;
	s14 =	simm.s32 $0x2;
	s12 =	sadd.s32 s9, s31;
	[dreg:$0x15] =	wrdreg s0  }
0x1c: {  	[tilespmem:$0x1FFF0] =	vst v63;
	s10 =	simm.s32 $0xCC00;
	s31 =	smax.u32 s1, $0x1;
	v62 =	vor.u32 s9, v0;
	[dreg:$0x6] =	wrdreg s12  }
0x1d: {  	vm0 =	vcmask $0x300;
	vm1 =	vcmask $0x704;
	v4 =	vor.u32 s15, v0;
	s1 =	simm.s32 $0x0;
	[dreg:$0x17] =	wrdreg s31;
	s12 =	simm.s32 $0x1;
	[tilespmem:$0x1FFE0] =	vst v62  }
.LBB2_1:
0x1e: {  	[dreg:$0x18] =	wrdreg s1  }
0x1f: {  	s0 =	rddreg [dreg:$0x5]  }
0x20: {  	[tilespmem:s17], [sflag:$0x1] =	stream.linear.gather [hbm4b:s0+s17], $0xC000, $0x38;
	[tilespmem:$0x19E80] =	vst v63  }
0x21: {  	s26 =	rddreg [dreg:$0x6]  }
0x22: {  	[tilespmem:s10], [sflag:$0x2] =	stream.linear.gather [hbm4b:s26+s17], $0xC000, $0x38;
	[tilespmem:$0x19E80] =	vst v63  }
0x23: {  	_ =	swait.ge [sflag:s12], $0xC000  }
0x24: {  	s28 =	sand.u32 $0x70, s17;
	s29 =	sand.u32 $0xFC00, s17;
	[sflag:s12] =	ssyncset.done $0x0  }
0x25: {  	s2 =	sor.u32 s28, s29;
	[sflag:s12] =	ssyncadd.s32 $0xFFFF4000  }
0x26: {  	v0 =	vld [tilespmem:s2+$0x0]  }
0x27: {  	v5 =	vld [tilespmem:s2+$0x80]  }
0x28: {  	v6 =	vld [tilespmem:s2+$0x100]  }
0x29: {  	s30 =	sand.u32 $0x7, s17;
	v8 =	vld [tilespmem:s2+$0x180]  }
0x2a: {  	s0 =	sshll.u32 s30, $0x4;
	v13 =	vld [tilespmem:s2+$0x200]  }
0x2b: {  	v11 =	vimm.f32 $-Inf;
	v10 =	vimm.s32 $0x0;
	s1 =	simm.s32 $0x10;
	v22 =	vimm.f32 $-Inf;
	s3 =	sadd.s32 $0x0, s0;
	s0 =	simm.s32 $0x80;
	v14 =	vld [tilespmem:s2+$0x280]  }
0x2c: {  	v24 =	vimm.f32 $-Inf;
	v19 =	vimm.s32 $0x0;
	v20 =	vimm.s32 $0x0;
	s4 =	sand.u32 $0x70, s1;
	s5 =	sand.u32 $0xFC00, s0;
	s31 =	sor.u32 $0x380, s3;
	v15 =	vld [tilespmem:s2+$0x300]  }
0x2d: {  	v21 =	vimm.s32 $0x0;
	v25 =	vimm.s32 $0x0;
	v26 =	vimm.s32 $0x0;
	s4 =	sor.u32 s4, s5;
	v23 =	vld [tilespmem:s31+$0x0]  }
0x2e: {  	v18 =	vimm.s32 $0x0;
	v17 =	vld [tilespmem:s4+$0x0];
	vm3 =	vgt.f32 v0, v11;
	vm2 =	vgt.f32 v5, v11  }
0x2f: {  	v12 =	vld [tilespmem:s4+$0x80];
	vm5 =	vgt.f32 v6, v11;
	vm4 =	vgt.f32 v13, v11;
	v9 =	vsel vm3, v0, v11  }
0x30: {  	s6 =	simm.s32 $0x1;
	s3 =	simm.s32 $0x1;
	v16 =	vld [tilespmem:s4+$0x100];
	v0 =	vsel vm3, s17, v10;
	v7 =	vsel vm2, v5, v11;
	vm3 =	vgt.f32 v8, v11  }
0x31: {  	s7 =	sand.u32 $0x7, s3;
	s5 =	simm.s32 $0x2;
	s2 =	simm.s32 $0x0;
	v6 =	vsel vm5, v6, v11;
	v5 =	vsel vm3, v8, v11;
	v8 =	vsel vm4, v13, v11;
	v13 =	vld [tilespmem:s4+$0x180]  }
.LBB2_2:
0x32: {  	p0 =	sne.s32 s5, $0x17F;
	s7 =	sshll.u32 s7, $0x4;
	v27 =	vld [tilespmem:s4+$0x200];
	vm6 =	vgt.f32 v14, v11;
	vm7 =	vgt.f32 v15, v22;
	vm8 =	vgt.f32 v23, v24  }
0x33: {  	s1 =	sadd.s32 $0x10, s1;
	s7 =	sadd.s32 s7, s0;
	s0 =	sadd.s32 $0x80, s0;
	v11 =	vsel vm6, v14, v11;
	v14 =	vld [tilespmem:s4+$0x280];
	v22 =	vsel vm7, v15, v22;
	v24 =	vsel vm8, v23, v24;
	v28 =	vmovc v17  }
0x34: {  	v10 =	vsel vm2, s2, v10;
	v19 =	vsel vm5, s2, v19;
	s8 =	sand.u32 $0x70, s1;
	v20 =	vsel vm8, s2, v20;
	s9 =	sand.u32 $0xFC00, s0;
	v15 =	vld [tilespmem:s4+$0x300];
	s7 =	sor.u32 $0x380, s7  }
.Ltmp0:
0x35: {  	v21 =	vsel vm3, s2, v21;
	v25 =	vsel vm4, s2, v25;
	v26 =	vsel vm6, s2, v26;
	s4 =	sor.u32 s8, s9;
	v23 =	vld [tilespmem:s7+$0x0];
	v29 =	vmovc v16;
	(pc) =	sbr.rel @p0 .LBB2_2-.Ltmp0, $4  }
0x36: {  	v18 =	vsel vm7, s2, v18;
	s2 =	smov.u32 s3;
	s3 =	smov.u32 s5;
	vm3 =	vgt.f32 v28, v9;
	vm2 =	vgt.f32 v12, v7;
	v17 =	vld [tilespmem:s4+$0x0]  }
0x37: {  	v9 =	vsel vm3, v28, v9;
	v0 =	vsel vm3, s2, v0;
	v7 =	vsel vm2, v12, v7;
	v12 =	vld [tilespmem:s4+$0x80]  }
0x38: {  	s6 =	sadd.s32 $0x1, s6;
	vm5 =	vgt.f32 v29, v6;
	vm3 =	vgt.f32 v13, v5;
	vm4 =	vgt.f32 v27, v8;
	v16 =	vld [tilespmem:s4+$0x100]  }
0x39: {  	s5 =	sadd.s32 $0x1, s5;
	s7 =	sand.u32 $0x7, s6;
	v6 =	vsel vm5, v29, v6;
	v5 =	vsel vm3, v13, v5;
	v8 =	vsel vm4, v27, v8;
	v13 =	vld [tilespmem:s4+$0x180]  }
0x3a: {  	s1 =	sshll.u32 s7, $0x4;
	vm6 =	vgt.f32 v14, v11  }
0x3b: {  	v27 =	vld [tilespmem:s4+$0x200];
	vm7 =	vgt.f32 v15, v22;
	vm8 =	vgt.f32 v23, v24;
	v19 =	vsel vm5, s2, v19;
	s0 =	sadd.s32 s1, s0  }
0x3c: {  	v28 =	vld [tilespmem:s4+$0x280];
	v21 =	vsel vm3, s2, v21;
	v25 =	vsel vm4, s2, v25;
	v31 =	vimm.f32 $-Inf;
	s0 =	sor.u32 $0x380, s0  }
0x3d: {  	s24 =	rddreg [dreg:$0x7];
	v33 =	vimm.s32 $0x0;
	v34 =	vimm.s32 $0x0;
	v11 =	vsel vm6, v14, v11;
	v30 =	vld [tilespmem:s0+$0x0];
	s0 =	simm.s32 $0x0  }
0x3e: {  	v29 =	vld [tilespmem:s4+$0x300];
	v22 =	vsel vm7, v15, v22;
	v23 =	vsel vm8, v23, v24;
	v24 =	vsel vm2, s2, v10;
	[tilespmem:s0], [sflag:$0x1] =	stream.linear.gather [hbm4b:s24+s0], $0xC000, $0x38  }
0x3f: {  	v20 =	vsel vm8, s2, v20;
	v26 =	vsel vm6, s2, v26;
	vm2 =	vgt.f32 v17, v9;
	_ =	swait.ge [sflag:s14], $0xC000  }
0x40: {  	v18 =	vsel vm7, s2, v18;
	vm3 =	vgt.f32 v12, v7;
	v17 =	vsel vm2, v17, v9;
	s25 =	sand.u32 $0x70, s0;
	s26 =	sand.u32 $0xFC00, s0;
	[sflag:s14] =	ssyncset.done $0x0  }
0x41: {  	v0 =	vsel vm2, s3, v0;
	v15 =	vsel vm3, v12, v7;
	vm2 =	vgt.f32 v16, v6;
	s28 =	sor.u32 s25, s26;
	[sflag:s14] =	ssyncadd.s32 $0xFFFF4000  }
0x42: {  	v1 =	vsel vm3, s3, v24;
	vm4 =	vgt.f32 v13, v5;
	v14 =	vsel vm2, v16, v6;
	[tilespmem:$0x1FF50] =	vst v0;
	v0 =	vld [tilespmem:s28+$0xCC00]  }
0x43: {  	vm5 =	vgt.f32 v27, v8;
	v12 =	vsel vm4, v13, v5;
	vm6 =	vgt.f32 v28, v11;
	v7 =	vld [tilespmem:s28+$0xCC80]  }
0x44: {  	s29 =	sand.u32 $0x7, s0;
	vm7 =	vgt.f32 v29, v22;
	[tilespmem:$0x1FF60] =	vst v1;
	v1 =	vsel vm2, s3, v19;
	vm15 =	vgt.f32 v30, v23;
	v9 =	vld [tilespmem:s28+$0xCD00]  }
0x45: {  	s1 =	sshll.u32 s29, $0x4;
	v10 =	vsel vm5, v27, v8;
	v8 =	vsel vm6, v28, v11;
	[tilespmem:$0x1FF70] =	vst v1;
	v11 =	vld [tilespmem:s28+$0xCD80];
	v1 =	vsel vm15, s3, v20  }
0x46: {  	v6 =	vsel vm7, v29, v22;
	v19 =	vimm.f32 $-Inf;
	s30 =	sadd.s32 $0x0, s1;
	v22 =	vld [tilespmem:s28+$0xCE80];
	[tilespmem:$0x1FF80] =	vst v1;
	v1 =	vsel vm4, s3, v21  }
0x47: {  	s2 =	simm.s32 $0x10;
	s1 =	simm.s32 $0x80;
	v27 =	vimm.s32 $0x0;
	v28 =	vimm.s32 $0x0;
	s31 =	sor.u32 $0x380, s30;
	v21 =	vld [tilespmem:s28+$0xCE00];
	[tilespmem:$0x1FF90] =	vst v1;
	v1 =	vsel vm5, s3, v25  }
0x48: {  	s5 =	sand.u32 $0x70, s2;
	v29 =	vimm.s32 $0x0;
	s6 =	sand.u32 $0xFC00, s1;
	v32 =	vld [tilespmem:s31+$0xCC00];
	v5 =	vsel vm15, v30, v23;
	[tilespmem:$0x1FFA0] =	vst v1;
	v1 =	vsel vm6, s3, v26  }
0x49: {  	v23 =	vld [tilespmem:s28+$0xCF00];
	v30 =	vimm.f32 $-Inf;
	v26 =	vimm.s32 $0x0;
	[tilespmem:$0x1FFB0] =	vst v1;
	v1 =	vsel vm7, s3, v18;
	s3 =	sor.u32 s5, s6  }
0x4a: {  	v18 =	vimm.s32 $0x0;
	vm3 =	vgt.f32 v0, v19;
	vm2 =	vgt.f32 v7, v19;
	v25 =	vld [tilespmem:s3+$0xCC00]  }
0x4b: {  	vm5 =	vgt.f32 v9, v19;
	v16 =	vsel vm3, v0, v19;
	v0 =	vsel vm3, s0, v18;
	v20 =	vld [tilespmem:s3+$0xCC80]  }
0x4c: {  	s4 =	simm.s32 $0x1;
	v13 =	vsel vm2, v7, v19;
	vm3 =	vgt.f32 v11, v19;
	v24 =	vld [tilespmem:s3+$0xCD00];
	vm4 =	vgt.f32 v21, v19  }
0x4d: {  	s7 =	sand.u32 $0x7, s4;
	s5 =	simm.s32 $0x2;
	s6 =	simm.s32 $0x1;
	[tilespmem:$0x1FFC0] =	vst v1;
	v9 =	vsel vm5, v9, v19;
	v7 =	vsel vm3, v11, v19;
	v11 =	vsel vm4, v21, v19;
	v21 =	vld [tilespmem:s3+$0xCD80]  }
.LBB2_4:
0x4e: {  	p0 =	sne.s32 s5, $0x17F;
	s7 =	sshll.u32 s7, $0x4;
	v35 =	vld [tilespmem:s3+$0xCE00];
	vm6 =	vgt.f32 v22, v19;
	vm7 =	vgt.f32 v23, v30;
	vm8 =	vgt.f32 v32, v31  }
0x4f: {  	s2 =	sadd.s32 $0x10, s2;
	s7 =	sadd.s32 s7, s1;
	s1 =	sadd.s32 $0x80, s1;
	v19 =	vsel vm6, v22, v19;
	v22 =	vld [tilespmem:s3+$0xCE80];
	v30 =	vsel vm7, v23, v30;
	v31 =	vsel vm8, v32, v31;
	v36 =	vmovc v25  }
0x50: {  	v18 =	vsel vm2, s0, v18;
	v27 =	vsel vm5, s0, v27;
	s8 =	sand.u32 $0x70, s2;
	v28 =	vsel vm8, s0, v28;
	s9 =	sand.u32 $0xFC00, s1;
	v23 =	vld [tilespmem:s3+$0xCF00];
	s7 =	sor.u32 $0x380, s7  }
.Ltmp1:
0x51: {  	v29 =	vsel vm3, s0, v29;
	v33 =	vsel vm4, s0, v33;
	v34 =	vsel vm6, s0, v34;
	s3 =	sor.u32 s8, s9;
	v32 =	vld [tilespmem:s7+$0xCC00];
	v37 =	vmovc v24;
	(pc) =	sbr.rel @p0 .LBB2_4-.Ltmp1, $4  }
0x52: {  	v26 =	vsel vm7, s0, v26;
	s0 =	smov.u32 s4;
	s4 =	smov.u32 s5;
	vm3 =	vgt.f32 v36, v16;
	vm2 =	vgt.f32 v20, v13;
	v25 =	vld [tilespmem:s3+$0xCC00]  }
0x53: {  	v16 =	vsel vm3, v36, v16;
	v0 =	vsel vm3, s0, v0;
	v13 =	vsel vm2, v20, v13;
	v20 =	vld [tilespmem:s3+$0xCC80]  }
0x54: {  	s6 =	sadd.s32 $0x1, s6;
	vm5 =	vgt.f32 v37, v9;
	vm3 =	vgt.f32 v21, v7;
	vm4 =	vgt.f32 v35, v11;
	v24 =	vld [tilespmem:s3+$0xCD00]  }
0x55: {  	s5 =	sadd.s32 $0x1, s5;
	s7 =	sand.u32 $0x7, s6;
	v9 =	vsel vm5, v37, v9;
	v7 =	vsel vm3, v21, v7;
	v11 =	vsel vm4, v35, v11;
	v21 =	vld [tilespmem:s3+$0xCD80]  }
0x56: {  	vm6 =	vgt.f32 v22, v19  }
0x57: {  	s2 =	sshll.u32 s7, $0x4;
	v35 =	vld [tilespmem:s3+$0xCE00];
	vm7 =	vgt.f32 v23, v30;
	vm8 =	vgt.f32 v32, v31;
	v18 =	vsel vm2, s0, v18  }
0x58: {  	v36 =	vld [tilespmem:s3+$0xCE80];
	v27 =	vsel vm5, s0, v27;
	v29 =	vsel vm3, s0, v29;
	v33 =	vsel vm4, s0, v33;
	s1 =	sadd.s32 s2, s1  }
0x59: {  	s25 =	rddreg [dreg:$0x8];
	v41 =	vimm.s32 $0x0;
	v42 =	vimm.s32 $0x0;
	v19 =	vsel vm6, v22, v19;
	v22 =	vld [tilespmem:s3+$0xCF00];
	s3 =	simm.s32 $0x0;
	s1 =	sor.u32 $0x380, s1  }
0x5a: {  	v23 =	vsel vm7, v23, v30;
	v30 =	vsel vm8, v32, v31;
	v37 =	vsel vm8, s0, v28;
	v63 =	vld [tilespmem:s1+$0xCC00];
	[tilespmem:s10], [sflag:$0x2] =	stream.linear.gather [hbm4b:s25+s3], $0xCC00, $0x38  }
0x5b: {  	v38 =	vsel vm6, s0, v34;
	vm2 =	vgt.f32 v25, v16;
	v39 =	vsel vm7, s0, v26;
	_ =	swait.ge [sflag:s12], $0xC000  }
0x5c: {  	v32 =	vimm.s32 $0x0;
	vm3 =	vgt.f32 v20, v13;
	v40 =	vsel vm2, v25, v16;
	s26 =	sand.u32 $0x70, s3;
	s28 =	sand.u32 $0xFC00, s3;
	[sflag:s12] =	ssyncset.done $0x0  }
0x5d: {  	v0 =	vsel vm2, s4, v0;
	v34 =	vsel vm3, v20, v13;
	vm2 =	vgt.f32 v24, v9;
	s29 =	sor.u32 s26, s28;
	[sflag:s12] =	ssyncadd.s32 $0xFFFF4000  }
0x5e: {  	v1 =	vsel vm3, s4, v18;
	v18 =	vimm.s32 $0x0;
	vm4 =	vgt.f32 v21, v7;
	[tilespmem:$0x1FED0] =	vst v0;
	v0 =	vld [tilespmem:s29+$0x0]  }
0x5f: {  	v28 =	vsel vm4, v21, v7;
	[tilespmem:$0x1FEE0] =	vst v1;
	v1 =	vsel vm2, s4, v27;
	v7 =	vld [tilespmem:s29+$0x80];
	vm15 =	vgt.f32 v63, v30  }
0x60: {  	v31 =	vsel vm2, v24, v9;
	vm5 =	vgt.f32 v35, v11;
	[tilespmem:$0x1FEF0] =	vst v1;
	v9 =	vld [tilespmem:s29+$0x100];
	v1 =	vsel vm15, s4, v37  }
0x61: {  	s30 =	sand.u32 $0x7, s3;
	vm6 =	vgt.f32 v36, v19;
	v26 =	vsel vm5, v35, v11;
	v11 =	vld [tilespmem:s29+$0x180];
	[tilespmem:$0x1FF00] =	vst v1;
	v1 =	vsel vm4, s4, v29  }
0x62: {  	s0 =	sshll.u32 s30, $0x4;
	vm7 =	vgt.f32 v22, v23;
	v24 =	vsel vm6, v36, v19;
	v25 =	vld [tilespmem:s29+$0x200];
	[tilespmem:$0x1FF10] =	vst v1;
	v1 =	vsel vm5, s4, v33  }
0x63: {  	s1 =	simm.s32 $0x10;
	s31 =	sadd.s32 $0x0, s0;
	s0 =	simm.s32 $0x80;
	v19 =	vimm.f32 $-Inf;
	v22 =	vsel vm7, v22, v23;
	v23 =	vld [tilespmem:s29+$0x280];
	[tilespmem:$0x1FF20] =	vst v1;
	v1 =	vsel vm6, s4, v38  }
0x64: {  	s5 =	sand.u32 $0x70, s1;
	s6 =	sand.u32 $0xFC00, s0;
	v35 =	vimm.s32 $0x0;
	v36 =	vimm.s32 $0x0;
	v27 =	vld [tilespmem:s29+$0x300];
	[tilespmem:$0x1FF30] =	vst v1;
	v1 =	vsel vm7, s4, v39;
	s4 =	sor.u32 $0x380, s31  }
0x65: {  	s2 =	sor.u32 s5, s6;
	v21 =	vsel vm15, v63, v30;
	v37 =	vimm.f32 $-Inf;
	v33 =	vimm.s32 $0x0;
	v39 =	vld [tilespmem:s4+$0x0]  }
0x66: {  	v30 =	vld [tilespmem:s2+$0x0];
	vm3 =	vgt.f32 v0, v19;
	vm2 =	vgt.f32 v7, v19;
	vm5 =	vgt.f32 v9, v19  }
0x67: {  	v20 =	vld [tilespmem:s2+$0x80];
	vm4 =	vgt.f32 v25, v19;
	v38 =	vimm.f32 $-Inf;
	v16 =	vsel vm3, v0, v19  }
0x68: {  	v29 =	vld [tilespmem:s2+$0x100];
	v0 =	vsel vm3, s3, v18;
	v13 =	vsel vm2, v7, v19;
	vm3 =	vgt.f32 v11, v19;
	s4 =	simm.s32 $0x1  }
0x69: {  	s5 =	simm.s32 $0x2;
	s6 =	simm.s32 $0x1;
	v9 =	vsel vm5, v9, v19;
	[tilespmem:$0x1FF40] =	vst v1;
	v7 =	vsel vm3, v11, v19;
	v11 =	vsel vm4, v25, v19;
	v25 =	vld [tilespmem:s2+$0x180];
	s7 =	sand.u32 $0x7, s4  }
.LBB2_6:
0x6a: {  	p0 =	sne.s32 s5, $0x17F;
	s7 =	sshll.u32 s7, $0x4;
	v43 =	vld [tilespmem:s2+$0x200];
	vm6 =	vgt.f32 v23, v19;
	vm7 =	vgt.f32 v27, v37;
	vm8 =	vgt.f32 v39, v38  }
0x6b: {  	s1 =	sadd.s32 $0x10, s1;
	s7 =	sadd.s32 s7, s0;
	s0 =	sadd.s32 $0x80, s0;
	v19 =	vsel vm6, v23, v19;
	v23 =	vld [tilespmem:s2+$0x280];
	v37 =	vsel vm7, v27, v37;
	v38 =	vsel vm8, v39, v38;
	v44 =	vmovc v30  }
0x6c: {  	v18 =	vsel vm2, s3, v18;
	v35 =	vsel vm5, s3, v35;
	s8 =	sand.u32 $0x70, s1;
	v36 =	vsel vm8, s3, v36;
	s9 =	sand.u32 $0xFC00, s0;
	v27 =	vld [tilespmem:s2+$0x300];
	s7 =	sor.u32 $0x380, s7  }
.Ltmp2:
0x6d: {  	v33 =	vsel vm3, s3, v33;
	v41 =	vsel vm4, s3, v41;
	v42 =	vsel vm6, s3, v42;
	s2 =	sor.u32 s8, s9;
	v39 =	vld [tilespmem:s7+$0x0];
	v45 =	vmovc v29;
	(pc) =	sbr.rel @p0 .LBB2_6-.Ltmp2, $4  }
0x6e: {  	v32 =	vsel vm7, s3, v32;
	s3 =	smov.u32 s4;
	s4 =	smov.u32 s5;
	vm3 =	vgt.f32 v44, v16;
	vm2 =	vgt.f32 v20, v13;
	v30 =	vld [tilespmem:s2+$0x0]  }
0x6f: {  	v16 =	vsel vm3, v44, v16;
	v0 =	vsel vm3, s3, v0;
	v13 =	vsel vm2, v20, v13;
	v20 =	vld [tilespmem:s2+$0x80]  }
0x70: {  	s6 =	sadd.s32 $0x1, s6;
	vm5 =	vgt.f32 v45, v9;
	vm3 =	vgt.f32 v25, v7;
	vm4 =	vgt.f32 v43, v11;
	v29 =	vld [tilespmem:s2+$0x100]  }
0x71: {  	s5 =	sadd.s32 $0x1, s5;
	s7 =	sand.u32 $0x7, s6;
	v9 =	vsel vm5, v45, v9;
	v7 =	vsel vm3, v25, v7;
	v11 =	vsel vm4, v43, v11;
	v25 =	vld [tilespmem:s2+$0x180]  }
0x72: {  	vm6 =	vgt.f32 v23, v19  }
0x73: {  	vm7 =	vgt.f32 v27, v37;
	vm8 =	vgt.f32 v39, v38;
	v18 =	vsel vm2, s3, v18  }
0x74: {  	s1 =	sshll.u32 s7, $0x4;
	v43 =	vld [tilespmem:s2+$0x200];
	v47 =	vsel vm5, s3, v35;
	v49 =	vsel vm3, s3, v33;
	v50 =	vsel vm4, s3, v41  }
0x75: {  	v45 =	vld [tilespmem:s2+$0x280];
	s0 =	sadd.s32 s1, s0;
	v19 =	vsel vm6, v23, v19;
	v23 =	vsel vm7, v27, v37;
	v27 =	vsel vm8, v39, v38  }
0x76: {  	v63 =	vld [tilespmem:s2+$0x300];
	v36 =	vsel vm8, s3, v36;
	v42 =	vsel vm6, s3, v42;
	vm2 =	vgt.f32 v30, v16;
	s0 =	sor.u32 $0x380, s0  }
0x77: {  	v32 =	vsel vm7, s3, v32;
	v39 =	vimm.s32 $0x0;
	vm3 =	vgt.f32 v20, v13;
	v48 =	vld [tilespmem:s0+$0x0];
	_ =	swait.ge [sflag:s14], $0xCC00;
	s0 =	simm.s32 $0x0  }
0x78: {  	v46 =	vsel vm2, v30, v16;
	v0 =	vsel vm2, s4, v0;
	v16 =	vimm.s32 $0x0;
	[sflag:s14] =	ssyncset.done $0x0;
	s25 =	sand.u32 $0x70, s0;
	s26 =	sand.u32 $0xFC00, s0  }
0x79: {  	v41 =	vsel vm3, v20, v13;
	vm2 =	vgt.f32 v29, v9;
	v1 =	vsel vm3, s4, v18;
	[tilespmem:$0x1FE50] =	vst v0;
	[sflag:s14] =	ssyncadd.s32 $0xFFFF3400;
	s28 =	sor.u32 s25, s26  }
0x7a: {  	vm4 =	vgt.f32 v25, v7;
	v44 =	vsel vm2, v29, v9;
	[tilespmem:$0x1FE60] =	vst v1;
	v1 =	vsel vm2, s4, v47;
	v0 =	vld [tilespmem:s28+$0xCC00]  }
0x7b: {  	v47 =	vimm.f32 $-Inf;
	vm5 =	vgt.f32 v43, v11;
	v38 =	vsel vm4, v25, v7;
	v7 =	vld [tilespmem:s28+$0xCC80]  }
0x7c: {  	vm7 =	vgt.f32 v63, v23;
	v37 =	vsel vm5, v43, v11;
	v11 =	vld [tilespmem:s28+$0xCD00];
	vm15 =	vgt.f32 v48, v27  }
0x7d: {  	s29 =	sand.u32 $0x7, s0;
	vm6 =	vgt.f32 v45, v19;
	[tilespmem:$0x1FE70] =	vst v1;
	v33 =	vsel vm7, v63, v23;
	v23 =	vld [tilespmem:s28+$0xCD80];
	v1 =	vsel vm15, s4, v36  }
0x7e: {  	s1 =	sshll.u32 s29, $0x4;
	v35 =	vsel vm6, v45, v19;
	v25 =	vld [tilespmem:s28+$0xCE00];
	v19 =	vimm.f32 $-Inf;
	[tilespmem:$0x1FE80] =	vst v1;
	v1 =	vsel vm4, s4, v49  }
0x7f: {  	s2 =	simm.s32 $0x10;
	s30 =	sadd.s32 $0x0, s1;
	v20 =	vld [tilespmem:s28+$0xCE80];
	s1 =	simm.s32 $0x80;
	v45 =	vimm.f32 $-Inf;
	v43 =	vimm.s32 $0x0;
	[tilespmem:$0x1FE90] =	vst v1;
	v1 =	vsel vm5, s4, v50  }
0x80: {  	s5 =	sand.u32 $0x70, s2;
	v29 =	vld [tilespmem:s28+$0xCF00];
	s6 =	sand.u32 $0xFC00, s1;
	s31 =	sor.u32 $0x380, s30;
	v30 =	vsel vm15, v48, v27;
	v36 =	vimm.s32 $0x0;
	[tilespmem:$0x1FEA0] =	vst v1;
	v1 =	vsel vm6, s4, v42  }
0x81: {  	vm3 =	vgt.f32 v0, v19;
	vm2 =	vgt.f32 v7, v19;
	v50 =	vld [tilespmem:s31+$0xCC00];
	[tilespmem:$0x1FEB0] =	vst v1;
	v1 =	vsel vm7, s4, v32;
	s4 =	sor.u32 s5, s6  }
0x82: {  	v9 =	vsel vm3, v0, v19;
	v13 =	vsel vm3, s0, v16;
	vm3 =	vgt.f32 v23, v19;
	v32 =	vld [tilespmem:s4+$0xCC00]  }
0x83: {  	v48 =	vimm.s32 $0x0;
	v18 =	vsel vm2, v7, v19;
	v7 =	vsel vm3, v23, v19;
	v23 =	vld [tilespmem:s4+$0xCC80]  }
0x84: {  	s3 =	simm.s32 $0x1;
	v49 =	vimm.s32 $0x0;
	vm5 =	vgt.f32 v11, v19;
	vm4 =	vgt.f32 v25, v19;
	v27 =	vld [tilespmem:s4+$0xCD00]  }
0x85: {  	s7 =	sand.u32 $0x7, s3;
	v0 =	vsel vm5, v11, v19;
	v11 =	vsel vm4, v25, v19;
	v42 =	vimm.s32 $0x0;
	s5 =	simm.s32 $0x2;
	s6 =	simm.s32 $0x1;
	[tilespmem:$0x1FEC0] =	vst v1;
	v25 =	vld [tilespmem:s4+$0xCD80]  }
.LBB2_8:
0x86: {  	p0 =	sne.s32 s5, $0x197;
	s7 =	sshll.u32 s7, $0x4;
	v51 =	vld [tilespmem:s4+$0xCE00];
	vm6 =	vgt.f32 v20, v19;
	vm7 =	vgt.f32 v29, v45;
	vm8 =	vgt.f32 v50, v47  }
0x87: {  	s2 =	sadd.s32 $0x10, s2;
	s7 =	sadd.s32 s7, s1;
	s1 =	sadd.s32 $0x80, s1;
	v19 =	vsel vm6, v20, v19;
	v20 =	vld [tilespmem:s4+$0xCE80];
	v45 =	vsel vm7, v29, v45;
	v47 =	vsel vm8, v50, v47;
	v52 =	vmovc v32  }
0x88: {  	v16 =	vsel vm2, s0, v16;
	v42 =	vsel vm5, s0, v42;
	s8 =	sand.u32 $0x70, s2;
	v43 =	vsel vm8, s0, v43;
	s9 =	sand.u32 $0xFC00, s1;
	v29 =	vld [tilespmem:s4+$0xCF00];
	s7 =	sor.u32 $0x380, s7  }
.Ltmp3:
0x89: {  	v36 =	vsel vm3, s0, v36;
	v48 =	vsel vm4, s0, v48;
	v49 =	vsel vm6, s0, v49;
	s4 =	sor.u32 s8, s9;
	v50 =	vld [tilespmem:s7+$0xCC00];
	v53 =	vmovc v27;
	(pc) =	sbr.rel @p0 .LBB2_8-.Ltmp3, $4  }
0x8a: {  	v39 =	vsel vm7, s0, v39;
	s0 =	smov.u32 s3;
	s3 =	smov.u32 s5;
	vm3 =	vgt.f32 v52, v9;
	vm2 =	vgt.f32 v23, v18;
	v32 =	vld [tilespmem:s4+$0xCC00]  }
0x8b: {  	v9 =	vsel vm3, v52, v9;
	v13 =	vsel vm3, s0, v13;
	v18 =	vsel vm2, v23, v18;
	v23 =	vld [tilespmem:s4+$0xCC80]  }
0x8c: {  	s6 =	sadd.s32 $0x1, s6;
	vm5 =	vgt.f32 v53, v0;
	vm3 =	vgt.f32 v25, v7;
	vm4 =	vgt.f32 v51, v11;
	v27 =	vld [tilespmem:s4+$0xCD00]  }
0x8d: {  	s5 =	sadd.s32 $0x1, s5;
	s7 =	sand.u32 $0x7, s6;
	v0 =	vsel vm5, v53, v0;
	v7 =	vsel vm3, v25, v7;
	v11 =	vsel vm4, v51, v11;
	v25 =	vld [tilespmem:s4+$0xCD80]  }
0x8e: {  	s2 =	sshll.u32 s7, $0x4;
	v51 =	vld [tilespmem:s4+$0xCE00]  }
0x8f: {  	vm6 =	vgt.f32 v20, v19;
	vm7 =	vgt.f32 v29, v45;
	vm8 =	vgt.f32 v50, v47;
	v52 =	vld [tilespmem:s4+$0xCE80];
	s1 =	sadd.s32 s2, s1  }
0x90: {  	v59 =	vld [tilespmem:s4+$0xCF00];
	v16 =	vsel vm2, s0, v16;
	s26 =	simm.s32 $0x0;
	v36 =	vsel vm3, s0, v36;
	v48 =	vsel vm4, s0, v48;
	s21 =	rddreg [dreg:$0x9];
	s1 =	sor.u32 $0x380, s1  }
0x91: {  	v29 =	vsel vm7, v29, v45;
	v45 =	vsel vm8, v50, v47;
	v50 =	vsel vm5, s0, v42;
	v42 =	vld [tilespmem:s1+$0xCC00];
	[tilespmem:s26], [sflag:$0x3] =	stream.linear.gather [hbm4b:s21+s26], $0x800, $0x38  }
0x92: {  	v53 =	vsel vm6, v20, v19;
	v43 =	vsel vm8, s0, v43;
	vm2 =	vgt.f32 v32, v9;
	_ =	swait.ge [sflag:s16], $0x800  }
0x93: {  	v49 =	vsel vm6, s0, v49;
	v54 =	vsel vm7, s0, v39;
	s22 =	sand.u32 $0x70, s26;
	s23 =	sand.u32 $0x400, s26;
	v20 =	vsel vm2, v32, v9;
	[sflag:s16] =	ssyncset.done $0x0  }
0x94: {  	v32 =	vsel vm2, s3, v13;
	s0 =	sor.u32 s22, s23;
	vm2 =	vgt.f32 v27, v0;
	vm5 =	vgt.f32 v51, v11;
	[sflag:s16] =	ssyncadd.s32 $0xFFFFF800  }
0x95: {  	vm4 =	vgt.f32 v25, v7;
	v19 =	vsel vm2, v27, v0;
	v0 =	vsel vm5, v51, v11;
	v11 =	vld [tilespmem:s0+$0x0]  }
0x96: {  	v63 =	vimm.s32 $0x0;
	vm3 =	vgt.f32 v23, v18;
	v9 =	vsel vm4, v25, v7;
	v7 =	vld [tilespmem:s0+$0x80]  }
0x97: {  	v13 =	vsel vm3, v23, v18;
	v23 =	vimm.f32 $-Inf;
	v39 =	vsel vm2, s3, v50;
	v51 =	vld [tilespmem:s0+$0x300]  }
0x98: {  	s25 =	simm.s32 $0x80;
	s29 =	simm.s32 $0x10;
	vm6 =	vgt.f32 v52, v53;
	vm7 =	vgt.f32 v59, v29;
	v18 =	vld [tilespmem:s0+$0x100];
	vm8 =	vgt.f32 v42, v45  }
0x99: {  	s30 =	sand.u32 $0x70, s29;
	s5 =	sand.u32 $0x400, s25;
	v27 =	vsel vm4, s3, v36;
	v58 =	vsel vm7, v59, v29;
	v29 =	vld [tilespmem:s0+$0x200];
	v1 =	vsel vm8, s3, v43  }
0x9a: {  	s1 =	sor.u32 s30, s5;
	v57 =	vsel vm8, v42, v45;
	v42 =	vsel vm3, s3, v16;
	v16 =	vld [tilespmem:s0+$0x180];
	[tilespmem:$0x1FE20] =	vst v1;
	v1 =	vsel vm6, s3, v49  }
0x9b: {  	s24 =	sor.u32 s26, s26;
	v61 =	vsel vm6, v52, v53;
	v25 =	vsel vm5, s3, v48;
	v50 =	vld [tilespmem:s1+$0x0];
	[tilespmem:$0x1FE30] =	vst v1;
	v1 =	vsel vm7, s3, v54  }
0x9c: {  	s31 =	sor.u32 $0x380, s24;
	v43 =	vld [tilespmem:s0+$0x280];
	vm2 =	vgt.f32 v11, v23;
	vm3 =	vgt.f32 v7, v23;
	vm4 =	vgt.f32 v51, v23  }
0x9d: {  	v54 =	vld [tilespmem:s31+$0x0];
	v36 =	vsel vm3, v7, v23;
	v7 =	vsel vm3, s26, v63;
	vm3 =	vgt.f32 v18, v23  }
0x9e: {  	vm2 =	vmmov vm2;
	v51 =	vsel vm4, v51, v23;
	v45 =	vsel vm3, v18, v23  }
0x9f: {  	v48 =	vld [tilespmem:s1+$0x80];
	v60 =	vsel vm3, s26, v63;
	vm3 =	vgt.f32 v16, v23;
	v49 =	vsel vm2, v11, v23  }
0xa0: {  	v62 =	vld [tilespmem:s1+$0x100];
	v47 =	vsel vm3, v16, v23;
	v59 =	vsel vm3, s26, v63;
	vm3 =	vgt.f32 v29, v23  }
0xa1: {  	v53 =	vsel vm4, s26, v63;
	v18 =	vld [tilespmem:s1+$0x200];
	vm8 =	vgt.f32 v50, v49;
	v52 =	vsel vm3, v29, v23  }
0xa2: {  	s4 =	simm.s32 $0x20;
	s2 =	simm.s32 $0x2;
	v16 =	vld [tilespmem:s1+$0x180];
	v55 =	vsel vm3, s26, v63;
	vm3 =	vgt.f32 v43, v23;
	vm4 =	vgt.f32 v54, v23  }
0xa3: {  	s28 =	sor.u32 s25, s29;
	s0 =	simm.s32 $0x1;
	s3 =	simm.s32 $0x100;
	[tilespmem:$0x1FE40] =	vst v1;
	v11 =	vld [tilespmem:s1+$0x280];
	v56 =	vsel vm3, s26, v63;
	v29 =	vsel vm4, v54, v23;
	v54 =	vsel vm4, s26, v63  }
.LBB2_10:
0xa4: {  	s5 =	sand.u32 $0x70, s4;
	s6 =	sand.u32 $0x400, s3;
	vm4 =	vgt.f32 v48, v36  }
0xa5: {  	v1 =	vld [tilespmem:s1+$0x300];
	s7 =	sor.u32 $0x380, s28;
	v63 =	vsel vm2, s26, v63;
	v23 =	vsel vm3, v43, v23;
	vm2 =	vmmov vm8;
	s26 =	smov.u32 s0;
	s0 =	smov.u32 s2  }
0xa6: {  	p0 =	sne.s32 s2, $0x9;
	s2 =	sadd.s32 $0x1, s2;
	s1 =	sor.u32 s5, s6;
	v36 =	vsel vm4, v48, v36;
	v7 =	vsel vm4, s26, v7;
	vm3 =	vgt.f32 v62, v45;
	v2 =	vld [tilespmem:s7+$0x0]  }
0xa7: {  	v3 =	vld [tilespmem:s1+$0x0];
	v45 =	vsel vm3, v62, v45;
	v60 =	vsel vm3, s26, v60;
	vm3 =	vgt.f32 v16, v47  }
.Ltmp4:
0xa8: {  	v48 =	vld [tilespmem:s1+$0x80];
	v47 =	vsel vm3, v16, v47;
	v59 =	vsel vm3, s26, v59;
	vm3 =	vgt.f32 v18, v52;
	(pc) =	sbr.rel @p0 .LBB2_10-.Ltmp4, $4  }
0xa9: {  	v62 =	vld [tilespmem:s1+$0x100];
	v52 =	vsel vm3, v18, v52;
	v55 =	vsel vm3, s26, v55;
	vm3 =	vgt.f32 v11, v23;
	v43 =	vmovc v11  }
0xaa: {  	v49 =	vsel vm2, v50, v49;
	v16 =	vld [tilespmem:s1+$0x180];
	v56 =	vsel vm3, s26, v56;
	vm4 =	vgt.f32 v1, v51  }
0xab: {  	v18 =	vld [tilespmem:s1+$0x200];
	v51 =	vsel vm4, v1, v51;
	v53 =	vsel vm4, s26, v53;
	vm4 =	vgt.f32 v2, v29  }
0xac: {  	s28 =	sor.u32 s3, s4;
	s3 =	sadd.s32 $0x80, s3;
	s4 =	sadd.s32 $0x10, s4;
	vm8 =	vgt.f32 v3, v49;
	v11 =	vld [tilespmem:s1+$0x280];
	v29 =	vsel vm4, v2, v29;
	v54 =	vsel vm4, s26, v54;
	v50 =	vmovc v3  }
0xad: {  	_ =	sdelay $0x1  }
0xae: {  	v1 =	vld [tilespmem:s1+$0x300]  }
0xaf: {  	vm7 =	vgt.f32 v48, v36;
	v2 =	vld [tilespmem:$0x1FF50];
	vm4 =	vgt.f32 v18, v52  }
0xb0: {  	v48 =	vsel vm7, v48, v36;
	v36 =	vsel vm4, v18, v52;
	v52 =	vld [tilespmem:$0x1FFD0]  }
0xb1: {  	v3 =	vld [tilespmem:$0x1FF60];
	vm6 =	vgt.f32 v62, v45  }
0xb2: {  	vm8 =	vmmov vm8;
	v45 =	vsel vm6, v62, v45;
	v62 =	vld [tilespmem:$0x1FED0]  }
0xb3: {  	v43 =	vsel vm3, v43, v23;
	vm3 =	vlt.f32 v17, $-Inf;
	v49 =	vsel vm8, v50, v49;
	v50 =	vld [tilespmem:$0x1FFE0]  }
0xb4: {  	vm9 =	vgt.f32 v17, $-Inf;
	vm10 =	veq.f32 v17, $-Inf;
	v2 =	vshll.u32 v2, $0x4  }
0xb5: {  	vm9 =	vmor vm9, vm3;
	vm5 =	vgt.f32 v16, v47;
	v2 =	vadd.s32 v2, v52  }
0xb6: {  	v47 =	vsel vm5, v16, v47;
	vm3 =	vgt.f32 v1, v51;
	vm11 =	vlt.s32 v2, $0x0  }
0xb7: {  	v3 =	vshll.u32 v3, $0x4;
	v16 =	vshll.u32 v62, $0x4;
	vm10 =	vmand vm10, vm11  }
0xb8: {  	v23 =	vsel vm3, v1, v51;
	v16 =	vadd.s32 v16, v50;
	vm9 =	vmor vm9, vm10  }
0xb9: {  	v3 =	vadd.s32 v3, v52;
	v1 =	vnsel vm9, $0xFF800000, v17;
	v2 =	vnsel vm9, $0x0, v2  }
0xba: {  	vm14 =	vlt.s32 v3, $0x0;
	vm12 =	veq.f32 v40, v1;
	vm13 =	vlt.s32 v16, v2  }
0xbb: {  	v62 =	vld [tilespmem:$0x1FEE0];
	vm11 =	veq.f32 v15, $-Inf;
	vm12 =	vmand vm12, vm13;
	vm13 =	vgt.f32 v40, v1  }
0xbc: {  	vm15 =	vmand vm11, vm14;
	vm11 =	vmor vm13, vm12  }
0xbd: {  	v17 =	vsel vm11, v40, v1;
	v40 =	vld [tilespmem:$0x1FF70];
	_ =	sdelay $0x1  }
0xbe: {  	vm10 =	vgt.f32 v15, $-Inf;
	vm9 =	vlt.f32 v15, $-Inf  }
0xbf: {  	vm14 =	vgt.f32 v14, $-Inf;
	v18 =	vshll.u32 v62, $0x4;
	vm9 =	vmor vm10, vm9  }
0xc0: {  	v18 =	vadd.s32 v18, v50;
	vm10 =	veq.f32 v14, $-Inf;
	vm9 =	vmor vm9, vm15  }
0xc1: {  	v51 =	vnsel vm9, $0xFF800000, v15;
	vm13 =	vlt.f32 v14, $-Inf;
	v1 =	vshll.u32 v40, $0x4  }
0xc2: {  	v3 =	vnsel vm9, $0x0, v3;
	vm9 =	vmor vm14, vm13;
	v1 =	vadd.s32 v1, v52  }
0xc3: {  	vm13 =	veq.f32 v34, v51;
	vm14 =	vlt.s32 v18, v3;
	vm12 =	vlt.s32 v1, $0x0  }
0xc4: {  	vm10 =	vmand vm10, vm12;
	vm12 =	vmand vm13, vm14;
	vm13 =	vgt.f32 v34, v51  }
0xc5: {  	v62 =	vld [tilespmem:$0x1FEF0];
	vm9 =	vmor vm9, vm10;
	vm10 =	vmor vm13, vm12  }
0xc6: {  	v15 =	vsel vm10, v34, v51;
	v51 =	vld [tilespmem:$0x1FF90];
	_ =	sdelay $0x2  }
0xc7: {  	v2 =	vsel vm11, v16, v2;
	vm11 =	vgt.f32 v12, $-Inf;
	vm12 =	veq.f32 v12, $-Inf  }
0xc8: {  	v40 =	vnsel vm9, $0xFF800000, v14;
	v1 =	vnsel vm9, $0x0, v1;
	v34 =	vshll.u32 v62, $0x4  }
0xc9: {  	vm9 =	vlt.f32 v12, $-Inf;
	v62 =	vld [tilespmem:$0x1FF10];
	v34 =	vadd.s32 v34, v50;
	v16 =	vshll.u32 v51, $0x4  }
0xca: {  	vm13 =	veq.f32 v31, v40;
	vm14 =	vlt.s32 v34, v1;
	v51 =	vld [tilespmem:$0x1FFA0];
	v16 =	vadd.s32 v16, v52  }
0xcb: {  	vm13 =	vmand vm13, vm14;
	vm14 =	vgt.f32 v31, v40;
	vm15 =	vlt.s32 v16, $0x0  }
0xcc: {  	vm9 =	vmor vm11, vm9;
	vm11 =	vmand vm12, vm15;
	vm12 =	vmor vm14, vm13  }
0xcd: {  	v3 =	vsel vm10, v18, v3;
	vm10 =	vgt.f32 v10, $-Inf;
	v14 =	vsel vm12, v31, v40  }
0xce: {  	vm9 =	vmor vm9, vm11;
	v1 =	vsel vm12, v34, v1;
	v31 =	vshll.u32 v62, $0x4  }
0xcf: {  	vm11 =	veq.f32 v10, $-Inf;
	v40 =	vnsel vm9, $0xFF800000, v12;
	v18 =	vshll.u32 v51, $0x4  }
0xd0: {  	v34 =	vld [tilespmem:$0x1FFB0];
	v16 =	vnsel vm9, $0x0, v16;
	vm9 =	vlt.f32 v10, $-Inf;
	v31 =	vadd.s32 v31, v50  }
0xd1: {  	v51 =	vld [tilespmem:$0x1FF20];
	v18 =	vadd.s32 v18, v52;
	vm12 =	veq.f32 v28, v40;
	vm13 =	vlt.s32 v31, v16  }
0xd2: {  	vm9 =	vmor vm10, vm9;
	vm10 =	veq.f32 v8, $-Inf;
	vm14 =	vlt.s32 v18, $0x0  }
0xd3: {  	vm12 =	vmand vm12, vm13;
	vm13 =	vgt.f32 v28, v40;
	vm15 =	vmand vm11, vm14  }
0xd4: {  	vm11 =	vmor vm13, vm12;
	vm12 =	vlt.f32 v8, $-Inf;
	vm13 =	vgt.f32 v8, $-Inf  }
0xd5: {  	v12 =	vsel vm11, v28, v40;
	vm9 =	vmor vm9, vm15;
	v28 =	vshll.u32 v34, $0x4  }
0xd6: {  	v40 =	vnsel vm9, $0xFF800000, v10;
	v18 =	vnsel vm9, $0x0, v18;
	v34 =	vshll.u32 v51, $0x4  }
0xd7: {  	v28 =	vadd.s32 v28, v52;
	vm9 =	vmor vm13, vm12;
	v34 =	vadd.s32 v34, v50  }
0xd8: {  	vm12 =	vlt.s32 v28, $0x0;
	vm13 =	veq.f32 v26, v40;
	vm14 =	vlt.s32 v34, v18  }
0xd9: {  	vm10 =	vmand vm10, vm12;
	vm12 =	vmand vm13, vm14;
	vm13 =	vgt.f32 v26, v40  }
0xda: {  	v16 =	vsel vm11, v31, v16;
	v31 =	vld [tilespmem:$0x1FFC0];
	vm9 =	vmor vm9, vm10;
	vm10 =	vmor vm13, vm12  }
0xdb: {  	v10 =	vsel vm10, v26, v40;
	v40 =	vld [tilespmem:$0x1FF30];
	_ =	sdelay $0x3  }
0xdc: {  	vm11 =	vgt.f32 v6, $-Inf;
	v62 =	vnsel vm9, $0xFF800000, v8  }
0xdd: {  	v51 =	vld [tilespmem:$0x1FF80];
	v28 =	vnsel vm9, $0x0, v28;
	v26 =	vshll.u32 v31, $0x4;
	v31 =	vshll.u32 v40, $0x4  }
0xde: {  	vm9 =	vlt.f32 v6, $-Inf;
	vm12 =	veq.f32 v6, $-Inf;
	v31 =	vadd.s32 v31, v50  }
0xdf: {  	vm13 =	veq.f32 v24, v62;
	v26 =	vadd.s32 v26, v52;
	vm14 =	vlt.s32 v31, v28  }
0xe0: {  	vm15 =	vlt.s32 v26, $0x0;
	vm13 =	vmand vm13, vm14;
	vm14 =	vgt.f32 v24, v62  }
0xe1: {  	vm9 =	vmor vm11, vm9;
	vm11 =	vmand vm12, vm15;
	vm12 =	vmor vm14, vm13  }
0xe2: {  	v8 =	vsel vm12, v24, v62;
	v24 =	vsel vm12, v31, v28;
	v28 =	vshll.u32 v51, $0x4  }
0xe3: {  	v28 =	vadd.s32 v28, v52;
	v52 =	vld [tilespmem:$0x1FF40]  }
0xe4: {  	v7 =	vsel vm7, s0, v7;
	v18 =	vsel vm10, v34, v18;
	v34 =	vld [tilespmem:$0x1FF00];
	vm9 =	vmor vm9, vm11  }
0xe5: {  	vm10 =	vgt.f32 v5, $-Inf;
	vm11 =	veq.f32 v5, $-Inf;
	v6 =	vnsel vm9, $0xFF800000, v6  }
0xe6: {  	v26 =	vnsel vm9, $0x0, v26;
	vm9 =	vlt.f32 v5, $-Inf;
	vm14 =	vlt.s32 v28, $0x0  }
0xe7: {  	v7 =	vshll.u32 v7, $0x4;
	vm9 =	vmor vm10, vm9;
	vm14 =	vmand vm11, vm14  }
0xe8: {  	vm12 =	veq.f32 v22, v6;
	vm9 =	vmor vm9, vm14;
	v31 =	vshll.u32 v52, $0x4  }
0xe9: {  	v40 =	vld [tilespmem:$0x1FE50];
	v62 =	vnsel vm9, $0x0, v28;
	v28 =	vshll.u32 v34, $0x4;
	v31 =	vadd.s32 v31, v50  }
0xea: {  	vm11 =	veq.f32 v46, v17;
	v28 =	vadd.s32 v28, v50;
	v50 =	vld [tilespmem:$0x1FFF0];
	vm13 =	vlt.s32 v31, v26  }
0xeb: {  	v5 =	vnsel vm9, $0xFF800000, v5;
	v52 =	vld [tilespmem:$0x1FE60];
	vm12 =	vmand vm12, vm13;
	vm13 =	vgt.f32 v22, v6  }
0xec: {  	vm15 =	vmor vm13, vm12;
	vm12 =	veq.f32 v21, v5;
	vm13 =	vlt.s32 v28, v62  }
0xed: {  	vm9 =	vgt.f32 v21, v5;
	v6 =	vsel vm15, v22, v6;
	vm10 =	vmand vm12, vm13  }
0xee: {  	v22 =	vsel vm15, v31, v26;
	v31 =	vshll.u32 v40, $0x4;
	vm9 =	vmor vm9, vm10  }
0xef: {  	vm15 =	vgt.f32 v46, v17;
	v31 =	vadd.s32 v31, v50;
	v51 =	vsel vm9, v28, v62;
	v62 =	vld [tilespmem:$0x1FE70]  }
0xf0: {  	v26 =	vshll.u32 v52, $0x4;
	vm13 =	veq.f32 v41, v15;
	vm12 =	vlt.s32 v31, v2  }
0xf1: {  	v52 =	vshll.u32 v39, $0x4;
	v26 =	vadd.s32 v26, v50;
	vm14 =	vmand vm11, vm12  }
0xf2: {  	v5 =	vsel vm9, v21, v5;
	vm9 =	vgt.f32 v41, v15;
	vm12 =	vmor vm15, vm14  }
0xf3: {  	vm11 =	veq.f32 v44, v14;
	vm14 =	vlt.s32 v26, v3;
	v2 =	vsel vm12, v31, v2;
	v31 =	vld [tilespmem:$0x1FE90]  }
0xf4: {  	v17 =	vsel vm12, v46, v17;
	vm10 =	vmand vm13, vm14;
	v28 =	vshll.u32 v62, $0x4  }
0xf5: {  	v40 =	vld [tilespmem:$0x1FEA0];
	vm14 =	veq.f32 v38, v12;
	vm9 =	vmor vm9, vm10;
	v28 =	vadd.s32 v28, v50  }
0xf6: {  	v15 =	vsel vm9, v41, v15;
	v3 =	vsel vm9, v26, v3;
	vm12 =	vlt.s32 v28, v1  }
0xf7: {  	vm9 =	vgt.f32 v38, v12;
	vm15 =	vmand vm11, vm12;
	vm12 =	vgt.f32 v44, v14  }
0xf8: {  	v26 =	vshll.u32 v31, $0x4;
	vm11 =	veq.f32 v37, v10;
	vm13 =	vmor vm12, vm15  }
0xf9: {  	v41 =	vld [tilespmem:$0x1FEB0];
	v26 =	vadd.s32 v26, v50;
	v14 =	vsel vm13, v44, v14;
	v1 =	vsel vm13, v28, v1  }
0xfa: {  	v28 =	vshll.u32 v40, $0x4;
	vm15 =	vlt.s32 v26, v16;
	vm13 =	vgt.f32 v37, v10  }
0xfb: {  	v44 =	vld [tilespmem:$0x1FEC0];
	v40 =	vsel vm2, s26, v63;
	v28 =	vadd.s32 v28, v50;
	vm10 =	vmand vm14, vm15  }
0xfc: {  	vm15 =	veq.f32 v35, v8;
	vm12 =	vlt.s32 v28, v18;
	vm9 =	vmor vm9, vm10  }
0xfd: {  	vm12 =	vmand vm11, vm12;
	v12 =	vsel vm9, v38, v12;
	v16 =	vsel vm9, v26, v16  }
0xfe: {  	v26 =	vshll.u32 v41, $0x4;
	vm9 =	vgt.f32 v35, v8;
	vm11 =	veq.f32 v33, v6  }
0xff: {  	v46 =	vld [tilespmem:$0x1FE80];
	v41 =	vlaneseq.u32;
	vm14 =	vmor vm13, vm12;
	v26 =	vadd.s32 v26, v50  }
0x100: {  	v18 =	vsel vm14, v28, v18;
	v28 =	vshll.u32 v44, $0x4;
	vm12 =	vlt.s32 v26, v24  }
0x101: {  	v10 =	vsel vm14, v37, v10;
	v28 =	vadd.s32 v28, v50;
	vm10 =	vmand vm15, vm12  }
0x102: {  	vm14 =	vgt.f32 v33, v6;
	vm12 =	vlt.s32 v28, v22;
	vm9 =	vmor vm9, vm10  }
0x103: {  	vm13 =	vmand vm11, vm12;
	v8 =	vsel vm9, v35, v8;
	v24 =	vsel vm9, v26, v24  }
0x104: {  	v26 =	vshll.u32 v46, $0x4;
	vm9 =	vgt.f32 v30, v5;
	vm12 =	veq.f32 v30, v5  }
0x105: {  	vm11 =	veq.f32 v20, v17;
	v46 =	vsel vm4, s0, v55;
	vm15 =	vmor vm14, vm13  }
0x106: {  	v26 =	vadd.s32 v26, v50;
	v50 =	vshll.u32 v32, $0x4;
	v6 =	vsel vm15, v33, v6  }
0x107: {  	v22 =	vsel vm15, v28, v22;
	vm13 =	vlt.s32 v26, v51;
	v28 =	vadd.s32 v50, v4  }
0x108: {  	vm15 =	vgt.f32 v20, v17;
	v50 =	vsel vm3, s0, v53;
	vm10 =	vmand vm12, vm13  }
0x109: {  	vm12 =	vlt.s32 v28, v2;
	vm13 =	veq.f32 v13, v15;
	vm9 =	vmor vm9, vm10  }
0x10a: {  	vm14 =	vmand vm11, vm12;
	vm11 =	veq.f32 v19, v14;
	v5 =	vsel vm9, v30, v5  }
0x10b: {  	v21 =	vsel vm9, v26, v51;
	vm12 =	vmor vm15, vm14;
	v51 =	vshll.u32 v42, $0x4  }
0x10c: {  	vm9 =	vgt.f32 v13, v15;
	v26 =	vadd.s32 v52, v4;
	v30 =	vshll.u32 v25, $0x4  }
0x10d: {  	v42 =	vsel vm6, s0, v60;
	v17 =	vsel vm12, v20, v17;
	v2 =	vsel vm12, v28, v2  }
0x10e: {  	v20 =	vadd.s32 v51, v4;
	vm12 =	vlt.s32 v26, v1;
	v28 =	vshll.u32 v27, $0x4  }
0x10f: {  	v44 =	vshll.u32 v42, $0x4;
	vm14 =	vlt.s32 v20, v3;
	vm15 =	vmand vm11, vm12  }
0x110: {  	vm12 =	vgt.f32 v19, v14;
	vm11 =	veq.f32 v0, v10;
	vm10 =	vmand vm13, vm14  }
0x111: {  	vm13 =	vmor vm12, vm15;
	vm14 =	veq.f32 v9, v12;
	vm9 =	vmor vm9, vm10  }
0x112: {  	v14 =	vsel vm13, v19, v14;
	v1 =	vsel vm13, v26, v1;
	v19 =	vadd.s32 v30, v4  }
0x113: {  	v39 =	vld [tilespmem:$0x1FE20];
	vm13 =	vgt.f32 v0, v10;
	v62 =	vsel vm9, v13, v15;
	v3 =	vsel vm9, v20, v3  }
0x114: {  	v35 =	vld [tilespmem:$0x1FE30];
	v15 =	vadd.s32 v28, v4;
	vm9 =	vgt.f32 v9, v12;
	vm12 =	vlt.s32 v19, v18  }
0x115: {  	v37 =	vld [tilespmem:$0x1FE40];
	v20 =	vsel vm8, s0, v40;
	vm15 =	vlt.s32 v15, v16;
	vm12 =	vmand vm11, vm12  }
0x116: {  	vm11 =	veq.f32 v58, v6;
	v20 =	vshll.u32 v20, $0x4;
	vm10 =	vmand vm14, vm15  }
0x117: {  	vm14 =	vmor vm13, vm12;
	vm15 =	veq.f32 v61, v8;
	vm9 =	vmor vm9, vm10  }
0x118: {  	v33 =	vsel vm14, v0, v10;
	v34 =	vsel vm14, v19, v18;
	vm14 =	vgt.f32 v58, v6  }
0x119: {  	s5 =	sor.u32 $0x380, s28;
	v19 =	vshll.u32 v39, $0x4;
	v32 =	vsel vm9, v15, v16;
	v15 =	vshll.u32 v35, $0x4  }
0x11a: {  	v38 =	vld [tilespmem:s5+$0x0];
	v31 =	vsel vm9, v9, v12;
	v16 =	vshll.u32 v37, $0x4;
	v15 =	vadd.s32 v15, v4  }
0x11b: {  	vm9 =	vgt.f32 v61, v8;
	v16 =	vadd.s32 v16, v4;
	vm12 =	vlt.s32 v15, v24  }
0x11c: {  	v19 =	vadd.s32 v19, v4;
	vm10 =	vmand vm15, vm12;
	vm12 =	vlt.s32 v16, v22  }
0x11d: {  	vm15 =	veq.f32 v57, v5;
	vm9 =	vmor vm9, vm10;
	vm13 =	vmand vm11, vm12  }
0x11e: {  	vm12 =	vlt.s32 v19, v21;
	v8 =	vsel vm9, v61, v8;
	vm10 =	vmor vm14, vm13  }
0x11f: {  	v15 =	vsel vm9, v15, v24;
	vm9 =	vgt.f32 v38, v29;
	vm13 =	vgt.f32 v57, v5  }
0x120: {  	v6 =	vsel vm10, v58, v6;
	v16 =	vsel vm10, v16, v22;
	vm10 =	vmand vm15, vm12  }
0x121: {  	vm14 =	veq.f32 v49, v17;
	v18 =	vsel vm9, v38, v29;
	vm2 =	vmor vm13, vm10  }
0x122: {  	vm12 =	veq.f32 v48, v62;
	v19 =	vsel vm2, v19, v21;
	v21 =	vor.u32 $0x18600, v41  }
0x123: {  	vm10 =	vgt.f32 v11, v43;
	v5 =	vsel vm2, v57, v5;
	v20 =	vadd.s32 v21, v20  }
0x124: {  	vm2 =	vgt.f32 v49, v17;
	v7 =	vadd.s32 v21, v7;
	vm15 =	vlt.s32 v20, v2  }
0x125: {  	v11 =	vsel vm10, v11, v43;
	vm13 =	vlt.s32 v7, v3;
	vm7 =	vmand vm14, vm15  }
0x126: {  	vm14 =	vmand vm12, vm13;
	vm15 =	vgt.f32 v48, v62;
	vm13 =	vgt.f32 v45, v14  }
0x127: {  	vm2 =	vmor vm2, vm7;
	vm11 =	vmor vm15, vm14;
	vm14 =	veq.f32 v47, v31  }
0x128: {  	v17 =	vsel vm2, v49, v17;
	v2 =	vsel vm2, v20, v2;
	v13 =	vsel vm11, v48, v62  }
0x129: {  	v3 =	vsel vm11, v7, v3;
	v7 =	vsel vm5, s0, v59;
	v20 =	vadd.s32 v21, v44  }
0x12a: {  	vm2 =	veq.f32 v45, v14;
	vm11 =	vgt.f32 v47, v31;
	v48 =	vshll.u32 v46, $0x4  }
0x12b: {  	vm12 =	vlt.s32 v20, v1;
	v7 =	vshll.u32 v7, $0x4;
	v49 =	vadd.s32 v21, v48  }
0x12c: {  	vm2 =	vmand vm2, vm12;
	v7 =	vadd.s32 v21, v7;
	vm12 =	veq.f32 v36, v33  }
0x12d: {  	vm2 =	vmor vm13, vm2;
	vm15 =	vlt.s32 v7, v32;
	vm13 =	vlt.s32 v49, v34  }
0x12e: {  	[tilespmem:$0x19800] =	vst v17;
	vm5 =	vmand vm14, vm15;
	v14 =	vsel vm2, v45, v14;
	v1 =	vsel vm2, v20, v1  }
0x12f: {  	[tilespmem:$0x19880] =	vst v2;
	vm2 =	vgt.f32 v36, v33;
	vm4 =	vmand vm12, vm13;
	vm5 =	vmor vm11, vm5  }
0x130: {  	[tilespmem:$0x19810] =	vst v13;
	vm14 =	veq.f32 v11, v8;
	v9 =	vsel vm5, v47, v31;
	v47 =	vsel vm10, s0, v56  }
0x131: {  	vm2 =	vmor vm2, vm4;
	[tilespmem:$0x198A0] =	vst v1;
	v1 =	vshll.u32 v50, $0x4;
	v12 =	vshll.u32 v47, $0x4  }
0x132: {  	[tilespmem:$0x19890] =	vst v3;
	v7 =	vsel vm5, v7, v32;
	vm10 =	vgt.f32 v11, v8;
	v12 =	vadd.s32 v21, v12  }
0x133: {  	[tilespmem:$0x19820] =	vst v14;
	v0 =	vsel vm2, v36, v33;
	v2 =	vsel vm2, v49, v34;
	vm15 =	vlt.s32 v12, v15  }
0x134: {  	v1 =	vadd.s32 v21, v1;
	[tilespmem:$0x198B0] =	vst v7;
	v7 =	vsel vm9, s0, v54;
	vm8 =	vmand vm14, vm15  }
0x135: {  	vm2 =	veq.f32 v23, v6;
	[tilespmem:$0x19830] =	vst v9;
	v52 =	vshll.u32 v7, $0x4;
	vm3 =	vmor vm10, vm8  }
0x136: {  	[tilespmem:$0x19840] =	vst v0;
	v3 =	vsel vm3, v11, v8;
	v51 =	vsel vm3, v12, v15;
	vm3 =	vlt.s32 v1, v16  }
0x137: {  	[tilespmem:$0x198C0] =	vst v2;
	v0 =	vadd.s32 v21, v52;
	vm2 =	vmand vm2, vm3;
	vm3 =	vgt.f32 v23, v6  }
0x138: {  	vm11 =	vlt.s32 v0, v19;
	[tilespmem:$0x19850] =	vst v3;
	vm2 =	vmor vm3, vm2;
	vm3 =	veq.f32 v18, v5  }
0x139: {  	vm12 =	vgt.f32 v18, v5;
	[tilespmem:$0x198D0] =	vst v51;
	v53 =	vsel vm2, v23, v6;
	vm3 =	vmand vm3, vm11  }
0x13a: {  	v1 =	vsel vm2, v1, v16;
	vm2 =	vmor vm12, vm3;
	[tilespmem:$0x19860] =	vst v53  }
0x13b: {  	[tilespmem:$0x198E0] =	vst v1;
	v54 =	vsel vm2, v18, v5  }
0x13c: {  	v0 =	vsel vm2, v0, v19;
	[tilespmem:$0x19870] =	vst v54  }
0x13d: {  	s6 =	rddreg [dreg:$0xa];
	s7 =	simm.s32 $0x19800;
	[tilespmem:$0x198F0] =	vst v0  }
0x13e: {  	[spmem:s6] =	stream.linear.scatter [tilespmem:s7], [sflag:$0x3], $0x80, $0x38;
	[tilespmem:$0x19E80] =	vst v63  }
0x13f: {  	_ =	swait.ge [sflag:s16], $0x80  }
0x140: {  	[sflag:s16] =	ssyncset.done $0x0  }
0x141: {  	s9 =	simm.s32 $0x19880;
	s8 =	rddreg [dreg:$0xb];
	[sflag:s16] =	ssyncadd.s32 $0xFFFFFF80  }
0x142: {  	[spmem:s8] =	stream.linear.scatter [tilespmem:s9], [sflag:$0x3], $0x80, $0x38;
	[tilespmem:$0x19E80] =	vst v63  }
0x143: {  	_ =	swait.ge [sflag:s16], $0x80  }
0x144: {  	[sflag:s16] =	ssyncset.done $0x0  }
0x145: {  	[sflag:s16] =	ssyncadd.s32 $0xFFFFFF80  }
0x146: {  	[bflag:$0x0] =	sbarrier.arrive $0xFFFF  }
0x147: {  	s11 =	simm.s32 $0x19900;
	s10 =	rddreg [dreg:$0xc]  }
0x148: {  	[tilespmem:s11], [sflag:$0x3] =	stream.linear.gather [spmem:s10], $0x200, $0x38;
	[tilespmem:$0x19E80] =	vst v63  }
0x149: {  	_ =	swait.ge [sflag:s16], $0x200  }
0x14a: {  	[sflag:s16] =	ssyncset.done $0x0  }
0x14b: {  	s13 =	simm.s32 $0x19B00;
	s12 =	rddreg [dreg:$0xd];
	[sflag:s16] =	ssyncadd.s32 $0xFFFFFE00  }
0x14c: {  	[tilespmem:s13], [sflag:$0x3] =	stream.linear.gather [spmem:s12], $0x200, $0x38;
	[tilespmem:$0x19E80] =	vst v63  }
0x14d: {  	_ =	swait.ge [sflag:s16], $0x200  }
0x14e: {  	[sflag:s16] =	ssyncset.done $0x0  }
0x14f: {  	s14 =	rddreg [dreg:$0xe];
	[sflag:s16] =	ssyncadd.s32 $0xFFFFFE00  }
0x150: {  	v55 =	vld [tilespmem:s14+$0x19900]  }
0x151: {  	s15 =	rddreg [dreg:$0xf];
	v56 =	vld [tilespmem:s14+$0x19B00]  }
0x152: {  	v57 =	vld [tilespmem:s15+$0x19900]  }
0x153: {  	v3 =	vld [tilespmem:s15+$0x19B00];
	_ =	sdelay $0x1  }
0x154: {  	s16 =	rddreg [dreg:$0x10]  }
0x155: {  	v5 =	vld [tilespmem:s16+$0x19900]  }
0x156: {  	v6 =	vld [tilespmem:s16+$0x19B00]  }
0x157: {  	vm2 =	veq.f32 v57, v55;
	vm3 =	vlt.s32 v3, v56  }
0x158: {  	s17 =	rddreg [dreg:$0x11];
	vm13 =	vgt.f32 v57, v55;
	vm2 =	vmand vm2, vm3  }
0x159: {  	v7 =	vld [tilespmem:s17+$0x19900];
	vm2 =	vmor vm13, vm2  }
0x15a: {  	v58 =	vld [tilespmem:s17+$0x19B00];
	v0 =	vsel vm2, v57, v55;
	v1 =	vsel vm2, v3, v56  }
0x15b: {  	vm2 =	veq.f32 v5, v0;
	vm3 =	vlt.s32 v6, v1  }
0x15c: {  	vm14 =	vgt.f32 v5, v0;
	vm2 =	vmand vm2, vm3  }
0x15d: {  	vm2 =	vmor vm14, vm2  }
0x15e: {  	v0 =	vsel vm2, v5, v0;
	v1 =	vsel vm2, v6, v1  }
0x15f: {  	vm2 =	veq.f32 v7, v0;
	vm3 =	vlt.s32 v58, v1  }
0x160: {  	vm15 =	vgt.f32 v7, v0;
	vm2 =	vmand vm2, vm3  }
0x161: {  	vm2 =	vmor vm15, vm2  }
0x162: {  	v0 =	vsel vm2, v7, v0  }
0x163: {  	v1 =	vsel vm2, v58, v1;
	(v2sf) =	vpush v0, $0x0  }
0x164: {  	(v2sf) =	vpush v1, $0x0  }
0x165: {  	(v2sf) =	vpush v0, $0x1  }
0x166: {  	(v2sf) =	vpush v1, $0x1  }
0x167: {  	(v2sf) =	vpush v0, $0x2  }
0x168: {  	(v2sf) =	vpush v1, $0x2  }
0x169: {  	(v2sf) =	vpush v0, $0x3  }
0x16a: {  	(v2sf) =	vpush v1, $0x3  }
0x16b: {  	(v2sf) =	vpush v0, $0x4  }
0x16c: {  	(v2sf) =	vpush v1, $0x4  }
0x16d: {  	(v2sf) =	vpush v0, $0x5  }
0x16e: {  	s18 =	rddreg [dreg:$0x12];
	(v2sf) =	vpush v1, $0x5  }
0x16f: {  	v59 =	vld [tilespmem:s18+$0x19900];
	(v2sf) =	vpush v0, $0x6  }
0x170: {  	s19 =	rddreg [dreg:$0x13];
	v3 =	vld [tilespmem:s18+$0x19B00];
	(v2sf) =	vpush v1, $0x6  }
0x171: {  	v5 =	vld [tilespmem:s19+$0x19900];
	(v2sf) =	vpush v0, $0x7  }
0x172: {  	v6 =	vld [tilespmem:s19+$0x19B00];
	s26 =	spop (v2sf);
	(v2sf) =	vpush v1, $0x7  }
0x173: {  	s0 =	spop (v2sf);
	(v2sf) =	vpush v0, $0x8  }
0x174: {  	s20 =	rddreg [dreg:$0x14];
	s3 =	spop (v2sf);
	(v2sf) =	vpush v1, $0x8  }
0x175: {  	v60 =	vld [tilespmem:s20+$0x19B00];
	s5 =	spop (v2sf);
	(v2sf) =	vpush v0, $0x9  }
0x176: {  	v7 =	vld [tilespmem:s20+$0x19900];
	s25 =	spop (v2sf);
	(v2sf) =	vpush v1, $0x9  }
0x177: {  	vm2 =	veq.f32 v5, v59;
	vm3 =	vlt.s32 v6, v3;
	s6 =	spop (v2sf);
	(v2sf) =	vpush v0, $0xA  }
0x178: {  	s21 =	rddreg [dreg:$0x16];
	vm2 =	vmand vm2, vm3;
	vm3 =	vgt.f32 v5, v59;
	s4 =	spop (v2sf);
	(v2sf) =	vpush v1, $0xA  }
0x179: {  	v61 =	vld [tilespmem:s21+$0x19900];
	vm2 =	vmor vm3, vm2;
	s7 =	spop (v2sf);
	(v2sf) =	vpush v0, $0xB  }
0x17a: {  	v2 =	vsel vm2, v5, v59;
	v3 =	vsel vm2, v6, v3;
	v6 =	vld [tilespmem:s21+$0x19B00];
	s23 =	spop (v2sf);
	(v2sf) =	vpush v1, $0xB  }
0x17b: {  	vm2 =	veq.f32 v7, v2;
	vm3 =	vlt.s32 v60, v3;
	s24 =	spop (v2sf);
	(v2sf) =	vpush v0, $0xC  }
0x17c: {  	vm2 =	vmand vm2, vm3;
	vm3 =	vgt.f32 v7, v2;
	s20 =	spop (v2sf);
	(v2sf) =	vpush v1, $0xC  }
0x17d: {  	vm2 =	vmor vm3, vm2;
	s12 =	spop (v2sf);
	(v2sf) =	vpush v0, $0xD  }
0x17e: {  	v2 =	vsel vm2, v7, v2;
	v3 =	vsel vm2, v60, v3;
	s17 =	spop (v2sf);
	(v2sf) =	vpush v1, $0xD  }
0x17f: {  	vm2 =	veq.f32 v61, v2;
	vm3 =	vlt.s32 v6, v3;
	s18 =	spop (v2sf);
	(v2sf) =	vpush v0, $0xE  }
0x180: {  	vm2 =	vmand vm2, vm3;
	vm3 =	vgt.f32 v61, v2;
	s15 =	spop (v2sf);
	(v2sf) =	vpush v1, $0xE  }
0x181: {  	vm2 =	vmor vm3, vm2;
	(v2sf) =	vpush v0, $0xF;
	s16 =	spop (v2sf)  }
0x182: {  	v5 =	vsel vm2, v61, v2;
	(v2sf) =	vpush v1, $0xF;
	s13 =	spop (v2sf)  }
0x183: {  	v62 =	vsel vm2, v6, v3;
	s14 =	spop (v2sf);
	(v2sf) =	vpush v5, $0x0  }
0x184: {  	s19 =	spop (v2sf);
	(v2sf) =	vpush v62, $0x0  }
0x185: {  	s21 =	spop (v2sf);
	(v2sf) =	vpush v5, $0x1  }
0x186: {  	s10 =	spop (v2sf);
	(v2sf) =	vpush v62, $0x1  }
0x187: {  	s29 =	spop (v2sf)  }
0x188: {  	s8 =	spop (v2sf)  }
0x189: {  	s22 =	spop (v2sf)  }
0x18a: {  	s9 =	spop (v2sf)  }
0x18b: {  	(v2sf) =	vpush v5, $0x2;
	s28 =	spop (v2sf)  }
0x18c: {  	(v2sf) =	vpush v62, $0x2;
	s11 =	spop (v2sf)  }
0x18d: {  	s30 =	spop (v2sf)  }
0x18e: {  	[dreg:$0x1d] =	wrdreg s22;
	s22 =	spop (v2sf)  }
0x18f: {  	p0 =	seq.f32 s3, s26;
	s31 =	spop (v2sf)  }
0x190: {  	p3 =	sgt.f32 s3, s26;
	s2 =	spop (v2sf)  }
0x191: {  	[dreg:$0x1a] =	wrdreg s31;
	s31 =	spop (v2sf);
	(v2sf) =	vpush v5, $0x3  }
0x192: {  	[dreg:$0x1b] =	wrdreg s30;
	s30 =	spop (v2sf);
	(v2sf) =	vpush v62, $0x3  }
0x193: {  	p1 =	slt.s32 s5, s0;
	[dreg:$0x1c] =	wrdreg s28;
	s28 =	spop (v2sf)  }
0x194: {  	p0 =	por !p0, !p1;
	[dreg:$0x19] =	wrdreg s2;
	s1 =	spop (v2sf)  }
0x195: {  	p0 =	por !p0, !p0;
	p2 =	seq.f32 s1, s30;
	s2 =	spop (v2sf)  }
0x196: {  	p0 =	por p3, p0;
	p6 =	slt.s32 s2, s28  }
0x197: {  	s0 =	smov.u32 @p0 s5;
	p4 =	sgt.f32 s1, s30;
	p1 =	por !p2, !p6  }
0x198: {  	s26 =	smov.u32 @p0 s3;
	(v2sf) =	vpush v5, $0x4;
	p2 =	slt.s32 s6, s0;
	p1 =	por !p1, !p1  }
0x199: {  	(v2sf) =	vpush v62, $0x4;
	p0 =	por p4, p1;
	p1 =	seq.f32 s25, s26;
	p4 =	sgt.f32 s25, s26  }
0x19a: {  	s30 =	smov.u32 @p0 s1;
	s28 =	smov.u32 @p0 s2;
	s1 =	spop (v2sf)  }
0x19b: {  	p3 =	seq.f32 s1, s30;
	s2 =	spop (v2sf);
	p0 =	por !p1, !p2  }
0x19c: {  	p5 =	slt.s32 s2, s28;
	p0 =	por !p0, !p0  }
0x19d: {  	p6 =	sgt.f32 s1, s30;
	p1 =	por !p3, !p5;
	p0 =	por p4, p0  }
0x19e: {  	(v2sf) =	vpush v5, $0x5;
	p1 =	por !p1, !p1;
	s26 =	smov.u32 @p0 s25  }
0x19f: {  	(v2sf) =	vpush v62, $0x5;
	s0 =	smov.u32 @p0 s6;
	p0 =	por p6, p1;
	p1 =	seq.f32 s4, s26  }
0x1a0: {  	p2 =	slt.s32 s7, s0;
	s30 =	smov.u32 @p0 s1;
	s1 =	spop (v2sf)  }
0x1a1: {  	s28 =	smov.u32 @p0 s2;
	p3 =	seq.f32 s1, s30;
	s2 =	spop (v2sf)  }
0x1a2: {  	p4 =	sgt.f32 s4, s26;
	p0 =	por !p1, !p2;
	p5 =	slt.s32 s2, s28  }
0x1a3: {  	p6 =	sgt.f32 s1, s30;
	p0 =	por !p0, !p0;
	p1 =	por !p3, !p5  }
0x1a4: {  	p0 =	por p4, p0;
	p1 =	por !p1, !p1  }
0x1a5: {  	(v2sf) =	vpush v5, $0x6;
	s26 =	smov.u32 @p0 s4;
	s0 =	smov.u32 @p0 s7;
	p0 =	por p6, p1  }
0x1a6: {  	(v2sf) =	vpush v62, $0x6;
	p1 =	seq.f32 s23, s26;
	p2 =	slt.s32 s24, s0;
	p4 =	sgt.f32 s23, s26  }
0x1a7: {  	s30 =	smov.u32 @p0 s1;
	s28 =	smov.u32 @p0 s2;
	s1 =	spop (v2sf)  }
0x1a8: {  	p3 =	seq.f32 s1, s30;
	s2 =	spop (v2sf);
	p0 =	por !p1, !p2  }
0x1a9: {  	p5 =	slt.s32 s2, s28;
	p0 =	por !p0, !p0  }
0x1aa: {  	p6 =	sgt.f32 s1, s30;
	p1 =	por !p3, !p5;
	p0 =	por p4, p0  }
0x1ab: {  	(v2sf) =	vpush v5, $0x7;
	p1 =	por !p1, !p1;
	s26 =	smov.u32 @p0 s23  }
0x1ac: {  	(v2sf) =	vpush v62, $0x7;
	s0 =	smov.u32 @p0 s24;
	p0 =	por p6, p1;
	p1 =	seq.f32 s20, s26  }
0x1ad: {  	p2 =	slt.s32 s12, s0;
	s30 =	smov.u32 @p0 s1;
	s1 =	spop (v2sf)  }
0x1ae: {  	s28 =	smov.u32 @p0 s2;
	p3 =	seq.f32 s1, s30;
	s2 =	spop (v2sf)  }
0x1af: {  	p6 =	sgt.f32 s20, s26;
	p0 =	por !p1, !p2;
	p4 =	slt.s32 s2, s28  }
0x1b0: {  	p5 =	sgt.f32 s1, s30;
	p0 =	por !p0, !p0;
	p1 =	por !p3, !p4  }
0x1b1: {  	(v2sf) =	vpush v5, $0x8;
	p0 =	por p6, p0;
	p1 =	por !p1, !p1  }
0x1b2: {  	s26 =	smov.u32 @p0 s20;
	s0 =	smov.u32 @p0 s12;
	p0 =	por p5, p1  }
0x1b3: {  	p6 =	seq.f32 s17, s26;
	p2 =	slt.s32 s18, s0;
	p4 =	sgt.f32 s17, s26  }
0x1b4: {  	s30 =	smov.u32 @p0 s1;
	s28 =	smov.u32 @p0 s2;
	s1 =	spop (v2sf);
	(v2sf) =	vpush v62, $0x8  }
0x1b5: {  	s2 =	spop (v2sf);
	p3 =	seq.f32 s1, s30;
	p0 =	por !p6, !p2  }
0x1b6: {  	p5 =	slt.s32 s2, s28;
	p0 =	por !p0, !p0  }
0x1b7: {  	p6 =	sgt.f32 s1, s30;
	p1 =	por !p3, !p5;
	p0 =	por p4, p0  }
0x1b8: {  	p1 =	por !p1, !p1;
	s26 =	smov.u32 @p0 s17  }
0x1b9: {  	(v2sf) =	vpush v5, $0x9;
	s0 =	smov.u32 @p0 s18;
	p0 =	por p6, p1;
	p5 =	seq.f32 s15, s26  }
0x1ba: {  	p2 =	slt.s32 s16, s0;
	s30 =	smov.u32 @p0 s1;
	s1 =	spop (v2sf);
	(v2sf) =	vpush v62, $0x9  }
0x1bb: {  	s28 =	smov.u32 @p0 s2;
	s2 =	spop (v2sf);
	p3 =	seq.f32 s1, s30  }
0x1bc: {  	p6 =	sgt.f32 s15, s26;
	p0 =	por !p5, !p2;
	p4 =	slt.s32 s2, s28  }
0x1bd: {  	p5 =	sgt.f32 s1, s30;
	p0 =	por !p0, !p0;
	p1 =	por !p3, !p4  }
0x1be: {  	p0 =	por p6, p0;
	p1 =	por !p1, !p1  }
0x1bf: {  	(v2sf) =	vpush v5, $0xA;
	s26 =	smov.u32 @p0 s15;
	s0 =	smov.u32 @p0 s16;
	p0 =	por p5, p1  }
0x1c0: {  	p6 =	seq.f32 s13, s26;
	s30 =	smov.u32 @p0 s1;
	s1 =	spop (v2sf);
	(v2sf) =	vpush v62, $0xA  }
0x1c1: {  	p2 =	slt.s32 s14, s0  }
0x1c2: {  	p4 =	sgt.f32 s13, s26;
	s28 =	smov.u32 @p0 s2;
	p0 =	por !p6, !p2  }
0x1c3: {  	p3 =	seq.f32 s1, s30;
	p0 =	por !p0, !p0;
	s2 =	spop (v2sf)  }
0x1c4: {  	p0 =	por p4, p0;
	p5 =	slt.s32 s2, s28  }
0x1c5: {  	p6 =	sgt.f32 s1, s30;
	(v2sf) =	vpush v5, $0xB;
	s26 =	smov.u32 @p0 s13;
	p1 =	por !p3, !p5  }
0x1c6: {  	s0 =	smov.u32 @p0 s14;
	p5 =	seq.f32 s19, s26;
	p1 =	por !p1, !p1  }
0x1c7: {  	p2 =	slt.s32 s21, s0;
	p0 =	por p6, p1;
	p6 =	sgt.f32 s19, s26  }
0x1c8: {  	s30 =	smov.u32 @p0 s1;
	s28 =	smov.u32 @p0 s2;
	s1 =	spop (v2sf);
	(v2sf) =	vpush v62, $0xB  }
0x1c9: {  	p0 =	por !p5, !p2;
	s2 =	spop (v2sf);
	p3 =	seq.f32 s1, s30  }
0x1ca: {  	p0 =	por !p0, !p0;
	p4 =	slt.s32 s2, s28  }
0x1cb: {  	p5 =	sgt.f32 s1, s30;
	p0 =	por p6, p0;
	p1 =	por !p3, !p4  }
0x1cc: {  	s26 =	smov.u32 @p0 s19;
	p1 =	por !p1, !p1  }
0x1cd: {  	(v2sf) =	vpush v5, $0xC;
	s0 =	smov.u32 @p0 s21;
	p6 =	seq.f32 s10, s26;
	p0 =	por p5, p1  }
0x1ce: {  	p2 =	slt.s32 s29, s0;
	s30 =	smov.u32 @p0 s1;
	s1 =	spop (v2sf);
	(v2sf) =	vpush v62, $0xC  }
0x1cf: {  	s28 =	smov.u32 @p0 s2;
	s2 =	spop (v2sf);
	p3 =	seq.f32 s1, s30  }
0x1d0: {  	p4 =	sgt.f32 s10, s26;
	p0 =	por !p6, !p2;
	p5 =	slt.s32 s2, s28  }
0x1d1: {  	p0 =	por !p0, !p0;
	p6 =	sgt.f32 s1, s30;
	p1 =	por !p3, !p5  }
0x1d2: {  	p0 =	por p4, p0;
	p1 =	por !p1, !p1  }
0x1d3: {  	(v2sf) =	vpush v5, $0xD;
	s26 =	smov.u32 @p0 s10;
	s0 =	smov.u32 @p0 s29;
	p0 =	por p6, p1  }
0x1d4: {  	s30 =	smov.u32 @p0 s1;
	s1 =	spop (v2sf);
	(v2sf) =	vpush v62, $0xD  }
0x1d5: {  	s3 =	rddreg [dreg:$0x1d];
	p5 =	seq.f32 s8, s26  }
0x1d6: {  	p2 =	slt.s32 s3, s0;
	p6 =	sgt.f32 s8, s26;
	s28 =	smov.u32 @p0 s2  }
0x1d7: {  	p0 =	por !p5, !p2;
	p3 =	seq.f32 s1, s30;
	s2 =	spop (v2sf)  }
0x1d8: {  	p0 =	por !p0, !p0;
	p4 =	slt.s32 s2, s28  }
0x1d9: {  	p5 =	sgt.f32 s1, s30;
	p0 =	por p6, p0;
	p1 =	por !p3, !p4  }
0x1da: {  	s26 =	smov.u32 @p0 s8;
	s0 =	smov.u32 @p0 s3;
	p1 =	por !p1, !p1  }
0x1db: {  	s3 =	rddreg [dreg:$0x1c];
	p6 =	seq.f32 s9, s26;
	p0 =	por p5, p1  }
0x1dc: {  	(v2sf) =	vpush v5, $0xE;
	p2 =	slt.s32 s3, s0;
	s30 =	smov.u32 @p0 s1;
	s1 =	spop (v2sf)  }
0x1dd: {  	s28 =	smov.u32 @p0 s2;
	(v2sf) =	vpush v62, $0xE;
	s2 =	spop (v2sf);
	p3 =	seq.f32 s1, s30  }
0x1de: {  	p4 =	sgt.f32 s9, s26;
	p0 =	por !p6, !p2;
	p5 =	slt.s32 s2, s28  }
0x1df: {  	p0 =	por !p0, !p0;
	p6 =	sgt.f32 s1, s30;
	p1 =	por !p3, !p5  }
0x1e0: {  	p0 =	por p4, p0;
	p1 =	por !p1, !p1  }
0x1e1: {  	(v2sf) =	vpush v5, $0xF;
	s26 =	smov.u32 @p0 s9;
	s0 =	smov.u32 @p0 s3;
	p1 =	por p6, p1  }
0x1e2: {  	s3 =	rddreg [dreg:$0x1b];
	s30 =	smov.u32 @p1 s1;
	s1 =	spop (v2sf)  }
0x1e3: {  	p5 =	seq.f32 s11, s26;
	s28 =	smov.u32 @p1 s2;
	s2 =	spop (v2sf);
	(v2sf) =	vpush v62, $0xF  }
0x1e4: {  	p6 =	slt.s32 s3, s0  }
0x1e5: {  	p3 =	sgt.f32 s11, s26;
	p0 =	por !p5, !p6;
	p4 =	seq.f32 s1, s30  }
0x1e6: {  	s25 =	rddreg [dreg:$0x19];
	p0 =	por !p0, !p0;
	p5 =	slt.s32 s2, s28  }
0x1e7: {  	p6 =	sgt.f32 s1, s30;
	p0 =	por p3, p0;
	p2 =	por !p4, !p5  }
0x1e8: {  	s26 =	smov.u32 @p0 s11;
	s0 =	smov.u32 @p0 s3;
	p2 =	por !p2, !p2  }
0x1e9: {  	s3 =	rddreg [dreg:$0x1a];
	p4 =	seq.f32 s22, s26;
	p1 =	por p6, p2  }
0x1ea: {  	p5 =	slt.s32 s3, s0;
	p6 =	sgt.f32 s22, s26;
	s30 =	smov.u32 @p1 s1  }
0x1eb: {  	s1 =	spop (v2sf);
	p0 =	por !p4, !p5;
	s28 =	smov.u32 @p1 s2  }
0x1ec: {  	p0 =	por !p0, !p0;
	p4 =	seq.f32 s1, s30;
	s2 =	spop (v2sf)  }
0x1ed: {  	p2 =	por p6, p0;
	p6 =	sgt.f32 s1, s30;
	p5 =	slt.s32 s2, s28  }
0x1ee: {  	s26 =	smov.u32 @p2 s22;
	s0 =	smov.u32 @p2 s3;
	p1 =	por !p4, !p5  }
0x1ef: {  	p0 =	sgt.f32 s25, s26;
	p2 =	slt.s32 s31, s0;
	p1 =	por !p1, !p1  }
0x1f0: {  	p4 =	seq.f32 s25, s26;
	s26 =	spop (v2sf);
	p1 =	por p6, p1  }
0x1f1: {  	s30 =	smov.u32 @p1 s1;
	s1 =	smov.u32 s0;
	s28 =	smov.u32 @p1 s2  }
0x1f2: {  	s1 =	smov.u32 @p2 s31;
	p2 =	seq.f32 s26, s30;
	s2 =	spop (v2sf)  }
0x1f3: {  	s0 =	smov.u32 @p4 s1;
	s1 =	smov.u32 s28;
	p3 =	slt.s32 s2, s28  }
0x1f4: {  	p1 =	sgt.f32 s26, s30;
	s0 =	smov.u32 @p0 s31;
	s1 =	smov.u32 @p3 s2  }
0x1f5: {  	v63 =	vmov s0;
	s28 =	smov.u32 @p2 s1  }
0x1f6: {  	v0 =	vnsel vm0, $0x0, v63;
	s28 =	smov.u32 @p1 s2  }
0x1f7: {  	s17 =	simm.s32 $0x0;
	v0 =	vsel vm1, s28, v0  }
0x1f8: {  	s16 =	simm.s32 $0x3;
	s29 =	simm.s32 $0x19D00;
	s28 =	rddreg [dreg:$0x15];
	[tilespmem:$0x19D00] =	vst v0  }
0x1f9: {  	[hbm4b:s28+s17] =	stream.linear.scatter [tilespmem:s29], [sflag:$0x3], $0x10, $0x38;
	[tilespmem:$0x19E80] =	vst v63  }
0x1fa: {  	_ =	swait.ge [sflag:s16], $0x10  }
0x1fb: {  	s30 =	rddreg [dreg:$0x18]  }
0x1fc: {  	s31 =	rddreg [dreg:$0x17];
	s1 =	sadd.s32 $0x1, s30  }
0x1fd: {  	p0 =	sne.s32 s1, s31  }
.Ltmp5:
0x1fe: {  	_ = 	snop;
	(pc) =	sbr.rel @p0 .LBB2_1-.Ltmp5, $3  }
0x1ff: {  	_ =	sdelay $0x1  }
0x200: {  	s12 =	simm.s32 $0x1;
	[sflag:s16] =	ssyncset.done $0x0  }
0x201: {  	s14 =	simm.s32 $0x2;
	s10 =	simm.s32 $0xCC00;
	[sflag:s16] =	ssyncadd.s32 $0xFFFFFFF0  }
0x202: {  	_ =	sfence.sel $0x180000  }
0x203: {  	[bflag:$0x0] =	sbarrier.arrive $0xFFFF  }
0x204: {  	_ =	strace $0x90000047  }
0x205: {  	s0 =	stileid.u32;
	[bflag:$0x2] =	sbarrier.arrive $0xFFFF  }
0x206: {  	p0 =	sne.s32 s0, $0x0;
	s0 =	rddreg [dreg:$0x4]  }
0x207: {  	s0 =	sadd.s32 @!p0 $0x100000, s0  }
0x208: {  	[sflag:s0] =	ssyncadd.tile.s32 @!p0 $0x1;
	_ =	shalt  }
.Lfunc_end2:
_tile_overlayer_lowered:
.L_overlay_start_2:
0x209: {  	(tag) =	ssettag $0x2  }
0x20a: {  	s0 =	rddreg [dreg:$0x0];
	s2 =	stileid.u32  }
0x20b: {  	s1 =	rddreg [dreg:$0x1];
	p0 =	sne.s32 s2, $0x0  }
0x20c: {  	s3 =	rddreg [dreg:$0x2];
	[bflag:$0x3] =	sbarrier.arrive $0xFFFF;
	s2 =	simm.s32 @!p0 $0x1C03  }
0x20d: {  	[timem:s3], [sflag:s2] =	dma.local @!p0 [hbm:s0], s1  }
0x20e: {  	s0 =	simm.s32 @!p0 $0x3  }
0x20f: {  	_ =	swait.ge @!p0 [sflag:s0], s1  }
0x210: {  	s1 =	ssub.s32 @!p0 $0x0, s1;
	[sflag:s0] =	ssyncset.done @!p0 $0x0  }
0x211: {  	[sflag:s0] =	ssyncadd.s32 @!p0 s1  }
0x212: {  	[bflag:$0x3] =	sbarrier.arrive $0xFFFF  }
0x213: {  	_ =	shalt  }

// kernel: kernel.7.cloned.1.call-start
scs
__scs_entry_jumppad:
0x0: {  	(pc) =	sbr.rel $0x88, $3  }
0x1: {  	(tag) =	ssettag $0x0;
	lr =	simm.s32 $0x1  }
0x2: {  	[smem:$0x3F9F] =	sst lr;
	_ =	strace $0xD0000000  }
0x3: {  	_ = 	snop  }
0x4: {  	_ = 	snop  }
0x5: {  	_ = 	snop  }
0x6: {  	_ = 	snop  }
0x7: {  	_ = 	snop  }
__scs_overlays_trampoline_lowered:
0x8: {  	[smem:$0x3FAE] =	sst s0  }
0x9: {  	[smem:$0x3FAF] =	sst s1  }
0xa: {  	[smem:$0x3FB0] =	sst s2  }
0xb: {  	[smem:$0x3FB1] =	sst s3  }
0xc: {  	[smem:$0x3FB2] =	sst s4  }
0xd: {  	[smem:$0x3FB3] =	sst s5  }
0xe: {  	[smem:$0x3FB4] =	sst s6  }
0xf: {  	[smem:$0x3FB5] =	sst s7  }
0x10: {  	[smem:$0x3FB6] =	sst s8  }
0x11: {  	[smem:$0x3FB7] =	sst s9;
	s0 =	simm.s32 @!p0 $0x0  }
0x12: {  	s1 =	sld [smem:$0x3F9D];
	s0 =	simm.s32 @p0 $0x1  }
0x13: {  	[smem:$0x3FB8] =	sst s0;
	s0 =	simm.s32 @!p1 $0x0  }
0x14: {  	s2 =	sld [smem:$0x3F9C];
	s0 =	simm.s32 @p1 $0x1  }
0x15: {  	[smem:$0x3FB9] =	sst s0;
	s0 =	simm.s32 @!p2 $0x0  }
0x16: {  	s3 =	sld [smem:$0x3FDB];
	s0 =	simm.s32 @p2 $0x1  }
0x17: {  	s4 =	simm.s32 $0x1BF5;
	[smem:$0x3FBB] =	sst s0  }
0x18: {  	s0 =	sld [smem:$0x3F9E];
	_ =	swait.ge [sflag:s4], $0x0  }
0x19: {  	s7 =	sld [smem:$0x3F9F]  }
0x1a: {  	s8 =	sadd.s32 $0xFFFFE003, lr  }
0x1b: {  	s9 =	sadd.s32 $0xFFFFFEF7, lr;
	s5 =	simm.s32 $0xFFFFFFFF;
	p2 =	slt.u32 s8, $0xFFFFF086  }
0x1c: {  	p1 =	slt.u32 s9, $0xF7A;
	s5 =	simm.s32 @!p2 $0x0  }
0x1d: {  	s5 =	simm.s32 @p1 $0x1;
	p0 =	seq.s32 s7, s2  }
0x1e: {  	s7 =	smul.u32 @!p0 $0xF7A, s2;
	p2 =	seq.s32 @!p0 s5, $0x0  }
0x1f: {  	s9 =	smul.u32 $0xF7A, s1;
	s8 =	simm.s32 @!p0 $0x1BF5;
	p2 =	por !p2, p0  }
0x20: {  	[sflag:s8] =	ssyncset.s32 @!p0 $0xFFFFF086;
	s6 =	sadd.s32 @!p0 s3, s7;
	s7 =	simm.s32 @!p0 $0x108  }
0x21: {  	s3 =	sadd.s32 s3, s9;
	s6 =	sadd.s32 @!p0 $0x88, s6;
	s7 =	simm.s32 @p2 $0x1082  }
0x22: {  	[simem:s7], [sflag:s8] =	dma.local @!p0 [hbm:s6], $0xF7A  }
0x23: {  	s9 =	sor.u32 $0xD0000000, s2;
	s6 =	simm.s32 $0x108;
	_ =	swait.ge @!p0 [sflag:s8], $0x0  }
0x24: {  	s3 =	sadd.s32 $0x88, s3;
	s6 =	simm.s32 @!p1 $0x1082;
	[sflag:s4] =	ssyncset.s32 $0xFFFFF086  }
0x25: {  	[simem:s6], [sflag:s4] =	dma.local [hbm:s3], $0xF7A  }
0x26: {  	[smem:$0x3F9F] =	sst s1;
	(tag) =	ssettag s2;
	_ =	strace s9  }
0x27: {  	s1 =	sld [smem:$0x3FAF]  }
0x28: {  	s2 =	sld [smem:$0x3FB0]  }
0x29: {  	s4 =	sld [smem:$0x3FB2]  }
0x2a: {  	p0 =	seq.s32 s5, $0x0;
	s5 =	sld [smem:$0x3FB3]  }
0x2b: {  	s6 =	sld [smem:$0x3FB4]  }
0x2c: {  	s7 =	sld [smem:$0x3FB5]  }
0x2d: {  	s3 =	simm.s32 $0x108;
	s8 =	sld [smem:$0x3FB6]  }
0x2e: {  	s3 =	simm.s32 @!p0 $0x1082;
	s9 =	sld [smem:$0x3FB7]  }
0x2f: {  	lr =	sadd.s32 s0, s3;
	s0 =	sld [smem:$0x3FAE]  }
0x30: {  	s3 =	sld [smem:$0x3FB1]  }
0x31: {  	[smem:$0x3FBA] =	sst s10  }
0x32: {  	s10 =	sld [smem:$0x3FB8];
	_ =	sdelay $0x3  }
0x33: {  	p0 =	seq.s32 s10, $0x1;
	s10 =	sld [smem:$0x3FBA];
	_ =	sdelay $0x3  }
0x34: {  	[smem:$0x3FBA] =	sst s10  }
0x35: {  	s10 =	sld [smem:$0x3FB9];
	_ =	sdelay $0x3  }
0x36: {  	p1 =	seq.s32 s10, $0x1;
	s10 =	sld [smem:$0x3FBA];
	_ =	sdelay $0x3  }
0x37: {  	[smem:$0x3FBA] =	sst s10  }
0x38: {  	s10 =	sld [smem:$0x3FBB]  }
0x39: {  	_ = 	snop;
	(pc) =	sbr.ind lr, $3  }
0x3a: {  	_ = 	snop  }
0x3b: {  	_ = 	snop  }
0x3c: {  	p2 =	seq.s32 s10, $0x1;
	s10 =	sld [smem:$0x3FBA]  }
0x3d: {  	_ =	shalt  }
0x3e: {  	_ =	shalt  }
0x3f: {  	_ =	shalt  }
0x40: {  	_ =	shalt  }
0x41: {  	_ =	shalt  }
0x42: {  	_ =	shalt  }
0x43: {  	_ =	shalt  }
0x44: {  	_ =	shalt  }
0x45: {  	_ =	shalt  }
0x46: {  	_ =	shalt  }
0x47: {  	_ =	shalt  }
0x48: {  	_ =	shalt  }
0x49: {  	_ =	shalt  }
0x4a: {  	_ =	shalt  }
0x4b: {  	_ =	shalt  }
0x4c: {  	_ =	shalt  }
0x4d: {  	_ =	shalt  }
0x4e: {  	_ =	shalt  }
0x4f: {  	_ =	shalt  }
0x50: {  	_ =	shalt  }
0x51: {  	_ =	shalt  }
0x52: {  	_ =	shalt  }
0x53: {  	_ =	shalt  }
0x54: {  	_ =	shalt  }
0x55: {  	_ =	shalt  }
0x56: {  	_ =	shalt  }
0x57: {  	_ =	shalt  }
0x58: {  	_ =	shalt  }
0x59: {  	_ =	shalt  }
0x5a: {  	_ =	shalt  }
0x5b: {  	_ =	shalt  }
0x5c: {  	_ =	shalt  }
0x5d: {  	_ =	shalt  }
0x5e: {  	_ =	shalt  }
0x5f: {  	_ =	shalt  }
0x60: {  	_ =	shalt  }
0x61: {  	_ =	shalt  }
0x62: {  	_ =	shalt  }
0x63: {  	_ =	shalt  }
0x64: {  	_ =	shalt  }
0x65: {  	_ =	shalt  }
0x66: {  	_ =	shalt  }
0x67: {  	_ =	shalt  }
0x68: {  	_ =	shalt  }
0x69: {  	_ =	shalt  }
0x6a: {  	_ =	shalt  }
0x6b: {  	_ =	shalt  }
0x6c: {  	_ =	shalt  }
0x6d: {  	_ =	shalt  }
0x6e: {  	_ =	shalt  }
0x6f: {  	_ =	shalt  }
0x70: {  	_ =	shalt  }
0x71: {  	_ =	shalt  }
0x72: {  	_ =	shalt  }
0x73: {  	_ =	shalt  }
0x74: {  	_ =	shalt  }
0x75: {  	_ =	shalt  }
0x76: {  	_ =	shalt  }
0x77: {  	_ =	shalt  }
0x78: {  	_ =	shalt  }
0x79: {  	_ =	shalt  }
0x7a: {  	_ =	shalt  }
0x7b: {  	_ =	shalt  }
0x7c: {  	_ =	shalt  }
0x7d: {  	_ =	shalt  }
0x7e: {  	_ =	shalt  }
0x7f: {  	_ =	shalt  }
0x80: {  	_ =	shalt  }
0x81: {  	_ =	shalt  }
0x82: {  	_ =	shalt  }
0x83: {  	_ =	shalt  }
0x84: {  	_ =	shalt  }
0x85: {  	_ =	shalt  }
0x86: {  	_ =	shalt  }
0x87: {  	_ =	shalt  }
.Lfunc_end0:
.L_simem_size_0:
called_computation.1_lowered:
.L_overlay_start_0:
0x88: {  	s2 =	sld [smem:$0x3FD9]  }
0x89: {  	s3 =	sld [smem:$0x3FFE];
	_ =	sdelay $0x1  }
0x8a: {  	s1 =	srdreg.scid  }
0x8b: {  	s0 =	sand.u32 $0x1, s1  }
0x8c: {  	s17 =	sshll.u32 s0, $0xA;
	s2 =	sadd.s32 s3, s2  }
0x8d: {  	s2 =	sadd.s32 s2, s17  }
0x8e: {  	[smem:$0x3FC6] =	sst s2  }
0x8f: {  	_ = 	snop  }
0x90: {  	s2 =	sld [smem:$0x3FC9]  }
0x91: {  	s18 =	sld [smem:$0x3FD0];
	(tm) =	ssettm $0x1  }
0x92: {  	s4 =	sld [smem:$0x3FFB];
	_ =	sdelay $0x3  }
0x93: {  	_ =	strace s4  }
0x94: {  	s4 =	sld [smem:$0x3FFC];
	_ =	sdelay $0x3  }
0x95: {  	_ =	strace s4  }
0x96: {  	s4 =	sld [smem:$0x3FFD];
	_ =	sdelay $0x3  }
0x97: {  	_ =	strace s4  }
0x98: {  	_ =	strace $0x8FFFFFFF  }
0x99: {  	s19 =	sld [smem:$0x3FDB];
	_ =	sdelay $0x1  }
0x9a: {  	s5 =	simm.s32 $_scs_section_size  }
0x9b: {  	s6 =	simm.s32 $_size__tile_overlayer_lowered;
	s7 =	simm.s32 $_tile_overlayer_lowered  }
0x9c: {  	s22 =	simm.s32 $0x1BFF;
	s21 =	sshll.u32 s7, $0x1;
	s4 =	sadd.s32 s5, s19  }
0x9d: {  	s8 =	simm.s32 $0x0;
	s20 =	sshll.u32 s6, $0x1;
	s6 =	sadd.s32 s21, s4  }
0x9e: {  	[timem:s8], [sflag:s22] =	dma.local [hbm:s6], s20  }
0x9f: {  	_ =	swait.ge [sflag:s22], s20  }
0xa0: {  	s5 =	ssub.s32 $0x0, s20;
	[sflag:s22] =	ssyncset.done $0x0  }
0xa1: {  	[sflag:s22] =	ssyncadd.s32 s5;
	_ =	sdelay $0x1  }
0xa2: {  	s23 =	simm.s32 $0x1B8B  }
0xa3: {  	_ =	swait.ge [sflag:s23], $0x1  }
0xa4: {  	[sflag:s23] =	ssyncset.done $0x0  }
0xa5: {  	s25 =	simm.s32 $0x1B8E;
	s24 =	sld [smem:$0x3FFE];
	[sflag:s23] =	ssyncadd.s32 $0xFFFFFFFF  }
0xa6: {  	s26 =	simm.s32 $execute0_lowered;
	[smem:$0x3FD2] =	sst s25  }
0xa7: {  	s6 =	sshll.u32 s26, $0x1;
	_ =	strace $0x80000049;
	[dreg:$0x1] =	wrdreg $0xFFFFFFFF  }
0xa8: {  	s28 =	simm.s32 $_size_execute0_lowered;
	s4 =	sadd.s32 s4, s6;
	[dreg:$0x0] =	wrdreg $0x0  }
0xa9: {  	s6 =	sshll.u32 s28, $0x1;
	[dreg:$0x2] =	wrdreg s4  }
0xaa: {  	[dreg:$0x3] =	wrdreg s6  }
0xab: {  	[dreg:$0x4] =	wrdreg $0xC0  }
0xac: {  	_ =	task [dreg:s8], $0x5FFFF  }
0xad: {  	[dreg:$0x1] =	wrdreg $0xFFFFFFFF  }
0xae: {  	[dreg:$0x0] =	wrdreg $0x60  }
0xaf: {  	[dreg:$0x2] =	wrdreg s2  }
0xb0: {  	[dreg:$0x3] =	wrdreg s18  }
0xb1: {  	[dreg:$0x4] =	wrdreg s24  }
0xb2: {  	[dreg:$0x5] =	wrdreg $0x9  }
0xb3: {  	_ =	task.clear_ibuf [dreg:s8], $0x6FFFF;
	_ =	strace $0x90000049  }
0xb4: {  	s29 =	simm.s32 $0x9;
	_ =	strace $0x8000004B  }
0xb5: {  	_ =	swait.ge [sflag:s29], $0x1  }
0xb6: {  	[sflag:s29] =	ssyncadd.s32 $0xFFFFFFFF  }
0xb7: {  	_ =	strace $0x9000004B  }
0xb8: {  	_ =	sfence  }
0xb9: {  	s30 =	sld [smem:$0x0];
	_ =	sdelay $0x2  }
0xba: {  	s31 =	sshll.u32 s1, $0xD;
	s1 =	sshrl.u32 s1, $0x2  }
0xbb: {  	s3 =	sand.u32 $0x4000, s31;
	s1 =	sadd.s32 s1, s30  }
0xbc: {  	s0 =	sor.u32 s3, s0;
	s1 =	sshll.u32 s1, $0x11  }
0xbd: {  	s0 =	sor.u32 s1, s0  }
0xbe: {  	s0 =	sadd.s32 $0x8F2B, s0  }
0xbf: {  	[sflag:s0] =	ssyncadd.remote.s32 $0x1  }
0xc0: {  	_ =	sfence.sel $0xFFFF  }
0xc1: {  	[dreg:$0x0] =	wrdreg $0xFFFFFFFF;
	(pc) =	sbr.abs _section_cstart, $3  }
0xc2: {  	[dreg:$0x1] =	wrdreg $0xFFFFFFFF  }
0xc3: {  	_ =	task.clear_ibuf [dreg:s8], $0x2FFFF;
	_ =	strace $0x9FFFFFFF  }
0xc4: {  	(tm) =	ssettm $0x7FFFFFFF  }
0xc5: {  	_ =	shalt  }
tec
execute0_lowered:
.L_overlay_start_1:
0x0: {  	(tag) =	ssettag $0x1  }
0x1: {  	s0 =	rddreg [dreg:$0x1];
	s1 =	srdreg.scid  }
0x2: {  	[dreg:$0x4] =	wrdreg s0;
	s0 =	stileid.u32  }
0x3: {  	s5 =	sand.u32 $0x1, s1;
	s6 =	sshll.u32 s0, $0x1  }
0x4: {  	s6 =	sor.u32 s5, s6;
	s5 =	ssub.s32 $0x2, s5  }
0x5: {  	s3 =	rddreg [dreg:$0x0];
	s31 =	sshrl.u32 s5, $0x1  }
0x6: {  	s4 =	rddreg [dreg:$0x2];
	s5 =	ssub.s32 s5, s31  }
0x7: {  	s2 =	simm.s32 $0x0;
	s8 =	simm.s32 $0x400;
	s11 =	smax.u32 s5, $0x1  }
0x8: {  	s10 =	simm.s32 $0xC3800;
	s1 =	rddreg [dreg:$0x3];
	p1 =	sne.s32 s11, $0x1  }
.Ltmp0:
0x9: {  	p0 =	por $0x0, $0x0;
	[smem:$0x7FF] =	sst s2;
	(pc) =	sbr.rel @!p1 .LBB2_3-.Ltmp0, $4  }
0xa: {  	v0 =	vlaneseq.u32;
	_ =	strace $0x8000004A;
	s7 =	sshll.u32 s6, $0x4;
	s6 =	sshll.u32 s6, $0x6  }
0xb: {  	v3 =	vmul.u32 $0x80, v0;
	s4 =	sadd.s32 s7, s4;
	s6 =	sshrl.u32 s6, $0x2;
	s7 =	simm.s32 $0x2200  }
0xc: {  	s9 =	sadd.s32 $0xA00, s4;
	s4 =	sadd.s32 $0xA08, s4;
	s5 =	simm.s32 $0x1  }
0xd: {  	v2 =	vor.u32 $0x800, v3;
	v1 =	vor.u32 $0x1000, v3;
	v0 =	vor.u32 $0x1800, v3;
	[dreg:$0x5] =	wrdreg s6;
	s6 =	simm.s32 $0x200;
	s11 =	sadd.s32 $0xFFFFFFFF, s11  }
0xe: {  	s12 =	rddreg [dreg:$0x4]  }
0xf: {  	[tilespmem:s2], [sflag:$0x1] =	stream.linear.gather [hbm4b:s12+s2], $0x200, $0x38;
	[tilespmem:$0x2280] =	vst v63  }
0x10: {  	_ =	swait.ge [sflag:s5], $0x200  }
0x11: {  	[sflag:s5] =	ssyncset.done $0x0  }
0x12: {  	s23 =	rddreg [dreg:$0x5];
	[sflag:s5] =	ssyncadd.s32 $0xFFFFFE00  }
0x13: {  	v4 =	vld [tilespmem:s23+$0x0];
	_ =	sdelay $0x4  }
0x14: {  	(v2sf) =	vpush v4, $0x0;
	_ =	sdelay $0x8  }
0x15: {  	(v2sf) =	vpush v4, $0x1;
	_ =	sdelay $0x5  }
0x16: {  	s24 =	spop (v2sf)  }
0x17: {  	s13 =	sand.u32 $0x7F, s24  }
0x18: {  	s14 =	sshra.s32 s24, $0x1F;
	p0 =	slt.s32 s24, $0x1;
	p1 =	sne.s32 s13, $0x0  }
0x19: {  	s25 =	sshrl.u32 s14, $0x19;
	p0 =	por !p0, !p1  }
0x1a: {  	s14 =	simm.s32 $0x1;
	s13 =	sadd.s32 s25, s24;
	p0 =	por !p0, !p0  }
0x1b: {  	s13 =	sshrl.u32 s13, $0x7;
	s14 =	simm.s32 @!p0 $0x0  }
0x1c: {  	s13 =	ssub.s32 s13, s14  }
0x1d: {  	s13 =	sshll.u32 s13, $0x7  }
0x1e: {  	s12 =	ssub.s32 s24, s13;
	s13 =	sand.u32 $0x1FFFFF80, s13  }
0x1f: {  	s26 =	spop (v2sf);
	s13 =	sadd.s32 s3, s13;
	v4 =	vadd.s32 s12, v3  }
0x20: {  	[tilespmem:s6], [sflag:$0x1] =	stream.strided.gather [hbm4b:s13+s8], $0x2000, s10, s8, $0x38;
	[tilespmem:$0x2280] =	vst v63  }
0x21: {  	_ =	swait.ge [sflag:s5], $0x2000  }
0x22: {  	[sflag:s5] =	ssyncset.done $0x0  }
0x23: {  	[sflag:s5] =	ssyncadd.s32 $0xFFFFE000  }
0x24: {  	v4 =	vld.idx.msk [tilespmem:v4+s6+$0x0], $0xffff  }
0x25: {  	v5 =	vadd.s32 s12, v2;
	_ =	sdelay $0x3  }
0x26: {  	[tilespmem:$0x2200] =	vst v4  }
0x27: {  	v4 =	vld.idx.msk [tilespmem:v5+s6+$0x0], $0xffff  }
0x28: {  	v5 =	vadd.s32 s12, v1;
	_ =	sdelay $0x3  }
0x29: {  	[tilespmem:$0x2210] =	vst v4  }
0x2a: {  	v4 =	vld.idx.msk [tilespmem:v5+s6+$0x0], $0xffff  }
0x2b: {  	v5 =	vadd.s32 s12, v0;
	_ =	sdelay $0x3  }
0x2c: {  	[tilespmem:$0x2220] =	vst v4  }
0x2d: {  	s28 =	sand.u32 $0x7F, s26;
	v4 =	vld.idx.msk [tilespmem:v5+s6+$0x0], $0xffff  }
0x2e: {  	p5 =	slt.s32 s26, $0x1;
	s29 =	sshra.s32 s26, $0x1F;
	p6 =	sne.s32 s28, $0x0  }
0x2f: {  	s30 =	sshrl.u32 s29, $0x19;
	p0 =	por !p5, !p6  }
0x30: {  	p0 =	por !p0, !p0;
	s13 =	simm.s32 $0x1;
	s12 =	sadd.s32 s30, s26  }
0x31: {  	s13 =	simm.s32 @!p0 $0x0;
	s12 =	sshrl.u32 s12, $0x7  }
0x32: {  	s12 =	ssub.s32 s12, s13;
	[tilespmem:$0x2230] =	vst v4  }
0x33: {  	[hbm4b:s9+s2] =	stream.linear.scatter [tilespmem:s7], [sflag:$0x1], $0x40, $0x38;
	[tilespmem:$0x2280] =	vst v63  }
0x34: {  	s12 =	sshll.u32 s12, $0x7;
	_ =	swait.ge [sflag:s5], $0x40  }
0x35: {  	s31 =	ssub.s32 s26, s12;
	s12 =	sand.u32 $0x1FFFFF80, s12;
	[sflag:s5] =	ssyncset.done $0x0  }
0x36: {  	s12 =	sadd.s32 s3, s12;
	v4 =	vadd.s32 s31, v3;
	[sflag:s5] =	ssyncadd.s32 $0xFFFFFFC0  }
0x37: {  	[tilespmem:s6], [sflag:$0x1] =	stream.strided.gather [hbm4b:s12+s8], $0x2000, s10, s8, $0x38;
	[tilespmem:$0x2280] =	vst v63  }
0x38: {  	_ =	swait.ge [sflag:s5], $0x2000  }
0x39: {  	[sflag:s5] =	ssyncset.done $0x0  }
0x3a: {  	[sflag:s5] =	ssyncadd.s32 $0xFFFFE000  }
0x3b: {  	v4 =	vld.idx.msk [tilespmem:v4+s6+$0x0], $0xffff  }
0x3c: {  	v5 =	vadd.s32 s31, v2;
	_ =	sdelay $0x3  }
0x3d: {  	[tilespmem:$0x2200] =	vst v4  }
0x3e: {  	v4 =	vld.idx.msk [tilespmem:v5+s6+$0x0], $0xffff  }
0x3f: {  	v5 =	vadd.s32 s31, v1;
	_ =	sdelay $0x3  }
0x40: {  	[tilespmem:$0x2210] =	vst v4  }
0x41: {  	v4 =	vld.idx.msk [tilespmem:v5+s6+$0x0], $0xffff  }
0x42: {  	v5 =	vadd.s32 s31, v0;
	_ =	sdelay $0x3  }
0x43: {  	[tilespmem:$0x2220] =	vst v4  }
0x44: {  	p1 =	sne.s32 s11, $0x1;
	v4 =	vld.idx.msk [tilespmem:v5+s6+$0x0], $0xffff  }
.Ltmp1:
0x45: {  	_ = 	snop;
	(pc) =	sbr.rel @!p1 .LBB2_3-.Ltmp1, $2  }
0x46: {  	_ =	sdelay $0x2  }
0x47: {  	s11 =	sadd.s32 $0xFFFFFFFF, s11;
	p0 =	por $0x1, $0x1;
	[tilespmem:$0x2230] =	vst v4  }
.LBB2_2:
0x48: {  	[hbm4b:s4+s2] =	stream.linear.scatter [tilespmem:s7], [sflag:$0x1], $0x40, $0x38;
	[tilespmem:$0x2280] =	vst v63  }
0x49: {  	_ =	swait.ge [sflag:s5], $0x40  }
0x4a: {  	[sflag:s5] =	ssyncset.done $0x0  }
0x4b: {  	s12 =	rddreg [dreg:$0x4];
	[sflag:s5] =	ssyncadd.s32 $0xFFFFFFC0  }
0x4c: {  	[tilespmem:s2], [sflag:$0x1] =	stream.linear.gather [hbm4b:s12+s2], $0x200, $0x38;
	[tilespmem:$0x2280] =	vst v63  }
0x4d: {  	_ =	swait.ge [sflag:s5], $0x200  }
0x4e: {  	[sflag:s5] =	ssyncset.done $0x0  }
0x4f: {  	s24 =	rddreg [dreg:$0x5];
	[sflag:s5] =	ssyncadd.s32 $0xFFFFFE00  }
0x50: {  	v4 =	vld [tilespmem:s24+$0x0];
	_ =	sdelay $0x4  }
0x51: {  	(v2sf) =	vpush v4, $0x0;
	_ =	sdelay $0x8  }
0x52: {  	(v2sf) =	vpush v4, $0x1;
	_ =	sdelay $0x5  }
0x53: {  	s25 =	spop (v2sf)  }
0x54: {  	s14 =	sand.u32 $0x7F, s25  }
0x55: {  	s13 =	sshra.s32 s25, $0x1F;
	p2 =	slt.s32 s25, $0x1;
	p3 =	sne.s32 s14, $0x0  }
0x56: {  	s13 =	sshrl.u32 s13, $0x19;
	p2 =	por !p2, !p3  }
0x57: {  	s16 =	simm.s32 $0x1;
	s13 =	sadd.s32 s13, s25;
	p2 =	por !p2, !p2  }
0x58: {  	s13 =	sshrl.u32 s13, $0x7;
	s16 =	simm.s32 @!p2 $0x0  }
0x59: {  	s13 =	ssub.s32 s13, s16  }
0x5a: {  	s13 =	sshll.u32 s13, $0x7  }
0x5b: {  	s29 =	ssub.s32 s25, s13;
	s30 =	sand.u32 $0x1FFFFF80, s13  }
0x5c: {  	s26 =	spop (v2sf);
	s12 =	sadd.s32 s3, s30;
	v4 =	vadd.s32 s29, v3  }
0x5d: {  	[tilespmem:s6], [sflag:$0x1] =	stream.strided.gather [hbm4b:s12+s8], $0x2000, s10, s8, $0x38;
	[tilespmem:$0x2280] =	vst v63  }
0x5e: {  	_ =	swait.ge [sflag:s5], $0x2000  }
0x5f: {  	[sflag:s5] =	ssyncset.done $0x0  }
0x60: {  	[sflag:s5] =	ssyncadd.s32 $0xFFFFE000  }
0x61: {  	v4 =	vld.idx.msk [tilespmem:v4+s6+$0x0], $0xffff  }
0x62: {  	v5 =	vadd.s32 s29, v2;
	_ =	sdelay $0x3  }
0x63: {  	[tilespmem:$0x2200] =	vst v4  }
0x64: {  	v4 =	vld.idx.msk [tilespmem:v5+s6+$0x0], $0xffff  }
0x65: {  	v5 =	vadd.s32 s29, v1;
	_ =	sdelay $0x3  }
0x66: {  	[tilespmem:$0x2210] =	vst v4  }
0x67: {  	v4 =	vld.idx.msk [tilespmem:v5+s6+$0x0], $0xffff  }
0x68: {  	v5 =	vadd.s32 s29, v0;
	_ =	sdelay $0x3  }
0x69: {  	[tilespmem:$0x2220] =	vst v4  }
0x6a: {  	s15 =	sand.u32 $0x7F, s26;
	v4 =	vld.idx.msk [tilespmem:v5+s6+$0x0], $0xffff  }
0x6b: {  	p5 =	slt.s32 s26, $0x1;
	s17 =	sshra.s32 s26, $0x1F;
	p6 =	sne.s32 s15, $0x0  }
0x6c: {  	s28 =	sshrl.u32 s17, $0x19;
	p2 =	por !p5, !p6  }
0x6d: {  	s15 =	sadd.s32 s28, s26;
	p2 =	por !p2, !p2;
	s13 =	simm.s32 $0x1  }
0x6e: {  	s15 =	sshrl.u32 s15, $0x7;
	s13 =	simm.s32 @!p2 $0x0  }
0x6f: {  	s31 =	ssub.s32 s15, s13;
	[tilespmem:$0x2230] =	vst v4  }
0x70: {  	[hbm4b:s9+s2] =	stream.linear.scatter [tilespmem:s7], [sflag:$0x1], $0x40, $0x38;
	[tilespmem:$0x2280] =	vst v63  }
0x71: {  	s13 =	sshll.u32 s31, $0x7;
	_ =	swait.ge [sflag:s5], $0x40  }
0x72: {  	s12 =	ssub.s32 s26, s13;
	s13 =	sand.u32 $0x1FFFFF80, s13;
	[sflag:s5] =	ssyncset.done $0x0  }
0x73: {  	s13 =	sadd.s32 s3, s13;
	v4 =	vadd.s32 s12, v3;
	[sflag:s5] =	ssyncadd.s32 $0xFFFFFFC0  }
0x74: {  	[tilespmem:s6], [sflag:$0x1] =	stream.strided.gather [hbm4b:s13+s8], $0x2000, s10, s8, $0x38;
	[tilespmem:$0x2280] =	vst v63  }
0x75: {  	_ =	swait.ge [sflag:s5], $0x2000  }
0x76: {  	[sflag:s5] =	ssyncset.done $0x0  }
0x77: {  	[sflag:s5] =	ssyncadd.s32 $0xFFFFE000  }
0x78: {  	v4 =	vld.idx.msk [tilespmem:v4+s6+$0x0], $0xffff  }
0x79: {  	v5 =	vadd.s32 s12, v2;
	_ =	sdelay $0x3  }
0x7a: {  	[tilespmem:$0x2200] =	vst v4  }
0x7b: {  	v4 =	vld.idx.msk [tilespmem:v5+s6+$0x0], $0xffff  }
0x7c: {  	v5 =	vadd.s32 s12, v1;
	_ =	sdelay $0x3  }
0x7d: {  	[tilespmem:$0x2210] =	vst v4  }
0x7e: {  	v4 =	vld.idx.msk [tilespmem:v5+s6+$0x0], $0xffff  }
0x7f: {  	v5 =	vadd.s32 s12, v0;
	_ =	sdelay $0x3  }
0x80: {  	[tilespmem:$0x2220] =	vst v4  }
0x81: {  	p1 =	sne.s32 s11, $0x1;
	v4 =	vld.idx.msk [tilespmem:v5+s6+$0x0], $0xffff  }
.Ltmp2:
0x82: {  	_ = 	snop;
	(pc) =	sbr.rel @p1 .LBB2_2-.Ltmp2, $2  }
0x83: {  	_ =	sdelay $0x2  }
0x84: {  	s11 =	sadd.s32 $0xFFFFFFFF, s11;
	[tilespmem:$0x2230] =	vst v4  }
.LBB2_3:
0x85: {  	[hbm4b:s4+s2] =	stream.linear.scatter @p0 [tilespmem:s7], [sflag:$0x1], $0x40, $0x38;
	[tilespmem:$0x2280] =	vst v63  }
0x86: {  	_ =	swait.ge @p0 [sflag:s5], $0x40  }
0x87: {  	[sflag:s5] =	ssyncset.done @p0 $0x0  }
0x88: {  	s11 =	rddreg [dreg:$0x4];
	[sflag:s5] =	ssyncadd.s32 @p0 $0xFFFFFFC0  }
0x89: {  	[tilespmem:s2], [sflag:$0x1] =	stream.linear.gather [hbm4b:s11+s2], $0x200, $0x38;
	[tilespmem:$0x2280] =	vst v63  }
0x8a: {  	_ =	swait.ge [sflag:s5], $0x200  }
0x8b: {  	[sflag:s5] =	ssyncset.done $0x0  }
0x8c: {  	s22 =	rddreg [dreg:$0x5];
	[sflag:s5] =	ssyncadd.s32 $0xFFFFFE00  }
0x8d: {  	v4 =	vld [tilespmem:s22+$0x0];
	_ =	sdelay $0x4  }
0x8e: {  	(v2sf) =	vpush v4, $0x0;
	_ =	sdelay $0x8  }
0x8f: {  	(v2sf) =	vpush v4, $0x1;
	_ =	sdelay $0x5  }
0x90: {  	s23 =	spop (v2sf)  }
0x91: {  	s12 =	sand.u32 $0x7F, s23  }
0x92: {  	s13 =	sshra.s32 s23, $0x1F;
	p4 =	slt.s32 s23, $0x1;
	p1 =	sne.s32 s12, $0x0  }
0x93: {  	s24 =	sshrl.u32 s13, $0x19;
	p0 =	por !p4, !p1  }
0x94: {  	s13 =	simm.s32 $0x1;
	s12 =	sadd.s32 s24, s23;
	p0 =	por !p0, !p0  }
0x95: {  	s12 =	sshrl.u32 s12, $0x7;
	s13 =	simm.s32 @!p0 $0x0  }
0x96: {  	s12 =	ssub.s32 s12, s13  }
0x97: {  	s12 =	sshll.u32 s12, $0x7  }
0x98: {  	s11 =	ssub.s32 s23, s12;
	s12 =	sand.u32 $0x1FFFFF80, s12  }
0x99: {  	s25 =	spop (v2sf);
	s12 =	sadd.s32 s3, s12;
	v57 =	vadd.s32 s11, v3  }
0x9a: {  	[tilespmem:s6], [sflag:$0x1] =	stream.strided.gather [hbm4b:s12+s8], $0x2000, s10, s8, $0x38;
	[tilespmem:$0x2280] =	vst v63  }
0x9b: {  	_ =	swait.ge [sflag:s5], $0x2000  }
0x9c: {  	[sflag:s5] =	ssyncset.done $0x0  }
0x9d: {  	[sflag:s5] =	ssyncadd.s32 $0xFFFFE000  }
0x9e: {  	v4 =	vld.idx.msk [tilespmem:v57+s6+$0x0], $0xffff  }
0x9f: {  	v5 =	vadd.s32 s11, v2;
	_ =	sdelay $0x3  }
0xa0: {  	[tilespmem:$0x2200] =	vst v4  }
0xa1: {  	v4 =	vld.idx.msk [tilespmem:v5+s6+$0x0], $0xffff  }
0xa2: {  	v58 =	vadd.s32 s11, v1;
	_ =	sdelay $0x3  }
0xa3: {  	[tilespmem:$0x2210] =	vst v4  }
0xa4: {  	v4 =	vld.idx.msk [tilespmem:v58+s6+$0x0], $0xffff  }
0xa5: {  	v59 =	vadd.s32 s11, v0;
	_ =	sdelay $0x3  }
0xa6: {  	[tilespmem:$0x2220] =	vst v4  }
0xa7: {  	s26 =	sand.u32 $0x7F, s25;
	v4 =	vld.idx.msk [tilespmem:v59+s6+$0x0], $0xffff  }
0xa8: {  	p5 =	slt.s32 s25, $0x1;
	s28 =	sshra.s32 s25, $0x1F;
	p6 =	sne.s32 s26, $0x0  }
0xa9: {  	s29 =	sshrl.u32 s28, $0x19;
	p0 =	por !p5, !p6  }
0xaa: {  	p0 =	por !p0, !p0;
	s11 =	sadd.s32 s29, s25;
	s12 =	simm.s32 $0x1  }
0xab: {  	s11 =	sshrl.u32 s11, $0x7;
	s12 =	simm.s32 @!p0 $0x0  }
0xac: {  	s11 =	ssub.s32 s11, s12;
	[tilespmem:$0x2230] =	vst v4  }
0xad: {  	[hbm4b:s9+s2] =	stream.linear.scatter [tilespmem:s7], [sflag:$0x1], $0x40, $0x38;
	[tilespmem:$0x2280] =	vst v63  }
0xae: {  	s30 =	sshll.u32 s11, $0x7;
	_ =	swait.ge [sflag:s5], $0x40  }
0xaf: {  	s11 =	ssub.s32 s25, s30;
	s9 =	sand.u32 $0x1FFFFF80, s30;
	[sflag:s5] =	ssyncset.done $0x0  }
0xb0: {  	v60 =	vadd.s32 s11, v3;
	s31 =	sadd.s32 s3, s9;
	[sflag:s5] =	ssyncadd.s32 $0xFFFFFFC0  }
0xb1: {  	[tilespmem:s6], [sflag:$0x1] =	stream.strided.gather [hbm4b:s31+s8], $0x2000, s10, s8, $0x38;
	[tilespmem:$0x2280] =	vst v63  }
0xb2: {  	_ =	swait.ge [sflag:s5], $0x2000  }
0xb3: {  	[sflag:s5] =	ssyncset.done $0x0  }
0xb4: {  	[sflag:s5] =	ssyncadd.s32 $0xFFFFE000  }
0xb5: {  	v3 =	vld.idx.msk [tilespmem:v60+s6+$0x0], $0xffff  }
0xb6: {  	v61 =	vadd.s32 s11, v2;
	_ =	sdelay $0x3  }
0xb7: {  	[tilespmem:$0x2200] =	vst v3  }
0xb8: {  	v2 =	vld.idx.msk [tilespmem:v61+s6+$0x0], $0xffff  }
0xb9: {  	v62 =	vadd.s32 s11, v1;
	_ =	sdelay $0x3  }
0xba: {  	[tilespmem:$0x2210] =	vst v2  }
0xbb: {  	v1 =	vld.idx.msk [tilespmem:v62+s6+$0x0], $0xffff  }
0xbc: {  	v63 =	vadd.s32 s11, v0;
	_ =	sdelay $0x3  }
0xbd: {  	[tilespmem:$0x2220] =	vst v1  }
0xbe: {  	v0 =	vld.idx.msk [tilespmem:v63+s6+$0x0], $0xffff;
	_ =	sdelay $0x4  }
0xbf: {  	[tilespmem:$0x2230] =	vst v0  }
0xc0: {  	[hbm4b:s4+s2] =	stream.linear.scatter [tilespmem:s7], [sflag:$0x1], $0x40, $0x38;
	[tilespmem:$0x2280] =	vst v63  }
0xc1: {  	_ =	swait.ge [sflag:s5], $0x40  }
0xc2: {  	[sflag:s5] =	ssyncset.done $0x0  }
0xc3: {  	[sflag:s5] =	ssyncadd.s32 $0xFFFFFFC0  }
0xc4: {  	_ =	sfence.sel $0x180000  }
0xc5: {  	[bflag:$0x0] =	sbarrier.arrive $0xFFFF  }
0xc6: {  	p0 =	sne.s32 s0, $0x0;
	_ =	strace $0x9000004A  }
0xc7: {  	s0 =	sadd.s32 @!p0 $0x100000, s1;
	[bflag:$0x2] =	sbarrier.arrive $0xFFFF  }
0xc8: {  	[sflag:s0] =	ssyncadd.tile.s32 @!p0 $0x1;
	_ =	shalt  }
.Lfunc_end2:
_tile_overlayer_lowered:
.L_overlay_start_2:
0xc9: {  	(tag) =	ssettag $0x2  }
0xca: {  	s0 =	rddreg [dreg:$0x0];
	s2 =	stileid.u32  }
0xcb: {  	s1 =	rddreg [dreg:$0x1];
	p0 =	sne.s32 s2, $0x0  }
0xcc: {  	s3 =	rddreg [dreg:$0x2];
	[bflag:$0x3] =	sbarrier.arrive $0xFFFF;
	s2 =	simm.s32 @!p0 $0x1C01  }
0xcd: {  	[timem:s3], [sflag:s2] =	dma.local @!p0 [hbm:s0], s1  }
0xce: {  	s0 =	simm.s32 @!p0 $0x1  }
0xcf: {  	_ =	swait.ge @!p0 [sflag:s0], s1  }
0xd0: {  	s1 =	ssub.s32 @!p0 $0x0, s1;
	[sflag:s0] =	ssyncset.done @!p0 $0x0  }
0xd1: {  	[sflag:s0] =	ssyncadd.s32 @!p0 s1  }
0xd2: {  	[bflag:$0x3] =	sbarrier.arrive $0xFFFF  }
0xd3: {  	_ =	shalt  }

</sc_bundles>
